<compile_context>
chip_gen: v7x
topology: tpu7x:2x2x1
jax: 0.10.2.dev20260603
libtpu: 0.0.44.dev20260713+nightly
codegen_flags: <defaults>
</compile_context>

<pallas_src>
import math

import jax
import jax.numpy as jnp
from jax import lax
from jax.experimental import pallas as pl
from jax.experimental.pallas import tpu as pltpu
from jax.experimental.pallas import tpu_sc as plsc

N = 10000
E = 320000
D_IN = 128
HID = 16
HEADS = 8
D1 = HEADS * HID
D2 = 64
W1 = D1 + 16
W2 = D2 + 16

_G = 80
_NW = 32
_CPW = E // (_G * _NW)
_RPT = 624
_BN_SCALE = 1.0 / math.sqrt(1.0 + 1e-5)

_BLK = 400


def _tc1_body(x_ref, wl_ref, wr_ref, xl_ref, xr_ref):
    x = x_ref[...]
    xl_ref[...] = jnp.dot(x, wl_ref[...], preferred_element_type=jnp.float32)
    xr_ref[...] = jnp.dot(x, wr_ref[...], preferred_element_type=jnp.float32)


def _tc1(x, wl, wr):
    grid = N // _BLK
    return pl.pallas_call(
        _tc1_body,
        grid=(grid,),
        in_specs=[
            pl.BlockSpec((_BLK, D_IN), lambda i: (i, 0)),
            pl.BlockSpec((D_IN, D1), lambda i: (0, 0)),
            pl.BlockSpec((D_IN, D1), lambda i: (0, 0)),
        ],
        out_specs=[
            pl.BlockSpec((_BLK, D1), lambda i: (i, 0)),
            pl.BlockSpec((_BLK, D1), lambda i: (i, 0)),
        ],
        out_shape=[
            jax.ShapeDtypeStruct((N, D1), jnp.float32),
            jax.ShapeDtypeStruct((N, D1), jnp.float32),
        ],
    )(x, wl, wr)


def _sc1_body(xl_hbm, xr_hbm, src_hbm, dst_hbm, att_hbm,
              acc_out, ex_out,
              idx_s, idx_d, idx_sc, xlrows, xrrows,
              contrib, dencon,
              attv, zb, sem1, sem2, sem5, sem6,
              acc):
    cid = lax.axis_index("c")
    sid = lax.axis_index("s")
    wid = cid * 16 + sid

    pltpu.sync_copy(att_hbm, attv)

    def zb_body(r, c):
        for j in range(D1 // 16):
            zb[r, pl.ds(j * 16, 16)] = jnp.zeros((16,), jnp.float32)
        return c
    lax.fori_loop(0, 16, zb_body, 0)
    base = sid * _RPT

    def zcopy_body(k, c):
        pltpu.sync_copy(zb, acc.at[pl.ds(base + k * 16, 16)])
        return c
    lax.fori_loop(0, 40, zcopy_body, 0)
    plsc.subcore_barrier()

    lane = lax.iota(jnp.int32, 16)
    cbase = wid * _CPW

    def chunk_body(j, c):
        off = (cbase + j) * _G
        pltpu.sync_copy(src_hbm.at[pl.ds(off, _G)], idx_s)
        pltpu.sync_copy(dst_hbm.at[pl.ds(off, _G)], idx_d)
        pltpu.async_copy(xl_hbm.at[idx_s], xlrows, sem1)
        pltpu.async_copy(xr_hbm.at[idx_d], xrrows, sem2)

        @pl.when(j > 0)
        def _drain():
            pltpu.make_async_copy(contrib, acc.at[idx_sc], sem5).wait()
            pltpu.make_async_copy(
                dencon, ex_out.at[pl.ds(cbase * _G, _G)], sem6).wait()

        pltpu.make_async_copy(xl_hbm.at[idx_s], xlrows, sem1).wait()
        pltpu.make_async_copy(xr_hbm.at[idx_d], xrrows, sem2).wait()

        def edge_body(e, c2):
            accw = jnp.zeros((16,), jnp.float32)
            for h in range(HEADS):
                a = xlrows[e, pl.ds(h * 16, 16)]
                b = xrrows[e, pl.ds(h * 16, 16)]
                z = a + b
                lz = jnp.maximum(z, z * 0.2)
                s = jnp.sum(lz * attv[pl.ds(h * 16, 16)])
                ex = jnp.exp(jnp.broadcast_to(s, (16,)))
                contrib[e, pl.ds(h * 16, 16)] = ex * a
                accw = jnp.where(lane == h, ex, accw)
            dencon[e, :] = accw
            return c2
        lax.fori_loop(0, _G, edge_body, 0)

        for i in range(_G // 16):
            idx_sc[pl.ds(i * 16, 16)] = idx_d[pl.ds(i * 16, 16)]
        pltpu.async_copy(contrib, acc.at[idx_sc], sem5, add=True)
        pltpu.async_copy(dencon, ex_out.at[pl.ds(off, _G)], sem6)
        return c
    lax.fori_loop(0, _CPW, chunk_body, 0)

    pltpu.make_async_copy(contrib, acc.at[idx_sc], sem5).wait()
    pltpu.make_async_copy(dencon, ex_out.at[pl.ds(cbase * _G, _G)], sem6).wait()

    plsc.subcore_barrier()
    pltpu.sync_copy(acc.at[pl.ds(base, _RPT)],
                    acc_out.at[cid, pl.ds(base, _RPT)])

    @pl.when(sid == 15)
    def _tail():
        pltpu.sync_copy(acc.at[pl.ds(16 * _RPT, N - 16 * _RPT)],
                        acc_out.at[cid, pl.ds(16 * _RPT, N - 16 * _RPT)])


def _sc1(xl, xr, src, dst, att):
    mesh = plsc.VectorSubcoreMesh(core_axis_name="c", subcore_axis_name="s")
    f = pl.kernel(
        _sc1_body,
        out_type=[
            jax.ShapeDtypeStruct((2, N, D1), jnp.float32),
            jax.ShapeDtypeStruct((E, 16), jnp.float32),
        ],
        mesh=mesh,
        scratch_types=[
            pltpu.VMEM((_G,), jnp.int32),
            pltpu.VMEM((_G,), jnp.int32),
            pltpu.VMEM((_G,), jnp.int32),
            pltpu.VMEM((_G, D1), jnp.float32),
            pltpu.VMEM((_G, D1), jnp.float32),
            pltpu.VMEM((_G, D1), jnp.float32),
            pltpu.VMEM((_G, 16), jnp.float32),
            pltpu.VMEM((D1,), jnp.float32),
            pltpu.VMEM((16, D1), jnp.float32),
            pltpu.SemaphoreType.DMA,
            pltpu.SemaphoreType.DMA,
            pltpu.SemaphoreType.DMA,
            pltpu.SemaphoreType.DMA,
            pltpu.VMEM_SHARED((N, D1), jnp.float32),
        ],
        compiler_params=pltpu.CompilerParams(needs_layout_passes=False),
    )
    return f(xl, xr, src, dst, att)


def _sc2_body(xlr_hbm, src_hbm, dst_hbm, att_hbm,
              acc_out, ex_out,
              idx_s, idx_d, idx_sc, xlrows, xrrows,
              contrib, dencon,
              attv, zb, sem1, sem2, sem5, sem6,
              acc):
    cid = lax.axis_index("c")
    sid = lax.axis_index("s")
    wid = cid * 16 + sid

    pltpu.sync_copy(att_hbm, attv)

    def zb_body(r, c):
        for j in range(D2 // 16):
            zb[r, pl.ds(j * 16, 16)] = jnp.zeros((16,), jnp.float32)
        return c
    lax.fori_loop(0, 16, zb_body, 0)
    base = sid * _RPT

    def zcopy_body(k, c):
        pltpu.sync_copy(zb, acc.at[pl.ds(base + k * 16, 16)])
        return c
    lax.fori_loop(0, 40, zcopy_body, 0)
    plsc.subcore_barrier()

    lane = lax.iota(jnp.int32, 16)
    cbase = wid * _CPW

    def chunk_body(j, c):
        off = (cbase + j) * _G
        pltpu.sync_copy(src_hbm.at[pl.ds(off, _G)], idx_s)
        pltpu.sync_copy(dst_hbm.at[pl.ds(off, _G)], idx_d)
        pltpu.async_copy(xlr_hbm.at[idx_s], xlrows, sem1)
        pltpu.async_copy(xlr_hbm.at[idx_d], xrrows, sem2)

        @pl.when(j > 0)
        def _drain():
            pltpu.make_async_copy(contrib, acc.at[idx_sc], sem5).wait()
            pltpu.make_async_copy(
                dencon, ex_out.at[pl.ds(cbase * _G, _G)], sem6).wait()

        pltpu.make_async_copy(xlr_hbm.at[idx_s], xlrows, sem1).wait()
        pltpu.make_async_copy(xlr_hbm.at[idx_d], xrrows, sem2).wait()

        def edge_body(e, c2):
            avals = []
            tacc = None
            for k4 in range(4):
                a = xlrows[e, pl.ds(k4 * 16, 16)]
                b = xrrows[e, pl.ds(D2 + k4 * 16, 16)]
                avals.append(a)
                z = a + b
                lz = jnp.maximum(z, z * 0.2)
                t = lz * attv[pl.ds(k4 * 16, 16)]
                tacc = t if tacc is None else tacc + t
            s = jnp.sum(tacc)
            ex = jnp.exp(jnp.broadcast_to(s, (16,)))
            for k4 in range(4):
                contrib[e, pl.ds(k4 * 16, 16)] = ex * avals[k4]
            dencon[e, :] = jnp.where(
                lane == 0, ex, jnp.zeros((16,), jnp.float32))
            return c2
        lax.fori_loop(0, _G, edge_body, 0)

        for i in range(_G // 16):
            idx_sc[pl.ds(i * 16, 16)] = idx_d[pl.ds(i * 16, 16)]
        pltpu.async_copy(contrib, acc.at[idx_sc], sem5, add=True)
        pltpu.async_copy(dencon, ex_out.at[pl.ds(off, _G)], sem6)
        return c
    lax.fori_loop(0, _CPW, chunk_body, 0)

    pltpu.make_async_copy(contrib, acc.at[idx_sc], sem5).wait()
    pltpu.make_async_copy(dencon, ex_out.at[pl.ds(cbase * _G, _G)], sem6).wait()

    plsc.subcore_barrier()
    pltpu.sync_copy(acc.at[pl.ds(base, _RPT)],
                    acc_out.at[cid, pl.ds(base, _RPT)])

    @pl.when(sid == 15)
    def _tail():
        pltpu.sync_copy(acc.at[pl.ds(16 * _RPT, N - 16 * _RPT)],
                        acc_out.at[cid, pl.ds(16 * _RPT, N - 16 * _RPT)])


def _sc2(xlr, src, dst, att):
    mesh = plsc.VectorSubcoreMesh(core_axis_name="c", subcore_axis_name="s")
    f = pl.kernel(
        _sc2_body,
        out_type=[
            jax.ShapeDtypeStruct((2, N, D2), jnp.float32),
            jax.ShapeDtypeStruct((E, 16), jnp.float32),
        ],
        mesh=mesh,
        scratch_types=[
            pltpu.VMEM((_G,), jnp.int32),
            pltpu.VMEM((_G,), jnp.int32),
            pltpu.VMEM((_G,), jnp.int32),
            pltpu.VMEM((_G, D1), jnp.float32),
            pltpu.VMEM((_G, D1), jnp.float32),
            pltpu.VMEM((_G, D2), jnp.float32),
            pltpu.VMEM((_G, 16), jnp.float32),
            pltpu.VMEM((D2,), jnp.float32),
            pltpu.VMEM((16, D2), jnp.float32),
            pltpu.SemaphoreType.DMA,
            pltpu.SemaphoreType.DMA,
            pltpu.SemaphoreType.DMA,
            pltpu.SemaphoreType.DMA,
            pltpu.VMEM_SHARED((N, D2), jnp.float32),
        ],
        compiler_params=pltpu.CompilerParams(needs_layout_passes=False),
    )
    return f(xlr, src, dst, att)




def _scden_body(ex_hbm, dst_hbm, den_out,
                idx_d, exrows, zb, acc):
    cid = lax.axis_index("c")
    sid = lax.axis_index("s")
    wid = cid * 16 + sid

    def zb_body(r, c):
        zb[r, :] = jnp.zeros((16,), jnp.float32)
        return c
    lax.fori_loop(0, 16, zb_body, 0)
    base = sid * _RPT

    def zcopy_body(k, c):
        pltpu.sync_copy(zb, acc.at[pl.ds(base + k * 16, 16)])
        return c
    lax.fori_loop(0, 40, zcopy_body, 0)
    plsc.subcore_barrier()

    def chunk_body(j, c):
        off = (wid * _CPW + j) * _G
        pltpu.sync_copy(dst_hbm.at[pl.ds(off, _G)], idx_d)
        pltpu.sync_copy(ex_hbm.at[pl.ds(off, _G)], exrows)
        pltpu.sync_copy(exrows, acc.at[idx_d], add=True)
        return c
    lax.fori_loop(0, _CPW, chunk_body, 0)

    plsc.subcore_barrier()
    pltpu.sync_copy(acc.at[pl.ds(base, _RPT)],
                    den_out.at[cid, pl.ds(base, _RPT)])

    @pl.when(sid == 15)
    def _tail():
        pltpu.sync_copy(acc.at[pl.ds(16 * _RPT, N - 16 * _RPT)],
                        den_out.at[cid, pl.ds(16 * _RPT, N - 16 * _RPT)])


def _scden(exbuf, dst):
    mesh = plsc.VectorSubcoreMesh(core_axis_name="c", subcore_axis_name="s")
    f = pl.kernel(
        _scden_body,
        out_type=jax.ShapeDtypeStruct((2, N, 16), jnp.float32),
        mesh=mesh,
        scratch_types=[
            pltpu.VMEM((_G,), jnp.int32),
            pltpu.VMEM((_G, 16), jnp.float32),
            pltpu.VMEM((16, 16), jnp.float32),
            pltpu.VMEM_SHARED((N, 16), jnp.float32),
        ],
        compiler_params=pltpu.CompilerParams(needs_layout_passes=False),
    )
    return f(exbuf, dst)

def _tc2_body(xl_ref, xr_ref, num_ref, den_ref, att_ref, s16_ref, x16_ref,
              b1_ref, g1_ref, be1_ref, w2_ref,
              xlr2_ref):
    xl = xl_ref[...]
    xr = xr_ref[...]
    z = xl + xr
    lz = jnp.maximum(z, z * 0.2)
    t = lz * att_ref[...]
    alpha = jnp.dot(t, s16_ref[...], preferred_element_type=jnp.float32)
    exs = jnp.exp(alpha)
    den = den_ref[0] + den_ref[1] + exs
    exbig = jnp.dot(exs, x16_ref[...], preferred_element_type=jnp.float32)
    num = num_ref[0] + num_ref[1] + xl * exbig
    rbig = jnp.dot(1.0 / den, x16_ref[...], preferred_element_type=jnp.float32)
    h = num * rbig + b1_ref[...]
    h = h * (g1_ref[...] * _BN_SCALE) + be1_ref[...]
    h = jnp.where(h > 0, h, jnp.exp(jnp.minimum(h, 0.0)) - 1.0)
    xlr2_ref[...] = jnp.dot(h, w2_ref[...], preferred_element_type=jnp.float32)


def _tc2(xl1, xr1, num1, den1, att1row, s16, x16, b1, g1, be1, w2cat):
    grid = N // _BLK
    return pl.pallas_call(
        _tc2_body,
        grid=(grid,),
        in_specs=[
            pl.BlockSpec((_BLK, D1), lambda i: (i, 0)),
            pl.BlockSpec((_BLK, D1), lambda i: (i, 0)),
            pl.BlockSpec((2, _BLK, D1), lambda i: (0, i, 0)),
            pl.BlockSpec((2, _BLK, 16), lambda i: (0, i, 0)),
            pl.BlockSpec((1, D1), lambda i: (0, 0)),
            pl.BlockSpec((D1, 16), lambda i: (0, 0)),
            pl.BlockSpec((16, D1), lambda i: (0, 0)),
            pl.BlockSpec((1, D1), lambda i: (0, 0)),
            pl.BlockSpec((1, D1), lambda i: (0, 0)),
            pl.BlockSpec((1, D1), lambda i: (0, 0)),
            pl.BlockSpec((D1, D1), lambda i: (0, 0)),
        ],
        out_specs=pl.BlockSpec((_BLK, D1), lambda i: (i, 0)),
        out_shape=jax.ShapeDtypeStruct((N, D1), jnp.float32),
    )(xl1, xr1, num1, den1, att1row, s16, x16, b1, g1, be1, w2cat)


def _tc3_body(xlr_ref, num_ref, den_ref, att_ref,
              b2_ref, g2_ref, be2_ref, out_ref):
    xl = xlr_ref[:, :D2]
    xr = xlr_ref[:, D2:]
    z = xl + xr
    lz = jnp.maximum(z, z * 0.2)
    asel = jnp.sum(lz * att_ref[...], axis=1, keepdims=True)
    exs = jnp.exp(asel)
    den = jnp.sum(den_ref[0] + den_ref[1], axis=1, keepdims=True) + exs
    num = num_ref[0] + num_ref[1] + xl * exs
    h = num / den + b2_ref[...]
    h = h * (g2_ref[...] * _BN_SCALE) + be2_ref[...]
    m = jnp.max(h, axis=1, keepdims=True)
    lse = jnp.log(jnp.sum(jnp.exp(h - m), axis=1, keepdims=True)) + m
    out_ref[...] = h - lse


def _tc3(xlr2, num2, den2, att2row, b2, g2, be2):
    grid = N // _BLK
    return pl.pallas_call(
        _tc3_body,
        grid=(grid,),
        in_specs=[
            pl.BlockSpec((_BLK, D1), lambda i: (i, 0)),
            pl.BlockSpec((2, _BLK, D2), lambda i: (0, i, 0)),
            pl.BlockSpec((2, _BLK, 16), lambda i: (0, i, 0)),
            pl.BlockSpec((1, D2), lambda i: (0, 0)),
            pl.BlockSpec((1, D2), lambda i: (0, 0)),
            pl.BlockSpec((1, D2), lambda i: (0, 0)),
            pl.BlockSpec((1, D2), lambda i: (0, 0)),
        ],
        out_specs=pl.BlockSpec((_BLK, D2), lambda i: (i, 0)),
        out_shape=jax.ShapeDtypeStruct((N, D2), jnp.float32),
    )(xlr2, num2, den2, att2row, b2, g2, be2)


def kernel(x, edge_index, W1_l, W1_r, att1, b1, g1, be1,
           W2_l, W2_r, att2, b2, g2, be2):
    src = edge_index[0]
    dst = edge_index[1]

    xl1, xr1 = _tc1(x, W1_l, W1_r)
    num1, ex1 = _sc1(xl1, xr1, src, dst, att1.reshape(D1))
    den1 = _scden(ex1, dst)

    att1row = att1.reshape(1, D1)
    s16 = (jnp.arange(D1)[:, None] // HID == jnp.arange(16)[None, :]) \
        .astype(jnp.float32)
    x16 = s16.T
    w2cat = jnp.concatenate([W2_l, W2_r], axis=1)
    xlr2 = _tc2(xl1, xr1, num1, den1, att1row, s16, x16,
                b1.reshape(1, D1), g1.reshape(1, D1), be1.reshape(1, D1),
                w2cat)

    num2, ex2 = _sc2(xlr2, src, dst, att2.reshape(D2))
    den2 = _scden(ex2, dst)
    out = _tc3(xlr2, num2, den2, att2.reshape(1, D2),
               b2.reshape(1, D2), g2.reshape(1, D2), be2.reshape(1, D2))
    return out

# --- scband reference (transcript-rebuilt; emitter-appended) ---
"""Pipeline reference for scband-gat-17257178595905 (READ-ONLY COPY).

The authoritative reference and input builder live on the scoring server;
editing this copy changes nothing except your own understanding.
"""

import jax, jax.numpy as jnp
import numpy as np

N = 10000
E = 320000
D_IN = 128
HID = 16
HEADS = 8
D_OUT = 64


def _gatv2(x, src, dst, Wl, Wr, att, b, H, C, concat, n):
    xl = (x @ Wl).reshape(n, H, C)
    xr = (x @ Wr).reshape(n, H, C)
    e = jax.nn.leaky_relu(xl[src] + xr[dst], 0.2)
    alpha = (e * att[None, :, :]).sum(-1)  # [E, H]
    amax = jax.ops.segment_max(alpha, dst, num_segments=n)
    ex = jnp.exp(alpha - amax[dst])
    den = jax.ops.segment_sum(ex, dst, num_segments=n)
    a = ex / (den[dst] + 1e-16)
    out = jax.ops.segment_sum(xl[src] * a[..., None], dst, num_segments=n)
    if concat:
        out = out.reshape(n, H * C)
    else:
        out = out.mean(axis=1)
    return out + b


def _bn_eval(x, g, b):
    # eval-mode BatchNorm1d with running_mean=0, running_var=1
    return (x - 0.0) / jnp.sqrt(1.0 + 1e-5) * g + b


def setup_inputs(seed: int = 0):
    key = jax.random.key(seed)
    ks = jax.random.split(key, 12)
    x = jax.random.normal(ks[0], (N, D_IN), dtype=jnp.float32)
    edge_index = jax.random.randint(ks[1], (2, E), 0, N, dtype=jnp.int32)
    s = lambda f: 1.0 / np.sqrt(f)
    W1_l = jax.random.normal(ks[2], (D_IN, HEADS * HID), jnp.float32) * s(D_IN)
    W1_r = jax.random.normal(ks[3], (D_IN, HEADS * HID), jnp.float32) * s(D_IN)
    att1 = jax.random.normal(ks[4], (HEADS, HID), jnp.float32) * s(HID)
    b1 = jnp.zeros((HEADS * HID,), jnp.float32)
    g1 = jnp.ones((HEADS * HID,), jnp.float32)
    be1 = jnp.zeros((HEADS * HID,), jnp.float32)
    W2_l = jax.random.normal(ks[5], (HEADS * HID, D_OUT), jnp.float32) * s(HEADS * HID)
    W2_r = jax.random.normal(ks[6], (HEADS * HID, D_OUT), jnp.float32) * s(HEADS * HID)
    att2 = jax.random.normal(ks[7], (1, D_OUT), jnp.float32) * s(D_OUT)
    b2 = jnp.zeros((D_OUT,), jnp.float32)
    g2 = jnp.ones((D_OUT,), jnp.float32)
    be2 = jnp.zeros((D_OUT,), jnp.float32)
    return {"x": x, "edge_index": edge_index, "W1_l": W1_l, "W1_r": W1_r,
            "att1": att1, "b1": b1, "g1": g1, "be1": be1,
            "W2_l": W2_l, "W2_r": W2_r, "att2": att2, "b2": b2,
            "g2": g2, "be2": be2}


def reference(x, edge_index, W1_l, W1_r, att1, b1, g1, be1, W2_l, W2_r, att2, b2, g2, be2):
    n = x.shape[0]
    loops = jnp.arange(n, dtype=edge_index.dtype)
    src = jnp.concatenate([edge_index[0], loops])
    dst = jnp.concatenate([edge_index[1], loops])
    h = _gatv2(x, src, dst, W1_l, W1_r, att1, b1, HEADS, HID, True, n)
    h = _bn_eval(h, g1, be1)
    h = jax.nn.elu(h)
    h = _gatv2(h, src, dst, W2_l, W2_r, att2, b2, 1, D_OUT, False, n)
    h = _bn_eval(h, g2, be2)
    return jax.nn.log_softmax(h, axis=1)

if __name__ == "__main__":
    import jax
    _d = setup_inputs()
    print(jax.jit(kernel)(*tuple(_d.values())))

</pallas_src>

<mosaic_0001>
#map = affine_map<(d0, d1) -> (0, 0)>
#map1 = affine_map<(d0, d1) -> (0)>
#map2 = affine_map<(d0, d1) -> (0, 0, 0)>
module attributes {stable_mosaic.version = 14 : i64} {
  func.func @_scden_body(%arg0: i32, %arg1: i32, %arg2: memref<320000x16xf32, #tpu.memory_space<hbm>>, %arg3: memref<320000xi32, #tpu.memory_space<hbm>>, %arg4: memref<2x10000x16xf32, #tpu.memory_space<hbm>>, %arg5: memref<80xi32, #tpu.memory_space<vmem>>, %arg6: memref<80x16xf32, #tpu.memory_space<vmem>>, %arg7: memref<16x16xf32, #tpu.memory_space<vmem>>, %arg8: memref<10000x16xf32, #tpu.memory_space<vmem_shared>>) attributes {dimension_semantics = [#tpu.dimension_semantics<core_parallel>, #tpu.dimension_semantics<subcore_parallel>], iteration_bounds = array<i64: 2, 16>, scalar_prefetch = 0 : i64, scratch_operands = 4 : i64, tpu.core_type = #tpu.core_type<sc_vector_subcore>, window_params = [{transform_indices = #map}, {transform_indices = #map1}, {transform_indices = #map2}]} {
    %mul3A = arith.constant 16 : i32
    %mul3A_0 = arith.muli %arg0, %mul3A : i32
    %add3A = arith.addi %mul3A_0, %arg1 : i32
    %scan3A = arith.constant 0 : i32
    %scan3A_1 = arith.constant 0 : i32
    %scan3A_2 = arith.constant 16 : i32
    %scan3A_3 = arith.addi %scan3A_1, %scan3A_2 : i32
    %scan3A_4 = arith.constant 1 : i32
    scf.for %scan3A_23 = %scan3A_1 to %scan3A_3 step %scan3A_4  : i32 {
      %broadcast_in_dim3A = arith.constant 0.000000e+00 : f32
      %broadcast_in_dim3A_24 = vector.broadcast %broadcast_in_dim3A : f32 to vector<16xf32>
      %swap3A = arith.index_cast %scan3A_23 : i32 to index
      %swap3A_25 = arith.constant 0 : index
      %swap3A_26 = tpu.vector_load %arg7[%swap3A, %swap3A_25] {strides = array<i32>} : memref<16x16xf32, #tpu.memory_space<vmem>>, vector<16xf32>,
      tpu.vector_store %arg7[%swap3A, %swap3A_25], %broadcast_in_dim3A_24 {strides = array<i32>} : memref<16x16xf32, #tpu.memory_space<vmem>>, vector<16xf32>,
    }
    %scan3A_5 = arith.constant 16 : i32
    %mul3A_6 = arith.constant 624 : i32
    %mul3A_7 = arith.muli %arg1, %mul3A_6 : i32
    %scan3A_8 = arith.constant 0 : i32
    %scan3A_9 = arith.constant 0 : i32
    %scan3A_10 = arith.constant 40 : i32
    %scan3A_11 = arith.addi %scan3A_9, %scan3A_10 : i32
    %scan3A_12 = arith.constant 1 : i32
    scf.for %scan3A_23 = %scan3A_9 to %scan3A_11 step %scan3A_12  : i32 {
      %mul3A_24 = arith.constant 16 : i32
      %mul3A_25 = arith.muli %scan3A_23, %mul3A_24 : i32
      %add3A_26 = arith.addi %mul3A_7, %mul3A_25 : i32
      "tpu.region"() ({
        %run_scoped3A = tpu.sem_alloc : memref<!tpu.dma_semaphore, #tpu.memory_space<semaphore_mem>>
        %dma_start3A = arith.constant 0 : i32
        %dma_start3A_27 = tpu.memref_slice %arg8[%add3A_26, %dma_start3A] : memref<10000x16xf32, #tpu.memory_space<vmem_shared>> -> memref<16x16xf32, #tpu.memory_space<vmem_shared>>
        %dma_start3A_28 = arith.constant 0 : i32
        %dma_start3A_29 = tpu.memref_slice %arg8[%add3A_26, %dma_start3A_28] : memref<10000x16xf32, #tpu.memory_space<vmem_shared>> -> memref<16x16xf32, #tpu.memory_space<vmem_shared>>
        tpu.enqueue_dma source(%arg7 : memref<16x16xf32, #tpu.memory_space<vmem>>) target(%dma_start3A_29 : memref<16x16xf32, #tpu.memory_space<vmem_shared>>) target_semaphore(%run_scoped3A : memref<!tpu.dma_semaphore, #tpu.memory_space<semaphore_mem>>)
        %dma_wait3A = arith.constant 0 : i32
        %dma_wait3A_30 = tpu.memref_slice %arg8[%add3A_26, %dma_wait3A] : memref<10000x16xf32, #tpu.memory_space<vmem_shared>> -> memref<16x16xf32, #tpu.memory_space<vmem_shared>>
        %dma_wait3A_31 = arith.constant 0 : i32
        %dma_wait3A_32 = tpu.memref_slice %arg8[%add3A_26, %dma_wait3A_31] : memref<10000x16xf32, #tpu.memory_space<vmem_shared>> -> memref<16x16xf32, #tpu.memory_space<vmem_shared>>
        tpu.wait_dma2 semaphore(%run_scoped3A : memref<!tpu.dma_semaphore, #tpu.memory_space<semaphore_mem>>) src(%arg7 : memref<16x16xf32, #tpu.memory_space<vmem>>) dst(%dma_wait3A_32 : memref<16x16xf32, #tpu.memory_space<vmem_shared>>)
        tpu.yield
      }) : () -> ()
    }
    %scan3A_13 = arith.constant 40 : i32
    %barrier3A = arith.constant 0 : index
    tpu.barrier barrier_id(%barrier3A)
    %scan3A_14 = arith.constant 0 : i32
    %scan3A_15 = arith.constant 0 : i32
    %scan3A_16 = arith.constant 125 : i32
    %scan3A_17 = arith.addi %scan3A_15, %scan3A_16 : i32
    %scan3A_18 = arith.constant 1 : i32
    scf.for %scan3A_23 = %scan3A_15 to %scan3A_17 step %scan3A_18  : i32 {
      %mul3A_24 = arith.constant 125 : i32
      %mul3A_25 = arith.muli %add3A, %mul3A_24 : i32
      %add3A_26 = arith.addi %mul3A_25, %scan3A_23 : i32
      %mul3A_27 = arith.constant 80 : i32
      %mul3A_28 = arith.muli %add3A_26, %mul3A_27 : i32
      "tpu.region"() ({
        %run_scoped3A = tpu.sem_alloc : memref<!tpu.dma_semaphore, #tpu.memory_space<semaphore_mem>>
        %dma_start3A = tpu.memref_slice %arg3[%mul3A_28] : memref<320000xi32, #tpu.memory_space<hbm>> -> memref<80xi32, #tpu.memory_space<hbm>>
        %dma_start3A_29 = tpu.memref_slice %arg3[%mul3A_28] : memref<320000xi32, #tpu.memory_space<hbm>> -> memref<80xi32, #tpu.memory_space<hbm>>
        tpu.enqueue_dma source(%dma_start3A_29 : memref<80xi32, #tpu.memory_space<hbm>>) target(%arg5 : memref<80xi32, #tpu.memory_space<vmem>>) target_semaphore(%run_scoped3A : memref<!tpu.dma_semaphore, #tpu.memory_space<semaphore_mem>>)
        %dma_wait3A = tpu.memref_slice %arg3[%mul3A_28] : memref<320000xi32, #tpu.memory_space<hbm>> -> memref<80xi32, #tpu.memory_space<hbm>>
        %dma_wait3A_30 = tpu.memref_slice %arg3[%mul3A_28] : memref<320000xi32, #tpu.memory_space<hbm>> -> memref<80xi32, #tpu.memory_space<hbm>>
        tpu.wait_dma2 semaphore(%run_scoped3A : memref<!tpu.dma_semaphore, #tpu.memory_space<semaphore_mem>>) src(%dma_wait3A_30 : memref<80xi32, #tpu.memory_space<hbm>>) dst(%arg5 : memref<80xi32, #tpu.memory_space<vmem>>)
        tpu.yield
      }) : () -> ()
      "tpu.region"() ({
        %run_scoped3A = tpu.sem_alloc : memref<!tpu.dma_semaphore, #tpu.memory_space<semaphore_mem>>
        %dma_start3A = arith.constant 0 : i32
        %dma_start3A_29 = tpu.memref_slice %arg2[%mul3A_28, %dma_start3A] : memref<320000x16xf32, #tpu.memory_space<hbm>> -> memref<80x16xf32, #tpu.memory_space<hbm>>
        %dma_start3A_30 = arith.constant 0 : i32
        %dma_start3A_31 = tpu.memref_slice %arg2[%mul3A_28, %dma_start3A_30] : memref<320000x16xf32, #tpu.memory_space<hbm>> -> memref<80x16xf32, #tpu.memory_space<hbm>>
        tpu.enqueue_dma source(%dma_start3A_31 : memref<80x16xf32, #tpu.memory_space<hbm>>) target(%arg6 : memref<80x16xf32, #tpu.memory_space<vmem>>) target_semaphore(%run_scoped3A : memref<!tpu.dma_semaphore, #tpu.memory_space<semaphore_mem>>)
        %dma_wait3A = arith.constant 0 : i32
        %dma_wait3A_32 = tpu.memref_slice %arg2[%mul3A_28, %dma_wait3A] : memref<320000x16xf32, #tpu.memory_space<hbm>> -> memref<80x16xf32, #tpu.memory_space<hbm>>
        %dma_wait3A_33 = arith.constant 0 : i32
        %dma_wait3A_34 = tpu.memref_slice %arg2[%mul3A_28, %dma_wait3A_33] : memref<320000x16xf32, #tpu.memory_space<hbm>> -> memref<80x16xf32, #tpu.memory_space<hbm>>
        tpu.wait_dma2 semaphore(%run_scoped3A : memref<!tpu.dma_semaphore, #tpu.memory_space<semaphore_mem>>) src(%dma_wait3A_34 : memref<80x16xf32, #tpu.memory_space<hbm>>) dst(%arg6 : memref<80x16xf32, #tpu.memory_space<vmem>>)
        tpu.yield
      }) : () -> ()
      "tpu.region"() ({
        %run_scoped3A = tpu.sem_alloc : memref<!tpu.dma_semaphore, #tpu.memory_space<semaphore_mem>>
        %dma_start3A = arith.constant 0 : i32
        %dma_start3A_29 = arith.constant 0 : i32
        %dma_start3A_30 = tpu.memref_slice %arg8[%dma_start3A, %dma_start3A_29] : memref<10000x16xf32, #tpu.memory_space<vmem_shared>> -> memref<10000x16xf32, #tpu.memory_space<vmem_shared>>
        tpu.enqueue_indirect_dma source(%arg6 : memref<80x16xf32, #tpu.memory_space<vmem>>) target(%dma_start3A_30 : memref<10000x16xf32, #tpu.memory_space<vmem_shared>>) offsets(%arg5 : memref<80xi32, #tpu.memory_space<vmem>>) semaphore(%run_scoped3A : memref<!tpu.dma_semaphore, #tpu.memory_space<semaphore_mem>>) {add = true}
        %dma_wait3A = arith.constant 0 : i32
        %dma_wait3A_31 = arith.constant 0 : i32
        %dma_wait3A_32 = tpu.memref_slice %arg8[%dma_wait3A, %dma_wait3A_31] : memref<10000x16xf32, #tpu.memory_space<vmem_shared>> -> memref<10000x16xf32, #tpu.memory_space<vmem_shared>>
        tpu.wait_indirect_dma semaphore(%run_scoped3A : memref<!tpu.dma_semaphore, #tpu.memory_space<semaphore_mem>>) src(%arg6 : memref<80x16xf32, #tpu.memory_space<vmem>>) dst(%dma_wait3A_32 : memref<10000x16xf32, #tpu.memory_space<vmem_shared>>)
        tpu.yield
      }) : () -> ()
    }
    %scan3A_19 = arith.constant 125 : i32
    %barrier3A_20 = arith.constant 0 : index
    tpu.barrier barrier_id(%barrier3A_20)
    "tpu.region"() ({
      %run_scoped3A = tpu.sem_alloc : memref<!tpu.dma_semaphore, #tpu.memory_space<semaphore_mem>>
      %dma_start3A = arith.constant 0 : i32
      %dma_start3A_23 = tpu.memref_slice %arg4[%arg0, %mul3A_7, %dma_start3A] : memref<2x10000x16xf32, #tpu.memory_space<hbm>> -> memref<1x624x16xf32, #tpu.memory_space<hbm>>
      %dma_start3A_24 = tpu.memref_squeeze %dma_start3A_23 : memref<1x624x16xf32, #tpu.memory_space<hbm>> -> memref<624x16xf32, #tpu.memory_space<hbm>>
      %dma_start3A_25 = arith.constant 0 : i32
      %dma_start3A_26 = tpu.memref_slice %arg8[%mul3A_7, %dma_start3A_25] : memref<10000x16xf32, #tpu.memory_space<vmem_shared>> -> memref<624x16xf32, #tpu.memory_space<vmem_shared>>
      tpu.enqueue_dma source(%dma_start3A_26 : memref<624x16xf32, #tpu.memory_space<vmem_shared>>) target(%dma_start3A_24 : memref<624x16xf32, #tpu.memory_space<hbm>>) target_semaphore(%run_scoped3A : memref<!tpu.dma_semaphore, #tpu.memory_space<semaphore_mem>>)
      %dma_wait3A = arith.constant 0 : i32
      %dma_wait3A_27 = tpu.memref_slice %arg4[%arg0, %mul3A_7, %dma_wait3A] : memref<2x10000x16xf32, #tpu.memory_space<hbm>> -> memref<1x624x16xf32, #tpu.memory_space<hbm>>
      %dma_wait3A_28 = tpu.memref_squeeze %dma_wait3A_27 : memref<1x624x16xf32, #tpu.memory_space<hbm>> -> memref<624x16xf32, #tpu.memory_space<hbm>>
      %dma_wait3A_29 = arith.constant 0 : i32
      %dma_wait3A_30 = tpu.memref_slice %arg8[%mul3A_7, %dma_wait3A_29] : memref<10000x16xf32, #tpu.memory_space<vmem_shared>> -> memref<624x16xf32, #tpu.memory_space<vmem_shared>>
      tpu.wait_dma2 semaphore(%run_scoped3A : memref<!tpu.dma_semaphore, #tpu.memory_space<semaphore_mem>>) src(%dma_wait3A_30 : memref<624x16xf32, #tpu.memory_space<vmem_shared>>) dst(%dma_wait3A_28 : memref<624x16xf32, #tpu.memory_space<hbm>>)
      tpu.yield
    }) : () -> ()
    %eq3A = arith.constant 15 : i32
    %eq3A_21 = arith.cmpi eq, %arg1, %eq3A : i32
    %convert_element_type3A = arith.extui %eq3A_21 : i1 to i32
    %cond3A = arith.constant 0 : i32
    %cond3A_22 = arith.cmpi ne, %convert_element_type3A, %cond3A : i32
    scf.if %cond3A_22 {
      "tpu.region"() ({
        %run_scoped3A = tpu.sem_alloc : memref<!tpu.dma_semaphore, #tpu.memory_space<semaphore_mem>>
        %dma_start3A = arith.constant 9984 : i32
        %dma_start3A_23 = arith.constant 0 : i32
        %dma_start3A_24 = tpu.memref_slice %arg4[%arg0, %dma_start3A, %dma_start3A_23] : memref<2x10000x16xf32, #tpu.memory_space<hbm>> -> memref<1x16x16xf32, #tpu.memory_space<hbm>>
        %dma_start3A_25 = tpu.memref_squeeze %dma_start3A_24 : memref<1x16x16xf32, #tpu.memory_space<hbm>> -> memref<16x16xf32, #tpu.memory_space<hbm>>
        %dma_start3A_26 = arith.constant 9984 : i32
        %dma_start3A_27 = arith.constant 0 : i32
        %dma_start3A_28 = tpu.memref_slice %arg8[%dma_start3A_26, %dma_start3A_27] : memref<10000x16xf32, #tpu.memory_space<vmem_shared>> -> memref<16x16xf32, #tpu.memory_space<vmem_shared>>
        tpu.enqueue_dma source(%dma_start3A_28 : memref<16x16xf32, #tpu.memory_space<vmem_shared>>) target(%dma_start3A_25 : memref<16x16xf32, #tpu.memory_space<hbm>>) target_semaphore(%run_scoped3A : memref<!tpu.dma_semaphore, #tpu.memory_space<semaphore_mem>>)
        %dma_wait3A = arith.constant 9984 : i32
        %dma_wait3A_29 = arith.constant 0 : i32
        %dma_wait3A_30 = tpu.memref_slice %arg4[%arg0, %dma_wait3A, %dma_wait3A_29] : memref<2x10000x16xf32, #tpu.memory_space<hbm>> -> memref<1x16x16xf32, #tpu.memory_space<hbm>>
        %dma_wait3A_31 = tpu.memref_squeeze %dma_wait3A_30 : memref<1x16x16xf32, #tpu.memory_space<hbm>> -> memref<16x16xf32, #tpu.memory_space<hbm>>
        %dma_wait3A_32 = arith.constant 9984 : i32
        %dma_wait3A_33 = arith.constant 0 : i32
        %dma_wait3A_34 = tpu.memref_slice %arg8[%dma_wait3A_32, %dma_wait3A_33] : memref<10000x16xf32, #tpu.memory_space<vmem_shared>> -> memref<16x16xf32, #tpu.memory_space<vmem_shared>>
        tpu.wait_dma2 semaphore(%run_scoped3A : memref<!tpu.dma_semaphore, #tpu.memory_space<semaphore_mem>>) src(%dma_wait3A_34 : memref<16x16xf32, #tpu.memory_space<vmem_shared>>) dst(%dma_wait3A_31 : memref<16x16xf32, #tpu.memory_space<hbm>>)
        tpu.yield
      }) : () -> ()
    } else {
    }
    return
  }
}

#map = affine_map<(d0, d1) -> (0, 0)>
#map1 = affine_map<(d0, d1) -> (0)>
#map2 = affine_map<(d0, d1) -> (0, 0, 0)>
module attributes {stable_mosaic.version = 14 : i64} {
  func.func @_sc1_body(%arg0: i32, %arg1: i32, %arg2: memref<10000x128xf32, #tpu.memory_space<hbm>>, %arg3: memref<10000x128xf32, #tpu.memory_space<hbm>>, %arg4: memref<320000xi32, #tpu.memory_space<hbm>>, %arg5: memref<320000xi32, #tpu.memory_space<hbm>>, %arg6: memref<128xf32, #tpu.memory_space<hbm>>, %arg7: memref<2x10000x128xf32, #tpu.memory_space<hbm>>, %arg8: memref<320000x16xf32, #tpu.memory_space<hbm>>, %arg9: memref<80xi32, #tpu.memory_space<vmem>>, %arg10: memref<80xi32, #tpu.memory_space<vmem>>, %arg11: memref<80xi32, #tpu.memory_space<vmem>>, %arg12: memref<80x128xf32, #tpu.memory_space<vmem>>, %arg13: memref<80x128xf32, #tpu.memory_space<vmem>>, %arg14: memref<80x128xf32, #tpu.memory_space<vmem>>, %arg15: memref<80x16xf32, #tpu.memory_space<vmem>>, %arg16: memref<128xf32, #tpu.memory_space<vmem>>, %arg17: memref<16x128xf32, #tpu.memory_space<vmem>>, %arg18: memref<!tpu.dma_semaphore, #tpu.memory_space<semaphore_mem>>, %arg19: memref<!tpu.dma_semaphore, #tpu.memory_space<semaphore_mem>>, %arg20: memref<!tpu.dma_semaphore, #tpu.memory_space<semaphore_mem>>, %arg21: memref<!tpu.dma_semaphore, #tpu.memory_space<semaphore_mem>>, %arg22: memref<10000x128xf32, #tpu.memory_space<vmem_shared>>) attributes {dimension_semantics = [#tpu.dimension_semantics<core_parallel>, #tpu.dimension_semantics<subcore_parallel>], iteration_bounds = array<i64: 2, 16>, scalar_prefetch = 0 : i64, scratch_operands = 14 : i64, tpu.core_type = #tpu.core_type<sc_vector_subcore>, window_params = [{transform_indices = #map}, {transform_indices = #map}, {transform_indices = #map1}, {transform_indices = #map1}, {transform_indices = #map1}, {transform_indices = #map2}, {transform_indices = #map}]} {
    %mul3A = arith.constant 16 : i32
    %mul3A_0 = arith.muli %arg0, %mul3A : i32
    %add3A = arith.addi %mul3A_0, %arg1 : i32
    "tpu.region"() ({
      %run_scoped3A = tpu.sem_alloc : memref<!tpu.dma_semaphore, #tpu.memory_space<semaphore_mem>>
      tpu.enqueue_dma source(%arg6 : memref<128xf32, #tpu.memory_space<hbm>>) target(%arg16 : memref<128xf32, #tpu.memory_space<vmem>>) target_semaphore(%run_scoped3A : memref<!tpu.dma_semaphore, #tpu.memory_space<semaphore_mem>>)
      tpu.wait_dma2 semaphore(%run_scoped3A : memref<!tpu.dma_semaphore, #tpu.memory_space<semaphore_mem>>) src(%arg6 : memref<128xf32, #tpu.memory_space<hbm>>) dst(%arg16 : memref<128xf32, #tpu.memory_space<vmem>>)
      tpu.yield
    }) : () -> ()
    %scan3A = arith.constant 0 : i32
    %scan3A_1 = arith.constant 0 : i32
    %scan3A_2 = arith.constant 16 : i32
    %scan3A_3 = arith.addi %scan3A_1, %scan3A_2 : i32
    %scan3A_4 = arith.constant 1 : i32
    scf.for %scan3A_33 = %scan3A_1 to %scan3A_3 step %scan3A_4  : i32 {
      %broadcast_in_dim3A = arith.constant 0.000000e+00 : f32
      %broadcast_in_dim3A_34 = vector.broadcast %broadcast_in_dim3A : f32 to vector<16xf32>
      %swap3A = arith.index_cast %scan3A_33 : i32 to index
      %swap3A_35 = arith.constant 0 : index
      %swap3A_36 = tpu.vector_load %arg17[%swap3A, %swap3A_35] {strides = array<i32>} : memref<16x128xf32, #tpu.memory_space<vmem>>, vector<16xf32>,
      tpu.vector_store %arg17[%swap3A, %swap3A_35], %broadcast_in_dim3A_34 {strides = array<i32>} : memref<16x128xf32, #tpu.memory_space<vmem>>, vector<16xf32>,
      %broadcast_in_dim3A_37 = arith.constant 0.000000e+00 : f32
      %broadcast_in_dim3A_38 = vector.broadcast %broadcast_in_dim3A_37 : f32 to vector<16xf32>
      %swap3A_39 = arith.index_cast %scan3A_33 : i32 to index
      %swap3A_40 = arith.constant 16 : index
      %swap3A_41 = tpu.vector_load %arg17[%swap3A_39, %swap3A_40] {strides = array<i32>} : memref<16x128xf32, #tpu.memory_space<vmem>>, vector<16xf32>,
      tpu.vector_store %arg17[%swap3A_39, %swap3A_40], %broadcast_in_dim3A_38 {strides = array<i32>} : memref<16x128xf32, #tpu.memory_space<vmem>>, vector<16xf32>,
      %broadcast_in_dim3A_42 = arith.constant 0.000000e+00 : f32
      %broadcast_in_dim3A_43 = vector.broadcast %broadcast_in_dim3A_42 : f32 to vector<16xf32>
      %swap3A_44 = arith.index_cast %scan3A_33 : i32 to index
      %swap3A_45 = arith.constant 32 : index
      %swap3A_46 = tpu.vector_load %arg17[%swap3A_44, %swap3A_45] {strides = array<i32>} : memref<16x128xf32, #tpu.memory_space<vmem>>, vector<16xf32>,
      tpu.vector_store %arg17[%swap3A_44, %swap3A_45], %broadcast_in_dim3A_43 {strides = array<i32>} : memref<16x128xf32, #tpu.memory_space<vmem>>, vector<16xf32>,
      %broadcast_in_dim3A_47 = arith.constant 0.000000e+00 : f32
      %broadcast_in_dim3A_48 = vector.broadcast %broadcast_in_dim3A_47 : f32 to vector<16xf32>
      %swap3A_49 = arith.index_cast %scan3A_33 : i32 to index
      %swap3A_50 = arith.constant 48 : index
      %swap3A_51 = tpu.vector_load %arg17[%swap3A_49, %swap3A_50] {strides = array<i32>} : memref<16x128xf32, #tpu.memory_space<vmem>>, vector<16xf32>,
      tpu.vector_store %arg17[%swap3A_49, %swap3A_50], %broadcast_in_dim3A_48 {strides = array<i32>} : memref<16x128xf32, #tpu.memory_space<vmem>>, vector<16xf32>,
      %broadcast_in_dim3A_52 = arith.constant 0.000000e+00 : f32
      %broadcast_in_dim3A_53 = vector.broadcast %broadcast_in_dim3A_52 : f32 to vector<16xf32>
      %swap3A_54 = arith.index_cast %scan3A_33 : i32 to index
      %swap3A_55 = arith.constant 64 : index
      %swap3A_56 = tpu.vector_load %arg17[%swap3A_54, %swap3A_55] {strides = array<i32>} : memref<16x128xf32, #tpu.memory_space<vmem>>, vector<16xf32>,
      tpu.vector_store %arg17[%swap3A_54, %swap3A_55], %broadcast_in_dim3A_53 {strides = array<i32>} : memref<16x128xf32, #tpu.memory_space<vmem>>, vector<16xf32>,
      %broadcast_in_dim3A_57 = arith.constant 0.000000e+00 : f32
      %broadcast_in_dim3A_58 = vector.broadcast %broadcast_in_dim3A_57 : f32 to vector<16xf32>
      %swap3A_59 = arith.index_cast %scan3A_33 : i32 to index
      %swap3A_60 = arith.constant 80 : index
      %swap3A_61 = tpu.vector_load %arg17[%swap3A_59, %swap3A_60] {strides = array<i32>} : memref<16x128xf32, #tpu.memory_space<vmem>>, vector<16xf32>,
      tpu.vector_store %arg17[%swap3A_59, %swap3A_60], %broadcast_in_dim3A_58 {strides = array<i32>} : memref<16x128xf32, #tpu.memory_space<vmem>>, vector<16xf32>,
      %broadcast_in_dim3A_62 = arith.constant 0.000000e+00 : f32
      %broadcast_in_dim3A_63 = vector.broadcast %broadcast_in_dim3A_62 : f32 to vector<16xf32>
      %swap3A_64 = arith.index_cast %scan3A_33 : i32 to index
      %swap3A_65 = arith.constant 96 : index
      %swap3A_66 = tpu.vector_load %arg17[%swap3A_64, %swap3A_65] {strides = array<i32>} : memref<16x128xf32, #tpu.memory_space<vmem>>, vector<16xf32>,
      tpu.vector_store %arg17[%swap3A_64, %swap3A_65], %broadcast_in_dim3A_63 {strides = array<i32>} : memref<16x128xf32, #tpu.memory_space<vmem>>, vector<16xf32>,
      %broadcast_in_dim3A_67 = arith.constant 0.000000e+00 : f32
      %broadcast_in_dim3A_68 = vector.broadcast %broadcast_in_dim3A_67 : f32 to vector<16xf32>
      %swap3A_69 = arith.index_cast %scan3A_33 : i32 to index
      %swap3A_70 = arith.constant 112 : index
      %swap3A_71 = tpu.vector_load %arg17[%swap3A_69, %swap3A_70] {strides = array<i32>} : memref<16x128xf32, #tpu.memory_space<vmem>>, vector<16xf32>,
      tpu.vector_store %arg17[%swap3A_69, %swap3A_70], %broadcast_in_dim3A_68 {strides = array<i32>} : memref<16x128xf32, #tpu.memory_space<vmem>>, vector<16xf32>,
    }
    %scan3A_5 = arith.constant 16 : i32
    %mul3A_6 = arith.constant 624 : i32
    %mul3A_7 = arith.muli %arg1, %mul3A_6 : i32
    %scan3A_8 = arith.constant 0 : i32
    %scan3A_9 = arith.constant 0 : i32
    %scan3A_10 = arith.constant 40 : i32
    %scan3A_11 = arith.addi %scan3A_9, %scan3A_10 : i32
    %scan3A_12 = arith.constant 1 : i32
    scf.for %scan3A_33 = %scan3A_9 to %scan3A_11 step %scan3A_12  : i32 {
      %mul3A_34 = arith.constant 16 : i32
      %mul3A_35 = arith.muli %scan3A_33, %mul3A_34 : i32
      %add3A_36 = arith.addi %mul3A_7, %mul3A_35 : i32
      "tpu.region"() ({
        %run_scoped3A = tpu.sem_alloc : memref<!tpu.dma_semaphore, #tpu.memory_space<semaphore_mem>>
        %dma_start3A = arith.constant 0 : i32
        %dma_start3A_37 = tpu.memref_slice %arg22[%add3A_36, %dma_start3A] : memref<10000x128xf32, #tpu.memory_space<vmem_shared>> -> memref<16x128xf32, #tpu.memory_space<vmem_shared>>
        %dma_start3A_38 = arith.constant 0 : i32
        %dma_start3A_39 = tpu.memref_slice %arg22[%add3A_36, %dma_start3A_38] : memref<10000x128xf32, #tpu.memory_space<vmem_shared>> -> memref<16x128xf32, #tpu.memory_space<vmem_shared>>
        tpu.enqueue_dma source(%arg17 : memref<16x128xf32, #tpu.memory_space<vmem>>) target(%dma_start3A_39 : memref<16x128xf32, #tpu.memory_space<vmem_shared>>) target_semaphore(%run_scoped3A : memref<!tpu.dma_semaphore, #tpu.memory_space<semaphore_mem>>)
        %dma_wait3A_40 = arith.constant 0 : i32
        %dma_wait3A_41 = tpu.memref_slice %arg22[%add3A_36, %dma_wait3A_40] : memref<10000x128xf32, #tpu.memory_space<vmem_shared>> -> memref<16x128xf32, #tpu.memory_space<vmem_shared>>
        %dma_wait3A_42 = arith.constant 0 : i32
        %dma_wait3A_43 = tpu.memref_slice %arg22[%add3A_36, %dma_wait3A_42] : memref<10000x128xf32, #tpu.memory_space<vmem_shared>> -> memref<16x128xf32, #tpu.memory_space<vmem_shared>>
        tpu.wait_dma2 semaphore(%run_scoped3A : memref<!tpu.dma_semaphore, #tpu.memory_space<semaphore_mem>>) src(%arg17 : memref<16x128xf32, #tpu.memory_space<vmem>>) dst(%dma_wait3A_43 : memref<16x128xf32, #tpu.memory_space<vmem_shared>>)
        tpu.yield
      }) : () -> ()
    }
    %scan3A_13 = arith.constant 40 : i32
    %barrier3A = arith.constant 0 : index
    tpu.barrier barrier_id(%barrier3A)
    %iota3A = tpu.iota {dimensions = array<i32: 0>} : vector<16xi32>
    %mul3A_14 = arith.constant 125 : i32
    %mul3A_15 = arith.muli %add3A, %mul3A_14 : i32
    %scan3A_16 = arith.constant 0 : i32
    %scan3A_17 = arith.constant 0 : i32
    %scan3A_18 = arith.constant 125 : i32
    %scan3A_19 = arith.addi %scan3A_17, %scan3A_18 : i32
    %scan3A_20 = arith.constant 1 : i32
    scf.for %scan3A_33 = %scan3A_17 to %scan3A_19 step %scan3A_20  : i32 {
      %add3A_34 = arith.addi %mul3A_15, %scan3A_33 : i32
      %mul3A_35 = arith.constant 80 : i32
      %mul3A_36 = arith.muli %add3A_34, %mul3A_35 : i32
      "tpu.region"() ({
        %run_scoped3A = tpu.sem_alloc : memref<!tpu.dma_semaphore, #tpu.memory_space<semaphore_mem>>
        %dma_start3A_83 = tpu.memref_slice %arg4[%mul3A_36] : memref<320000xi32, #tpu.memory_space<hbm>> -> memref<80xi32, #tpu.memory_space<hbm>>
        %dma_start3A_84 = tpu.memref_slice %arg4[%mul3A_36] : memref<320000xi32, #tpu.memory_space<hbm>> -> memref<80xi32, #tpu.memory_space<hbm>>
        tpu.enqueue_dma source(%dma_start3A_84 : memref<80xi32, #tpu.memory_space<hbm>>) target(%arg9 : memref<80xi32, #tpu.memory_space<vmem>>) target_semaphore(%run_scoped3A : memref<!tpu.dma_semaphore, #tpu.memory_space<semaphore_mem>>)
        %dma_wait3A_85 = tpu.memref_slice %arg4[%mul3A_36] : memref<320000xi32, #tpu.memory_space<hbm>> -> memref<80xi32, #tpu.memory_space<hbm>>
        %dma_wait3A_86 = tpu.memref_slice %arg4[%mul3A_36] : memref<320000xi32, #tpu.memory_space<hbm>> -> memref<80xi32, #tpu.memory_space<hbm>>
        tpu.wait_dma2 semaphore(%run_scoped3A : memref<!tpu.dma_semaphore, #tpu.memory_space<semaphore_mem>>) src(%dma_wait3A_86 : memref<80xi32, #tpu.memory_space<hbm>>) dst(%arg9 : memref<80xi32, #tpu.memory_space<vmem>>)
        tpu.yield
      }) : () -> ()
      "tpu.region"() ({
        %run_scoped3A = tpu.sem_alloc : memref<!tpu.dma_semaphore, #tpu.memory_space<semaphore_mem>>
        %dma_start3A_83 = tpu.memref_slice %arg5[%mul3A_36] : memref<320000xi32, #tpu.memory_space<hbm>> -> memref<80xi32, #tpu.memory_space<hbm>>
        %dma_start3A_84 = tpu.memref_slice %arg5[%mul3A_36] : memref<320000xi32, #tpu.memory_space<hbm>> -> memref<80xi32, #tpu.memory_space<hbm>>
        tpu.enqueue_dma source(%dma_start3A_84 : memref<80xi32, #tpu.memory_space<hbm>>) target(%arg10 : memref<80xi32, #tpu.memory_space<vmem>>) target_semaphore(%run_scoped3A : memref<!tpu.dma_semaphore, #tpu.memory_space<semaphore_mem>>)
        %dma_wait3A_85 = tpu.memref_slice %arg5[%mul3A_36] : memref<320000xi32, #tpu.memory_space<hbm>> -> memref<80xi32, #tpu.memory_space<hbm>>
        %dma_wait3A_86 = tpu.memref_slice %arg5[%mul3A_36] : memref<320000xi32, #tpu.memory_space<hbm>> -> memref<80xi32, #tpu.memory_space<hbm>>
        tpu.wait_dma2 semaphore(%run_scoped3A : memref<!tpu.dma_semaphore, #tpu.memory_space<semaphore_mem>>) src(%dma_wait3A_86 : memref<80xi32, #tpu.memory_space<hbm>>) dst(%arg10 : memref<80xi32, #tpu.memory_space<vmem>>)
        tpu.yield
      }) : () -> ()
      %dma_start3A = arith.constant 0 : i32
      %dma_start3A_37 = arith.constant 0 : i32
      %dma_start3A_38 = tpu.memref_slice %arg2[%dma_start3A, %dma_start3A_37] : memref<10000x128xf32, #tpu.memory_space<hbm>> -> memref<10000x128xf32, #tpu.memory_space<hbm>>
      tpu.enqueue_indirect_dma source(%dma_start3A_38 : memref<10000x128xf32, #tpu.memory_space<hbm>>) target(%arg12 : memref<80x128xf32, #tpu.memory_space<vmem>>) offsets(%arg9 : memref<80xi32, #tpu.memory_space<vmem>>) semaphore(%arg18 : memref<!tpu.dma_semaphore, #tpu.memory_space<semaphore_mem>>)
      %dma_start3A_39 = arith.constant 0 : i32
      %dma_start3A_40 = arith.constant 0 : i32
      %dma_start3A_41 = tpu.memref_slice %arg3[%dma_start3A_39, %dma_start3A_40] : memref<10000x128xf32, #tpu.memory_space<hbm>> -> memref<10000x128xf32, #tpu.memory_space<hbm>>
      tpu.enqueue_indirect_dma source(%dma_start3A_41 : memref<10000x128xf32, #tpu.memory_space<hbm>>) target(%arg13 : memref<80x128xf32, #tpu.memory_space<vmem>>) offsets(%arg10 : memref<80xi32, #tpu.memory_space<vmem>>) semaphore(%arg19 : memref<!tpu.dma_semaphore, #tpu.memory_space<semaphore_mem>>)
      %gt3A = arith.constant 0 : i32
      %gt3A_42 = arith.cmpi sgt, %scan3A_33, %gt3A : i32
      %convert_element_type3A_43 = arith.extui %gt3A_42 : i1 to i32
      %cond3A_44 = arith.constant 0 : i32
      %cond3A_45 = arith.cmpi ne, %convert_element_type3A_43, %cond3A_44 : i32
      scf.if %cond3A_45 {
        %dma_wait3A_83 = arith.constant 0 : i32
        %dma_wait3A_84 = arith.constant 0 : i32
        %dma_wait3A_85 = tpu.memref_slice %arg22[%dma_wait3A_83, %dma_wait3A_84] : memref<10000x128xf32, #tpu.memory_space<vmem_shared>> -> memref<10000x128xf32, #tpu.memory_space<vmem_shared>>
        tpu.wait_indirect_dma semaphore(%arg20 : memref<!tpu.dma_semaphore, #tpu.memory_space<semaphore_mem>>) src(%arg14 : memref<80x128xf32, #tpu.memory_space<vmem>>) dst(%dma_wait3A_85 : memref<10000x128xf32, #tpu.memory_space<vmem_shared>>)
        %mul3A_86 = arith.constant 80 : i32
        %mul3A_87 = arith.muli %mul3A_15, %mul3A_86 : i32
        %dma_wait3A_88 = arith.constant 0 : i32
        %dma_wait3A_89 = tpu.memref_slice %arg8[%mul3A_87, %dma_wait3A_88] : memref<320000x16xf32, #tpu.memory_space<hbm>> -> memref<80x16xf32, #tpu.memory_space<hbm>>
        %dma_wait3A_90 = arith.constant 0 : i32
        %dma_wait3A_91 = tpu.memref_slice %arg8[%mul3A_87, %dma_wait3A_90] : memref<320000x16xf32, #tpu.memory_space<hbm>> -> memref<80x16xf32, #tpu.memory_space<hbm>>
        tpu.wait_dma2 semaphore(%arg21 : memref<!tpu.dma_semaphore, #tpu.memory_space<semaphore_mem>>) src(%arg15 : memref<80x16xf32, #tpu.memory_space<vmem>>) dst(%dma_wait3A_91 : memref<80x16xf32, #tpu.memory_space<hbm>>)
      } else {
      }
      %dma_wait3A_46 = arith.constant 0 : i32
      %dma_wait3A_47 = arith.constant 0 : i32
      %dma_wait3A_48 = tpu.memref_slice %arg2[%dma_wait3A_46, %dma_wait3A_47] : memref<10000x128xf32, #tpu.memory_space<hbm>> -> memref<10000x128xf32, #tpu.memory_space<hbm>>
      tpu.wait_indirect_dma semaphore(%arg18 : memref<!tpu.dma_semaphore, #tpu.memory_space<semaphore_mem>>) src(%dma_wait3A_48 : memref<10000x128xf32, #tpu.memory_space<hbm>>) dst(%arg12 : memref<80x128xf32, #tpu.memory_space<vmem>>)
      %dma_wait3A_49 = arith.constant 0 : i32
      %dma_wait3A_50 = arith.constant 0 : i32
      %dma_wait3A_51 = tpu.memref_slice %arg3[%dma_wait3A_49, %dma_wait3A_50] : memref<10000x128xf32, #tpu.memory_space<hbm>> -> memref<10000x128xf32, #tpu.memory_space<hbm>>
      tpu.wait_indirect_dma semaphore(%arg19 : memref<!tpu.dma_semaphore, #tpu.memory_space<semaphore_mem>>) src(%dma_wait3A_51 : memref<10000x128xf32, #tpu.memory_space<hbm>>) dst(%arg13 : memref<80x128xf32, #tpu.memory_space<vmem>>)
      %scan3A_52 = arith.constant 0 : i32
      %scan3A_53 = arith.constant 0 : i32
      %scan3A_54 = arith.constant 80 : i32
      %scan3A_55 = arith.addi %scan3A_53, %scan3A_54 : i32
      %scan3A_56 = arith.constant 1 : i32
      scf.for %scan3A_83 = %scan3A_53 to %scan3A_55 step %scan3A_56  : i32 {
        %broadcast_in_dim3A = arith.constant 0.000000e+00 : f32
        %broadcast_in_dim3A_84 = vector.broadcast %broadcast_in_dim3A : f32 to vector<16xf32>
        %get3A_85 = arith.index_cast %scan3A_83 : i32 to index
        %get3A_86 = arith.constant 0 : index
        %get3A_87 = tpu.vector_load %arg12[%get3A_85, %get3A_86] {strides = array<i32>} : memref<80x128xf32, #tpu.memory_space<vmem>>, vector<16xf32>,
        %get3A_88 = arith.index_cast %scan3A_83 : i32 to index
        %get3A_89 = arith.constant 0 : index
        %get3A_90 = tpu.vector_load %arg13[%get3A_88, %get3A_89] {strides = array<i32>} : memref<80x128xf32, #tpu.memory_space<vmem>>, vector<16xf32>,
        %add3A_91 = arith.addf %get3A_87, %get3A_90 : vector<16xf32>
        %mul3A_92 = arith.constant 2.000000e-01 : f32
        %mul3A_93 = vector.broadcast %mul3A_92 : f32 to vector<16xf32>
        %mul3A_94 = arith.mulf %add3A_91, %mul3A_93 : vector<16xf32>
        %max3A = arith.maximumf %add3A_91, %mul3A_94 : vector<16xf32>
        %get3A_95 = arith.constant 0 : index
        %get3A_96 = tpu.vector_load %arg16[%get3A_95] {strides = array<i32>} : memref<128xf32, #tpu.memory_space<vmem>>, vector<16xf32>,
        %mul3A_97 = arith.mulf %max3A, %get3A_96 : vector<16xf32>
        %reduce_sum3A = arith.constant true
        %reduce_sum3A_98 = vector.broadcast %reduce_sum3A : i1 to vector<16xi1>
        %reduce_sum3A_99 = tpu.scan <sum>, %mul3A_97 masked %reduce_sum3A_98 : vector<16xf32>, vector<16xi1> -> vector<16xf32>
        %reduce_sum3A_100 = vector.extract %reduce_sum3A_99[15] : f32 from vector<16xf32>
        %broadcast_in_dim3A_101 = vector.broadcast %reduce_sum3A_100 : f32 to vector<16xf32>
        %exp3A = math.exp %broadcast_in_dim3A_101 : vector<16xf32>
        %mul3A_102 = arith.mulf %exp3A, %get3A_87 : vector<16xf32>
        %swap3A_103 = arith.index_cast %scan3A_83 : i32 to index
        %swap3A_104 = arith.constant 0 : index
        %swap3A_105 = tpu.vector_load %arg14[%swap3A_103, %swap3A_104] {strides = array<i32>} : memref<80x128xf32, #tpu.memory_space<vmem>>, vector<16xf32>,
        tpu.vector_store %arg14[%swap3A_103, %swap3A_104], %mul3A_102 {strides = array<i32>} : memref<80x128xf32, #tpu.memory_space<vmem>>, vector<16xf32>,
        %eq3A_106 = arith.constant 0 : i32
        %eq3A_107 = vector.broadcast %eq3A_106 : i32 to vector<16xi32>
        %eq3A_108 = arith.cmpi eq, %iota3A, %eq3A_107 : vector<16xi32>
        %select_n3A = arith.select %eq3A_108, %exp3A, %broadcast_in_dim3A_84 : vector<16xi1>, vector<16xf32>
        %get3A_109 = arith.index_cast %scan3A_83 : i32 to index
        %get3A_110 = arith.constant 16 : index
        %get3A_111 = tpu.vector_load %arg12[%get3A_109, %get3A_110] {strides = array<i32>} : memref<80x128xf32, #tpu.memory_space<vmem>>, vector<16xf32>,
        %get3A_112 = arith.index_cast %scan3A_83 : i32 to index
        %get3A_113 = arith.constant 16 : index
        %get3A_114 = tpu.vector_load %arg13[%get3A_112, %get3A_113] {strides = array<i32>} : memref<80x128xf32, #tpu.memory_space<vmem>>, vector<16xf32>,
        %add3A_115 = arith.addf %get3A_111, %get3A_114 : vector<16xf32>
        %mul3A_116 = arith.constant 2.000000e-01 : f32
        %mul3A_117 = vector.broadcast %mul3A_116 : f32 to vector<16xf32>
        %mul3A_118 = arith.mulf %add3A_115, %mul3A_117 : vector<16xf32>
        %max3A_119 = arith.maximumf %add3A_115, %mul3A_118 : vector<16xf32>
        %get3A_120 = arith.constant 16 : index
        %get3A_121 = tpu.vector_load %arg16[%get3A_120] {strides = array<i32>} : memref<128xf32, #tpu.memory_space<vmem>>, vector<16xf32>,
        %mul3A_122 = arith.mulf %max3A_119, %get3A_121 : vector<16xf32>
        %reduce_sum3A_123 = arith.constant true
        %reduce_sum3A_124 = vector.broadcast %reduce_sum3A_123 : i1 to vector<16xi1>
        %reduce_sum3A_125 = tpu.scan <sum>, %mul3A_122 masked %reduce_sum3A_124 : vector<16xf32>, vector<16xi1> -> vector<16xf32>
        %reduce_sum3A_126 = vector.extract %reduce_sum3A_125[15] : f32 from vector<16xf32>
        %broadcast_in_dim3A_127 = vector.broadcast %reduce_sum3A_126 : f32 to vector<16xf32>
        %exp3A_128 = math.exp %broadcast_in_dim3A_127 : vector<16xf32>
        %mul3A_129 = arith.mulf %exp3A_128, %get3A_111 : vector<16xf32>
        %swap3A_130 = arith.index_cast %scan3A_83 : i32 to index
        %swap3A_131 = arith.constant 16 : index
        %swap3A_132 = tpu.vector_load %arg14[%swap3A_130, %swap3A_131] {strides = array<i32>} : memref<80x128xf32, #tpu.memory_space<vmem>>, vector<16xf32>,
        tpu.vector_store %arg14[%swap3A_130, %swap3A_131], %mul3A_129 {strides = array<i32>} : memref<80x128xf32, #tpu.memory_space<vmem>>, vector<16xf32>,
        %eq3A_133 = arith.constant 1 : i32
        %eq3A_134 = vector.broadcast %eq3A_133 : i32 to vector<16xi32>
        %eq3A_135 = arith.cmpi eq, %iota3A, %eq3A_134 : vector<16xi32>
        %select_n3A_136 = arith.select %eq3A_135, %exp3A_128, %select_n3A : vector<16xi1>, vector<16xf32>
        %get3A_137 = arith.index_cast %scan3A_83 : i32 to index
        %get3A_138 = arith.constant 32 : index
        %get3A_139 = tpu.vector_load %arg12[%get3A_137, %get3A_138] {strides = array<i32>} : memref<80x128xf32, #tpu.memory_space<vmem>>, vector<16xf32>,
        %get3A_140 = arith.index_cast %scan3A_83 : i32 to index
        %get3A_141 = arith.constant 32 : index
        %get3A_142 = tpu.vector_load %arg13[%get3A_140, %get3A_141] {strides = array<i32>} : memref<80x128xf32, #tpu.memory_space<vmem>>, vector<16xf32>,
        %add3A_143 = arith.addf %get3A_139, %get3A_142 : vector<16xf32>
        %mul3A_144 = arith.constant 2.000000e-01 : f32
        %mul3A_145 = vector.broadcast %mul3A_144 : f32 to vector<16xf32>
        %mul3A_146 = arith.mulf %add3A_143, %mul3A_145 : vector<16xf32>
        %max3A_147 = arith.maximumf %add3A_143, %mul3A_146 : vector<16xf32>
        %get3A_148 = arith.constant 32 : index
        %get3A_149 = tpu.vector_load %arg16[%get3A_148] {strides = array<i32>} : memref<128xf32, #tpu.memory_space<vmem>>, vector<16xf32>,
        %mul3A_150 = arith.mulf %max3A_147, %get3A_149 : vector<16xf32>
        %reduce_sum3A_151 = arith.constant true
        %reduce_sum3A_152 = vector.broadcast %reduce_sum3A_151 : i1 to vector<16xi1>
        %reduce_sum3A_153 = tpu.scan <sum>, %mul3A_150 masked %reduce_sum3A_152 : vector<16xf32>, vector<16xi1> -> vector<16xf32>
        %reduce_sum3A_154 = vector.extract %reduce_sum3A_153[15] : f32 from vector<16xf32>
        %broadcast_in_dim3A_155 = vector.broadcast %reduce_sum3A_154 : f32 to vector<16xf32>
        %exp3A_156 = math.exp %broadcast_in_dim3A_155 : vector<16xf32>
        %mul3A_157 = arith.mulf %exp3A_156, %get3A_139 : vector<16xf32>
        %swap3A_158 = arith.index_cast %scan3A_83 : i32 to index
        %swap3A_159 = arith.constant 32 : index
        %swap3A_160 = tpu.vector_load %arg14[%swap3A_158, %swap3A_159] {strides = array<i32>} : memref<80x128xf32, #tpu.memory_space<vmem>>, vector<16xf32>,
        tpu.vector_store %arg14[%swap3A_158, %swap3A_159], %mul3A_157 {strides = array<i32>} : memref<80x128xf32, #tpu.memory_space<vmem>>, vector<16xf32>,
        %eq3A_161 = arith.constant 2 : i32
        %eq3A_162 = vector.broadcast %eq3A_161 : i32 to vector<16xi32>
        %eq3A_163 = arith.cmpi eq, %iota3A, %eq3A_162 : vector<16xi32>
        %select_n3A_164 = arith.select %eq3A_163, %exp3A_156, %select_n3A_136 : vector<16xi1>, vector<16xf32>
        %get3A_165 = arith.index_cast %scan3A_83 : i32 to index
        %get3A_166 = arith.constant 48 : index
        %get3A_167 = tpu.vector_load %arg12[%get3A_165, %get3A_166] {strides = array<i32>} : memref<80x128xf32, #tpu.memory_space<vmem>>, vector<16xf32>,
        %get3A_168 = arith.index_cast %scan3A_83 : i32 to index
        %get3A_169 = arith.constant 48 : index
        %get3A_170 = tpu.vector_load %arg13[%get3A_168, %get3A_169] {strides = array<i32>} : memref<80x128xf32, #tpu.memory_space<vmem>>, vector<16xf32>,
        %add3A_171 = arith.addf %get3A_167, %get3A_170 : vector<16xf32>
        %mul3A_172 = arith.constant 2.000000e-01 : f32
        %mul3A_173 = vector.broadcast %mul3A_172 : f32 to vector<16xf32>
        %mul3A_174 = arith.mulf %add3A_171, %mul3A_173 : vector<16xf32>
        %max3A_175 = arith.maximumf %add3A_171, %mul3A_174 : vector<16xf32>
        %get3A_176 = arith.constant 48 : index
        %get3A_177 = tpu.vector_load %arg16[%get3A_176] {strides = array<i32>} : memref<128xf32, #tpu.memory_space<vmem>>, vector<16xf32>,
        %mul3A_178 = arith.mulf %max3A_175, %get3A_177 : vector<16xf32>
        %reduce_sum3A_179 = arith.constant true
        %reduce_sum3A_180 = vector.broadcast %reduce_sum3A_179 : i1 to vector<16xi1>
        %reduce_sum3A_181 = tpu.scan <sum>, %mul3A_178 masked %reduce_sum3A_180 : vector<16xf32>, vector<16xi1> -> vector<16xf32>
        %reduce_sum3A_182 = vector.extract %reduce_sum3A_181[15] : f32 from vector<16xf32>
        %broadcast_in_dim3A_183 = vector.broadcast %reduce_sum3A_182 : f32 to vector<16xf32>
        %exp3A_184 = math.exp %broadcast_in_dim3A_183 : vector<16xf32>
        %mul3A_185 = arith.mulf %exp3A_184, %get3A_167 : vector<16xf32>
        %swap3A_186 = arith.index_cast %scan3A_83 : i32 to index
        %swap3A_187 = arith.constant 48 : index
        %swap3A_188 = tpu.vector_load %arg14[%swap3A_186, %swap3A_187] {strides = array<i32>} : memref<80x128xf32, #tpu.memory_space<vmem>>, vector<16xf32>,
        tpu.vector_store %arg14[%swap3A_186, %swap3A_187], %mul3A_185 {strides = array<i32>} : memref<80x128xf32, #tpu.memory_space<vmem>>, vector<16xf32>,
        %eq3A_189 = arith.constant 3 : i32
        %eq3A_190 = vector.broadcast %eq3A_189 : i32 to vector<16xi32>
        %eq3A_191 = arith.cmpi eq, %iota3A, %eq3A_190 : vector<16xi32>
        %select_n3A_192 = arith.select %eq3A_191, %exp3A_184, %select_n3A_164 : vector<16xi1>, vector<16xf32>
        %get3A_193 = arith.index_cast %scan3A_83 : i32 to index
        %get3A_194 = arith.constant 64 : index
        %get3A_195 = tpu.vector_load %arg12[%get3A_193, %get3A_194] {strides = array<i32>} : memref<80x128xf32, #tpu.memory_space<vmem>>, vector<16xf32>,
        %get3A_196 = arith.index_cast %scan3A_83 : i32 to index
        %get3A_197 = arith.constant 64 : index
        %get3A_198 = tpu.vector_load %arg13[%get3A_196, %get3A_197] {strides = array<i32>} : memref<80x128xf32, #tpu.memory_space<vmem>>, vector<16xf32>,
        %add3A_199 = arith.addf %get3A_195, %get3A_198 : vector<16xf32>
        %mul3A_200 = arith.constant 2.000000e-01 : f32
        %mul3A_201 = vector.broadcast %mul3A_200 : f32 to vector<16xf32>
        %mul3A_202 = arith.mulf %add3A_199, %mul3A_201 : vector<16xf32>
        %max3A_203 = arith.maximumf %add3A_199, %mul3A_202 : vector<16xf32>
        %get3A_204 = arith.constant 64 : index
        %get3A_205 = tpu.vector_load %arg16[%get3A_204] {strides = array<i32>} : memref<128xf32, #tpu.memory_space<vmem>>, vector<16xf32>,
        %mul3A_206 = arith.mulf %max3A_203, %get3A_205 : vector<16xf32>
        %reduce_sum3A_207 = arith.constant true
        %reduce_sum3A_208 = vector.broadcast %reduce_sum3A_207 : i1 to vector<16xi1>
        %reduce_sum3A_209 = tpu.scan <sum>, %mul3A_206 masked %reduce_sum3A_208 : vector<16xf32>, vector<16xi1> -> vector<16xf32>
        %reduce_sum3A_210 = vector.extract %reduce_sum3A_209[15] : f32 from vector<16xf32>
        %broadcast_in_dim3A_211 = vector.broadcast %reduce_sum3A_210 : f32 to vector<16xf32>
        %exp3A_212 = math.exp %broadcast_in_dim3A_211 : vector<16xf32>
        %mul3A_213 = arith.mulf %exp3A_212, %get3A_195 : vector<16xf32>
        %swap3A_214 = arith.index_cast %scan3A_83 : i32 to index
        %swap3A_215 = arith.constant 64 : index
        %swap3A_216 = tpu.vector_load %arg14[%swap3A_214, %swap3A_215] {strides = array<i32>} : memref<80x128xf32, #tpu.memory_space<vmem>>, vector<16xf32>,
        tpu.vector_store %arg14[%swap3A_214, %swap3A_215], %mul3A_213 {strides = array<i32>} : memref<80x128xf32, #tpu.memory_space<vmem>>, vector<16xf32>,
        %eq3A_217 = arith.constant 4 : i32
        %eq3A_218 = vector.broadcast %eq3A_217 : i32 to vector<16xi32>
        %eq3A_219 = arith.cmpi eq, %iota3A, %eq3A_218 : vector<16xi32>
        %select_n3A_220 = arith.select %eq3A_219, %exp3A_212, %select_n3A_192 : vector<16xi1>, vector<16xf32>
        %get3A_221 = arith.index_cast %scan3A_83 : i32 to index
        %get3A_222 = arith.constant 80 : index
        %get3A_223 = tpu.vector_load %arg12[%get3A_221, %get3A_222] {strides = array<i32>} : memref<80x128xf32, #tpu.memory_space<vmem>>, vector<16xf32>,
        %get3A_224 = arith.index_cast %scan3A_83 : i32 to index
        %get3A_225 = arith.constant 80 : index
        %get3A_226 = tpu.vector_load %arg13[%get3A_224, %get3A_225] {strides = array<i32>} : memref<80x128xf32, #tpu.memory_space<vmem>>, vector<16xf32>,
        %add3A_227 = arith.addf %get3A_223, %get3A_226 : vector<16xf32>
        %mul3A_228 = arith.constant 2.000000e-01 : f32
        %mul3A_229 = vector.broadcast %mul3A_228 : f32 to vector<16xf32>
        %mul3A_230 = arith.mulf %add3A_227, %mul3A_229 : vector<16xf32>
        %max3A_231 = arith.maximumf %add3A_227, %mul3A_230 : vector<16xf32>
        %get3A_232 = arith.constant 80 : index
        %get3A_233 = tpu.vector_load %arg16[%get3A_232] {strides = array<i32>} : memref<128xf32, #tpu.memory_space<vmem>>, vector<16xf32>,
        %mul3A_234 = arith.mulf %max3A_231, %get3A_233 : vector<16xf32>
        %reduce_sum3A_235 = arith.constant true
        %reduce_sum3A_236 = vector.broadcast %reduce_sum3A_235 : i1 to vector<16xi1>
        %reduce_sum3A_237 = tpu.scan <sum>, %mul3A_234 masked %reduce_sum3A_236 : vector<16xf32>, vector<16xi1> -> vector<16xf32>
        %reduce_sum3A_238 = vector.extract %reduce_sum3A_237[15] : f32 from vector<16xf32>
        %broadcast_in_dim3A_239 = vector.broadcast %reduce_sum3A_238 : f32 to vector<16xf32>
        %exp3A_240 = math.exp %broadcast_in_dim3A_239 : vector<16xf32>
        %mul3A_241 = arith.mulf %exp3A_240, %get3A_223 : vector<16xf32>
        %swap3A_242 = arith.index_cast %scan3A_83 : i32 to index
        %swap3A_243 = arith.constant 80 : index
        %swap3A_244 = tpu.vector_load %arg14[%swap3A_242, %swap3A_243] {strides = array<i32>} : memref<80x128xf32, #tpu.memory_space<vmem>>, vector<16xf32>,
        tpu.vector_store %arg14[%swap3A_242, %swap3A_243], %mul3A_241 {strides = array<i32>} : memref<80x128xf32, #tpu.memory_space<vmem>>, vector<16xf32>,
        %eq3A_245 = arith.constant 5 : i32
        %eq3A_246 = vector.broadcast %eq3A_245 : i32 to vector<16xi32>
        %eq3A_247 = arith.cmpi eq, %iota3A, %eq3A_246 : vector<16xi32>
        %select_n3A_248 = arith.select %eq3A_247, %exp3A_240, %select_n3A_220 : vector<16xi1>, vector<16xf32>
        %get3A_249 = arith.index_cast %scan3A_83 : i32 to index
        %get3A_250 = arith.constant 96 : index
        %get3A_251 = tpu.vector_load %arg12[%get3A_249, %get3A_250] {strides = array<i32>} : memref<80x128xf32, #tpu.memory_space<vmem>>, vector<16xf32>,
        %get3A_252 = arith.index_cast %scan3A_83 : i32 to index
        %get3A_253 = arith.constant 96 : index
        %get3A_254 = tpu.vector_load %arg13[%get3A_252, %get3A_253] {strides = array<i32>} : memref<80x128xf32, #tpu.memory_space<vmem>>, vector<16xf32>,
        %add3A_255 = arith.addf %get3A_251, %get3A_254 : vector<16xf32>
        %mul3A_256 = arith.constant 2.000000e-01 : f32
        %mul3A_257 = vector.broadcast %mul3A_256 : f32 to vector<16xf32>
        %mul3A_258 = arith.mulf %add3A_255, %mul3A_257 : vector<16xf32>
        %max3A_259 = arith.maximumf %add3A_255, %mul3A_258 : vector<16xf32>
        %get3A_260 = arith.constant 96 : index
        %get3A_261 = tpu.vector_load %arg16[%get3A_260] {strides = array<i32>} : memref<128xf32, #tpu.memory_space<vmem>>, vector<16xf32>,
        %mul3A_262 = arith.mulf %max3A_259, %get3A_261 : vector<16xf32>
        %reduce_sum3A_263 = arith.constant true
        %reduce_sum3A_264 = vector.broadcast %reduce_sum3A_263 : i1 to vector<16xi1>
        %reduce_sum3A_265 = tpu.scan <sum>, %mul3A_262 masked %reduce_sum3A_264 : vector<16xf32>, vector<16xi1> -> vector<16xf32>
        %reduce_sum3A_266 = vector.extract %reduce_sum3A_265[15] : f32 from vector<16xf32>
        %broadcast_in_dim3A_267 = vector.broadcast %reduce_sum3A_266 : f32 to vector<16xf32>
        %exp3A_268 = math.exp %broadcast_in_dim3A_267 : vector<16xf32>
        %mul3A_269 = arith.mulf %exp3A_268, %get3A_251 : vector<16xf32>
        %swap3A_270 = arith.index_cast %scan3A_83 : i32 to index
        %swap3A_271 = arith.constant 96 : index
        %swap3A_272 = tpu.vector_load %arg14[%swap3A_270, %swap3A_271] {strides = array<i32>} : memref<80x128xf32, #tpu.memory_space<vmem>>, vector<16xf32>,
        tpu.vector_store %arg14[%swap3A_270, %swap3A_271], %mul3A_269 {strides = array<i32>} : memref<80x128xf32, #tpu.memory_space<vmem>>, vector<16xf32>,
        %eq3A_273 = arith.constant 6 : i32
        %eq3A_274 = vector.broadcast %eq3A_273 : i32 to vector<16xi32>
        %eq3A_275 = arith.cmpi eq, %iota3A, %eq3A_274 : vector<16xi32>
        %select_n3A_276 = arith.select %eq3A_275, %exp3A_268, %select_n3A_248 : vector<16xi1>, vector<16xf32>
        %get3A_277 = arith.index_cast %scan3A_83 : i32 to index
        %get3A_278 = arith.constant 112 : index
        %get3A_279 = tpu.vector_load %arg12[%get3A_277, %get3A_278] {strides = array<i32>} : memref<80x128xf32, #tpu.memory_space<vmem>>, vector<16xf32>,
        %get3A_280 = arith.index_cast %scan3A_83 : i32 to index
        %get3A_281 = arith.constant 112 : index
        %get3A_282 = tpu.vector_load %arg13[%get3A_280, %get3A_281] {strides = array<i32>} : memref<80x128xf32, #tpu.memory_space<vmem>>, vector<16xf32>,
        %add3A_283 = arith.addf %get3A_279, %get3A_282 : vector<16xf32>
        %mul3A_284 = arith.constant 2.000000e-01 : f32
        %mul3A_285 = vector.broadcast %mul3A_284 : f32 to vector<16xf32>
        %mul3A_286 = arith.mulf %add3A_283, %mul3A_285 : vector<16xf32>
        %max3A_287 = arith.maximumf %add3A_283, %mul3A_286 : vector<16xf32>
        %get3A_288 = arith.constant 112 : index
        %get3A_289 = tpu.vector_load %arg16[%get3A_288] {strides = array<i32>} : memref<128xf32, #tpu.memory_space<vmem>>, vector<16xf32>,
        %mul3A_290 = arith.mulf %max3A_287, %get3A_289 : vector<16xf32>
        %reduce_sum3A_291 = arith.constant true
        %reduce_sum3A_292 = vector.broadcast %reduce_sum3A_291 : i1 to vector<16xi1>
        %reduce_sum3A_293 = tpu.scan <sum>, %mul3A_290 masked %reduce_sum3A_292 : vector<16xf32>, vector<16xi1> -> vector<16xf32>
        %reduce_sum3A_294 = vector.extract %reduce_sum3A_293[15] : f32 from vector<16xf32>
        %broadcast_in_dim3A_295 = vector.broadcast %reduce_sum3A_294 : f32 to vector<16xf32>
        %exp3A_296 = math.exp %broadcast_in_dim3A_295 : vector<16xf32>
        %mul3A_297 = arith.mulf %exp3A_296, %get3A_279 : vector<16xf32>
        %swap3A_298 = arith.index_cast %scan3A_83 : i32 to index
        %swap3A_299 = arith.constant 112 : index
        %swap3A_300 = tpu.vector_load %arg14[%swap3A_298, %swap3A_299] {strides = array<i32>} : memref<80x128xf32, #tpu.memory_space<vmem>>, vector<16xf32>,
        tpu.vector_store %arg14[%swap3A_298, %swap3A_299], %mul3A_297 {strides = array<i32>} : memref<80x128xf32, #tpu.memory_space<vmem>>, vector<16xf32>,
        %eq3A_301 = arith.constant 7 : i32
        %eq3A_302 = vector.broadcast %eq3A_301 : i32 to vector<16xi32>
        %eq3A_303 = arith.cmpi eq, %iota3A, %eq3A_302 : vector<16xi32>
        %select_n3A_304 = arith.select %eq3A_303, %exp3A_296, %select_n3A_276 : vector<16xi1>, vector<16xf32>
        %swap3A_305 = arith.index_cast %scan3A_83 : i32 to index
        %swap3A_306 = arith.constant 0 : index
        %swap3A_307 = tpu.vector_load %arg15[%swap3A_305, %swap3A_306] {strides = array<i32>} : memref<80x16xf32, #tpu.memory_space<vmem>>, vector<16xf32>,
        tpu.vector_store %arg15[%swap3A_305, %swap3A_306], %select_n3A_304 {strides = array<i32>} : memref<80x16xf32, #tpu.memory_space<vmem>>, vector<16xf32>,
      }
      %scan3A_57 = arith.constant 80 : i32
      %get3A = arith.constant 0 : index
      %get3A_58 = tpu.vector_load %arg10[%get3A] {strides = array<i32>} : memref<80xi32, #tpu.memory_space<vmem>>, vector<16xi32>,
      %swap3A = arith.constant 0 : index
      %swap3A_59 = tpu.vector_load %arg11[%swap3A] {strides = array<i32>} : memref<80xi32, #tpu.memory_space<vmem>>, vector<16xi32>,
      tpu.vector_store %arg11[%swap3A], %get3A_58 {strides = array<i32>} : memref<80xi32, #tpu.memory_space<vmem>>, vector<16xi32>,
      %get3A_60 = arith.constant 16 : index
      %get3A_61 = tpu.vector_load %arg10[%get3A_60] {strides = array<i32>} : memref<80xi32, #tpu.memory_space<vmem>>, vector<16xi32>,
      %swap3A_62 = arith.constant 16 : index
      %swap3A_63 = tpu.vector_load %arg11[%swap3A_62] {strides = array<i32>} : memref<80xi32, #tpu.memory_space<vmem>>, vector<16xi32>,
      tpu.vector_store %arg11[%swap3A_62], %get3A_61 {strides = array<i32>} : memref<80xi32, #tpu.memory_space<vmem>>, vector<16xi32>,
      %get3A_64 = arith.constant 32 : index
      %get3A_65 = tpu.vector_load %arg10[%get3A_64] {strides = array<i32>} : memref<80xi32, #tpu.memory_space<vmem>>, vector<16xi32>,
      %swap3A_66 = arith.constant 32 : index
      %swap3A_67 = tpu.vector_load %arg11[%swap3A_66] {strides = array<i32>} : memref<80xi32, #tpu.memory_space<vmem>>, vector<16xi32>,
      tpu.vector_store %arg11[%swap3A_66], %get3A_65 {strides = array<i32>} : memref<80xi32, #tpu.memory_space<vmem>>, vector<16xi32>,
      %get3A_68 = arith.constant 48 : index
      %get3A_69 = tpu.vector_load %arg10[%get3A_68] {strides = array<i32>} : memref<80xi32, #tpu.memory_space<vmem>>, vector<16xi32>,
      %swap3A_70 = arith.constant 48 : index
      %swap3A_71 = tpu.vector_load %arg11[%swap3A_70] {strides = array<i32>} : memref<80xi32, #tpu.memory_space<vmem>>, vector<16xi32>,
      tpu.vector_store %arg11[%swap3A_70], %get3A_69 {strides = array<i32>} : memref<80xi32, #tpu.memory_space<vmem>>, vector<16xi32>,
      %get3A_72 = arith.constant 64 : index
      %get3A_73 = tpu.vector_load %arg10[%get3A_72] {strides = array<i32>} : memref<80xi32, #tpu.memory_space<vmem>>, vector<16xi32>,
      %swap3A_74 = arith.constant 64 : index
      %swap3A_75 = tpu.vector_load %arg11[%swap3A_74] {strides = array<i32>} : memref<80xi32, #tpu.memory_space<vmem>>, vector<16xi32>,
      tpu.vector_store %arg11[%swap3A_74], %get3A_73 {strides = array<i32>} : memref<80xi32, #tpu.memory_space<vmem>>, vector<16xi32>,
      %dma_start3A_76 = arith.constant 0 : i32
      %dma_start3A_77 = arith.constant 0 : i32
      %dma_start3A_78 = tpu.memref_slice %arg22[%dma_start3A_76, %dma_start3A_77] : memref<10000x128xf32, #tpu.memory_space<vmem_shared>> -> memref<10000x128xf32, #tpu.memory_space<vmem_shared>>
      tpu.enqueue_indirect_dma source(%arg14 : memref<80x128xf32, #tpu.memory_space<vmem>>) target(%dma_start3A_78 : memref<10000x128xf32, #tpu.memory_space<vmem_shared>>) offsets(%arg11 : memref<80xi32, #tpu.memory_space<vmem>>) semaphore(%arg20 : memref<!tpu.dma_semaphore, #tpu.memory_space<semaphore_mem>>) {add = true}
      %dma_start3A_79 = arith.constant 0 : i32
      %dma_start3A_80 = tpu.memref_slice %arg8[%mul3A_36, %dma_start3A_79] : memref<320000x16xf32, #tpu.memory_space<hbm>> -> memref<80x16xf32, #tpu.memory_space<hbm>>
      %dma_start3A_81 = arith.constant 0 : i32
      %dma_start3A_82 = tpu.memref_slice %arg8[%mul3A_36, %dma_start3A_81] : memref<320000x16xf32, #tpu.memory_space<hbm>> -> memref<80x16xf32, #tpu.memory_space<hbm>>
      tpu.enqueue_dma source(%arg15 : memref<80x16xf32, #tpu.memory_space<vmem>>) target(%dma_start3A_82 : memref<80x16xf32, #tpu.memory_space<hbm>>) target_semaphore(%arg21 : memref<!tpu.dma_semaphore, #tpu.memory_space<semaphore_mem>>)
    }
    %scan3A_21 = arith.constant 125 : i32
    %dma_wait3A = arith.constant 0 : i32
    %dma_wait3A_22 = arith.constant 0 : i32
    %dma_wait3A_23 = tpu.memref_slice %arg22[%dma_wait3A, %dma_wait3A_22] : memref<10000x128xf32, #tpu.memory_space<vmem_shared>> -> memref<10000x128xf32, #tpu.memory_space<vmem_shared>>
    tpu.wait_indirect_dma semaphore(%arg20 : memref<!tpu.dma_semaphore, #tpu.memory_space<semaphore_mem>>) src(%arg14 : memref<80x128xf32, #tpu.memory_space<vmem>>) dst(%dma_wait3A_23 : memref<10000x128xf32, #tpu.memory_space<vmem_shared>>)
    %mul3A_24 = arith.constant 80 : i32
    %mul3A_25 = arith.muli %mul3A_15, %mul3A_24 : i32
    %dma_wait3A_26 = arith.constant 0 : i32
    %dma_wait3A_27 = tpu.memref_slice %arg8[%mul3A_25, %dma_wait3A_26] : memref<320000x16xf32, #tpu.memory_space<hbm>> -> memref<80x16xf32, #tpu.memory_space<hbm>>
    %dma_wait3A_28 = arith.constant 0 : i32
    %dma_wait3A_29 = tpu.memref_slice %arg8[%mul3A_25, %dma_wait3A_28] : memref<320000x16xf32, #tpu.memory_space<hbm>> -> memref<80x16xf32, #tpu.memory_space<hbm>>
    tpu.wait_dma2 semaphore(%arg21 : memref<!tpu.dma_semaphore, #tpu.memory_space<semaphore_mem>>) src(%arg15 : memref<80x16xf32, #tpu.memory_space<vmem>>) dst(%dma_wait3A_29 : memref<80x16xf32, #tpu.memory_space<hbm>>)
    %barrier3A_30 = arith.constant 0 : index
    tpu.barrier barrier_id(%barrier3A_30)
    "tpu.region"() ({
      %run_scoped3A = tpu.sem_alloc : memref<!tpu.dma_semaphore, #tpu.memory_space<semaphore_mem>>
      %dma_start3A = arith.constant 0 : i32
      %dma_start3A_33 = tpu.memref_slice %arg7[%arg0, %mul3A_7, %dma_start3A] : memref<2x10000x128xf32, #tpu.memory_space<hbm>> -> memref<1x624x128xf32, #tpu.memory_space<hbm>>
      %dma_start3A_34 = tpu.memref_squeeze %dma_start3A_33 : memref<1x624x128xf32, #tpu.memory_space<hbm>> -> memref<624x128xf32, #tpu.memory_space<hbm>>
      %dma_start3A_35 = arith.constant 0 : i32
      %dma_start3A_36 = tpu.memref_slice %arg22[%mul3A_7, %dma_start3A_35] : memref<10000x128xf32, #tpu.memory_space<vmem_shared>> -> memref<624x128xf32, #tpu.memory_space<vmem_shared>>
      tpu.enqueue_dma source(%dma_start3A_36 : memref<624x128xf32, #tpu.memory_space<vmem_shared>>) target(%dma_start3A_34 : memref<624x128xf32, #tpu.memory_space<hbm>>) target_semaphore(%run_scoped3A : memref<!tpu.dma_semaphore, #tpu.memory_space<semaphore_mem>>)
      %dma_wait3A_37 = arith.constant 0 : i32
      %dma_wait3A_38 = tpu.memref_slice %arg7[%arg0, %mul3A_7, %dma_wait3A_37] : memref<2x10000x128xf32, #tpu.memory_space<hbm>> -> memref<1x624x128xf32, #tpu.memory_space<hbm>>
      %dma_wait3A_39 = tpu.memref_squeeze %dma_wait3A_38 : memref<1x624x128xf32, #tpu.memory_space<hbm>> -> memref<624x128xf32, #tpu.memory_space<hbm>>
      %dma_wait3A_40 = arith.constant 0 : i32
      %dma_wait3A_41 = tpu.memref_slice %arg22[%mul3A_7, %dma_wait3A_40] : memref<10000x128xf32, #tpu.memory_space<vmem_shared>> -> memref<624x128xf32, #tpu.memory_space<vmem_shared>>
      tpu.wait_dma2 semaphore(%run_scoped3A : memref<!tpu.dma_semaphore, #tpu.memory_space<semaphore_mem>>) src(%dma_wait3A_41 : memref<624x128xf32, #tpu.memory_space<vmem_shared>>) dst(%dma_wait3A_39 : memref<624x128xf32, #tpu.memory_space<hbm>>)
      tpu.yield
    }) : () -> ()
    %eq3A = arith.constant 15 : i32
    %eq3A_31 = arith.cmpi eq, %arg1, %eq3A : i32
    %convert_element_type3A = arith.extui %eq3A_31 : i1 to i32
    %cond3A = arith.constant 0 : i32
    %cond3A_32 = arith.cmpi ne, %convert_element_type3A, %cond3A : i32
    scf.if %cond3A_32 {
      "tpu.region"() ({
        %run_scoped3A = tpu.sem_alloc : memref<!tpu.dma_semaphore, #tpu.memory_space<semaphore_mem>>
        %dma_start3A = arith.constant 9984 : i32
        %dma_start3A_33 = arith.constant 0 : i32
        %dma_start3A_34 = tpu.memref_slice %arg7[%arg0, %dma_start3A, %dma_start3A_33] : memref<2x10000x128xf32, #tpu.memory_space<hbm>> -> memref<1x16x128xf32, #tpu.memory_space<hbm>>
        %dma_start3A_35 = tpu.memref_squeeze %dma_start3A_34 : memref<1x16x128xf32, #tpu.memory_space<hbm>> -> memref<16x128xf32, #tpu.memory_space<hbm>>
        %dma_start3A_36 = arith.constant 9984 : i32
        %dma_start3A_37 = arith.constant 0 : i32
        %dma_start3A_38 = tpu.memref_slice %arg22[%dma_start3A_36, %dma_start3A_37] : memref<10000x128xf32, #tpu.memory_space<vmem_shared>> -> memref<16x128xf32, #tpu.memory_space<vmem_shared>>
        tpu.enqueue_dma source(%dma_start3A_38 : memref<16x128xf32, #tpu.memory_space<vmem_shared>>) target(%dma_start3A_35 : memref<16x128xf32, #tpu.memory_space<hbm>>) target_semaphore(%run_scoped3A : memref<!tpu.dma_semaphore, #tpu.memory_space<semaphore_mem>>)
        %dma_wait3A_39 = arith.constant 9984 : i32
        %dma_wait3A_40 = arith.constant 0 : i32
        %dma_wait3A_41 = tpu.memref_slice %arg7[%arg0, %dma_wait3A_39, %dma_wait3A_40] : memref<2x10000x128xf32, #tpu.memory_space<hbm>> -> memref<1x16x128xf32, #tpu.memory_space<hbm>>
        %dma_wait3A_42 = tpu.memref_squeeze %dma_wait3A_41 : memref<1x16x128xf32, #tpu.memory_space<hbm>> -> memref<16x128xf32, #tpu.memory_space<hbm>>
        %dma_wait3A_43 = arith.constant 9984 : i32
        %dma_wait3A_44 = arith.constant 0 : i32
        %dma_wait3A_45 = tpu.memref_slice %arg22[%dma_wait3A_43, %dma_wait3A_44] : memref<10000x128xf32, #tpu.memory_space<vmem_shared>> -> memref<16x128xf32, #tpu.memory_space<vmem_shared>>
        tpu.wait_dma2 semaphore(%run_scoped3A : memref<!tpu.dma_semaphore, #tpu.memory_space<semaphore_mem>>) src(%dma_wait3A_45 : memref<16x128xf32, #tpu.memory_space<vmem_shared>>) dst(%dma_wait3A_42 : memref<16x128xf32, #tpu.memory_space<hbm>>)
        tpu.yield
      }) : () -> ()
    } else {
    }
    return
  }
}

#map = affine_map<(d0, d1) -> (0, 0)>
#map1 = affine_map<(d0, d1) -> (0)>
#map2 = affine_map<(d0, d1) -> (0, 0, 0)>
module attributes {stable_mosaic.version = 14 : i64} {
  func.func @_scden_body(%arg0: i32, %arg1: i32, %arg2: memref<320000x16xf32, #tpu.memory_space<hbm>>, %arg3: memref<320000xi32, #tpu.memory_space<hbm>>, %arg4: memref<2x10000x16xf32, #tpu.memory_space<hbm>>, %arg5: memref<80xi32, #tpu.memory_space<vmem>>, %arg6: memref<80x16xf32, #tpu.memory_space<vmem>>, %arg7: memref<16x16xf32, #tpu.memory_space<vmem>>, %arg8: memref<10000x16xf32, #tpu.memory_space<vmem_shared>>) attributes {dimension_semantics = [#tpu.dimension_semantics<core_parallel>, #tpu.dimension_semantics<subcore_parallel>], iteration_bounds = array<i64: 2, 16>, scalar_prefetch = 0 : i64, scratch_operands = 4 : i64, tpu.core_type = #tpu.core_type<sc_vector_subcore>, window_params = [{transform_indices = #map}, {transform_indices = #map1}, {transform_indices = #map2}]} {
    %mul3A = arith.constant 16 : i32
    %mul3A_0 = arith.muli %arg0, %mul3A : i32
    %add3A = arith.addi %mul3A_0, %arg1 : i32
    %scan3A = arith.constant 0 : i32
    %scan3A_1 = arith.constant 0 : i32
    %scan3A_2 = arith.constant 16 : i32
    %scan3A_3 = arith.addi %scan3A_1, %scan3A_2 : i32
    %scan3A_4 = arith.constant 1 : i32
    scf.for %scan3A_23 = %scan3A_1 to %scan3A_3 step %scan3A_4  : i32 {
      %broadcast_in_dim3A = arith.constant 0.000000e+00 : f32
      %broadcast_in_dim3A_24 = vector.broadcast %broadcast_in_dim3A : f32 to vector<16xf32>
      %swap3A = arith.index_cast %scan3A_23 : i32 to index
      %swap3A_25 = arith.constant 0 : index
      %swap3A_26 = tpu.vector_load %arg7[%swap3A, %swap3A_25] {strides = array<i32>} : memref<16x16xf32, #tpu.memory_space<vmem>>, vector<16xf32>,
      tpu.vector_store %arg7[%swap3A, %swap3A_25], %broadcast_in_dim3A_24 {strides = array<i32>} : memref<16x16xf32, #tpu.memory_space<vmem>>, vector<16xf32>,
    }
    %scan3A_5 = arith.constant 16 : i32
    %mul3A_6 = arith.constant 624 : i32
    %mul3A_7 = arith.muli %arg1, %mul3A_6 : i32
    %scan3A_8 = arith.constant 0 : i32
    %scan3A_9 = arith.constant 0 : i32
    %scan3A_10 = arith.constant 40 : i32
    %scan3A_11 = arith.addi %scan3A_9, %scan3A_10 : i32
    %scan3A_12 = arith.constant 1 : i32
    scf.for %scan3A_23 = %scan3A_9 to %scan3A_11 step %scan3A_12  : i32 {
      %mul3A_24 = arith.constant 16 : i32
      %mul3A_25 = arith.muli %scan3A_23, %mul3A_24 : i32
      %add3A_26 = arith.addi %mul3A_7, %mul3A_25 : i32
      "tpu.region"() ({
        %run_scoped3A = tpu.sem_alloc : memref<!tpu.dma_semaphore, #tpu.memory_space<semaphore_mem>>
        %dma_start3A = arith.constant 0 : i32
        %dma_start3A_27 = tpu.memref_slice %arg8[%add3A_26, %dma_start3A] : memref<10000x16xf32, #tpu.memory_space<vmem_shared>> -> memref<16x16xf32, #tpu.memory_space<vmem_shared>>
        %dma_start3A_28 = arith.constant 0 : i32
        %dma_start3A_29 = tpu.memref_slice %arg8[%add3A_26, %dma_start3A_28] : memref<10000x16xf32, #tpu.memory_space<vmem_shared>> -> memref<16x16xf32, #tpu.memory_space<vmem_shared>>
        tpu.enqueue_dma source(%arg7 : memref<16x16xf32, #tpu.memory_space<vmem>>) target(%dma_start3A_29 : memref<16x16xf32, #tpu.memory_space<vmem_shared>>) target_semaphore(%run_scoped3A : memref<!tpu.dma_semaphore, #tpu.memory_space<semaphore_mem>>)
        %dma_wait3A = arith.constant 0 : i32
        %dma_wait3A_30 = tpu.memref_slice %arg8[%add3A_26, %dma_wait3A] : memref<10000x16xf32, #tpu.memory_space<vmem_shared>> -> memref<16x16xf32, #tpu.memory_space<vmem_shared>>
        %dma_wait3A_31 = arith.constant 0 : i32
        %dma_wait3A_32 = tpu.memref_slice %arg8[%add3A_26, %dma_wait3A_31] : memref<10000x16xf32, #tpu.memory_space<vmem_shared>> -> memref<16x16xf32, #tpu.memory_space<vmem_shared>>
        tpu.wait_dma2 semaphore(%run_scoped3A : memref<!tpu.dma_semaphore, #tpu.memory_space<semaphore_mem>>) src(%arg7 : memref<16x16xf32, #tpu.memory_space<vmem>>) dst(%dma_wait3A_32 : memref<16x16xf32, #tpu.memory_space<vmem_shared>>)
        tpu.yield
      }) : () -> ()
    }
    %scan3A_13 = arith.constant 40 : i32
    %barrier3A = arith.constant 0 : index
    tpu.barrier barrier_id(%barrier3A)
    %scan3A_14 = arith.constant 0 : i32
    %scan3A_15 = arith.constant 0 : i32
    %scan3A_16 = arith.constant 125 : i32
    %scan3A_17 = arith.addi %scan3A_15, %scan3A_16 : i32
    %scan3A_18 = arith.constant 1 : i32
    scf.for %scan3A_23 = %scan3A_15 to %scan3A_17 step %scan3A_18  : i32 {
      %mul3A_24 = arith.constant 125 : i32
      %mul3A_25 = arith.muli %add3A, %mul3A_24 : i32
      %add3A_26 = arith.addi %mul3A_25, %scan3A_23 : i32
      %mul3A_27 = arith.constant 80 : i32
      %mul3A_28 = arith.muli %add3A_26, %mul3A_27 : i32
      "tpu.region"() ({
        %run_scoped3A = tpu.sem_alloc : memref<!tpu.dma_semaphore, #tpu.memory_space<semaphore_mem>>
        %dma_start3A = tpu.memref_slice %arg3[%mul3A_28] : memref<320000xi32, #tpu.memory_space<hbm>> -> memref<80xi32, #tpu.memory_space<hbm>>
        %dma_start3A_29 = tpu.memref_slice %arg3[%mul3A_28] : memref<320000xi32, #tpu.memory_space<hbm>> -> memref<80xi32, #tpu.memory_space<hbm>>
        tpu.enqueue_dma source(%dma_start3A_29 : memref<80xi32, #tpu.memory_space<hbm>>) target(%arg5 : memref<80xi32, #tpu.memory_space<vmem>>) target_semaphore(%run_scoped3A : memref<!tpu.dma_semaphore, #tpu.memory_space<semaphore_mem>>)
        %dma_wait3A = tpu.memref_slice %arg3[%mul3A_28] : memref<320000xi32, #tpu.memory_space<hbm>> -> memref<80xi32, #tpu.memory_space<hbm>>
        %dma_wait3A_30 = tpu.memref_slice %arg3[%mul3A_28] : memref<320000xi32, #tpu.memory_space<hbm>> -> memref<80xi32, #tpu.memory_space<hbm>>
        tpu.wait_dma2 semaphore(%run_scoped3A : memref<!tpu.dma_semaphore, #tpu.memory_space<semaphore_mem>>) src(%dma_wait3A_30 : memref<80xi32, #tpu.memory_space<hbm>>) dst(%arg5 : memref<80xi32, #tpu.memory_space<vmem>>)
        tpu.yield
      }) : () -> ()
      "tpu.region"() ({
        %run_scoped3A = tpu.sem_alloc : memref<!tpu.dma_semaphore, #tpu.memory_space<semaphore_mem>>
        %dma_start3A = arith.constant 0 : i32
        %dma_start3A_29 = tpu.memref_slice %arg2[%mul3A_28, %dma_start3A] : memref<320000x16xf32, #tpu.memory_space<hbm>> -> memref<80x16xf32, #tpu.memory_space<hbm>>
        %dma_start3A_30 = arith.constant 0 : i32
        %dma_start3A_31 = tpu.memref_slice %arg2[%mul3A_28, %dma_start3A_30] : memref<320000x16xf32, #tpu.memory_space<hbm>> -> memref<80x16xf32, #tpu.memory_space<hbm>>
        tpu.enqueue_dma source(%dma_start3A_31 : memref<80x16xf32, #tpu.memory_space<hbm>>) target(%arg6 : memref<80x16xf32, #tpu.memory_space<vmem>>) target_semaphore(%run_scoped3A : memref<!tpu.dma_semaphore, #tpu.memory_space<semaphore_mem>>)
        %dma_wait3A = arith.constant 0 : i32
        %dma_wait3A_32 = tpu.memref_slice %arg2[%mul3A_28, %dma_wait3A] : memref<320000x16xf32, #tpu.memory_space<hbm>> -> memref<80x16xf32, #tpu.memory_space<hbm>>
        %dma_wait3A_33 = arith.constant 0 : i32
        %dma_wait3A_34 = tpu.memref_slice %arg2[%mul3A_28, %dma_wait3A_33] : memref<320000x16xf32, #tpu.memory_space<hbm>> -> memref<80x16xf32, #tpu.memory_space<hbm>>
        tpu.wait_dma2 semaphore(%run_scoped3A : memref<!tpu.dma_semaphore, #tpu.memory_space<semaphore_mem>>) src(%dma_wait3A_34 : memref<80x16xf32, #tpu.memory_space<hbm>>) dst(%arg6 : memref<80x16xf32, #tpu.memory_space<vmem>>)
        tpu.yield
      }) : () -> ()
      "tpu.region"() ({
        %run_scoped3A = tpu.sem_alloc : memref<!tpu.dma_semaphore, #tpu.memory_space<semaphore_mem>>
        %dma_start3A = arith.constant 0 : i32
        %dma_start3A_29 = arith.constant 0 : i32
        %dma_start3A_30 = tpu.memref_slice %arg8[%dma_start3A, %dma_start3A_29] : memref<10000x16xf32, #tpu.memory_space<vmem_shared>> -> memref<10000x16xf32, #tpu.memory_space<vmem_shared>>
        tpu.enqueue_indirect_dma source(%arg6 : memref<80x16xf32, #tpu.memory_space<vmem>>) target(%dma_start3A_30 : memref<10000x16xf32, #tpu.memory_space<vmem_shared>>) offsets(%arg5 : memref<80xi32, #tpu.memory_space<vmem>>) semaphore(%run_scoped3A : memref<!tpu.dma_semaphore, #tpu.memory_space<semaphore_mem>>) {add = true}
        %dma_wait3A = arith.constant 0 : i32
        %dma_wait3A_31 = arith.constant 0 : i32
        %dma_wait3A_32 = tpu.memref_slice %arg8[%dma_wait3A, %dma_wait3A_31] : memref<10000x16xf32, #tpu.memory_space<vmem_shared>> -> memref<10000x16xf32, #tpu.memory_space<vmem_shared>>
        tpu.wait_indirect_dma semaphore(%run_scoped3A : memref<!tpu.dma_semaphore, #tpu.memory_space<semaphore_mem>>) src(%arg6 : memref<80x16xf32, #tpu.memory_space<vmem>>) dst(%dma_wait3A_32 : memref<10000x16xf32, #tpu.memory_space<vmem_shared>>)
        tpu.yield
      }) : () -> ()
    }
    %scan3A_19 = arith.constant 125 : i32
    %barrier3A_20 = arith.constant 0 : index
    tpu.barrier barrier_id(%barrier3A_20)
    "tpu.region"() ({
      %run_scoped3A = tpu.sem_alloc : memref<!tpu.dma_semaphore, #tpu.memory_space<semaphore_mem>>
      %dma_start3A = arith.constant 0 : i32
      %dma_start3A_23 = tpu.memref_slice %arg4[%arg0, %mul3A_7, %dma_start3A] : memref<2x10000x16xf32, #tpu.memory_space<hbm>> -> memref<1x624x16xf32, #tpu.memory_space<hbm>>
      %dma_start3A_24 = tpu.memref_squeeze %dma_start3A_23 : memref<1x624x16xf32, #tpu.memory_space<hbm>> -> memref<624x16xf32, #tpu.memory_space<hbm>>
      %dma_start3A_25 = arith.constant 0 : i32
      %dma_start3A_26 = tpu.memref_slice %arg8[%mul3A_7, %dma_start3A_25] : memref<10000x16xf32, #tpu.memory_space<vmem_shared>> -> memref<624x16xf32, #tpu.memory_space<vmem_shared>>
      tpu.enqueue_dma source(%dma_start3A_26 : memref<624x16xf32, #tpu.memory_space<vmem_shared>>) target(%dma_start3A_24 : memref<624x16xf32, #tpu.memory_space<hbm>>) target_semaphore(%run_scoped3A : memref<!tpu.dma_semaphore, #tpu.memory_space<semaphore_mem>>)
      %dma_wait3A = arith.constant 0 : i32
      %dma_wait3A_27 = tpu.memref_slice %arg4[%arg0, %mul3A_7, %dma_wait3A] : memref<2x10000x16xf32, #tpu.memory_space<hbm>> -> memref<1x624x16xf32, #tpu.memory_space<hbm>>
      %dma_wait3A_28 = tpu.memref_squeeze %dma_wait3A_27 : memref<1x624x16xf32, #tpu.memory_space<hbm>> -> memref<624x16xf32, #tpu.memory_space<hbm>>
      %dma_wait3A_29 = arith.constant 0 : i32
      %dma_wait3A_30 = tpu.memref_slice %arg8[%mul3A_7, %dma_wait3A_29] : memref<10000x16xf32, #tpu.memory_space<vmem_shared>> -> memref<624x16xf32, #tpu.memory_space<vmem_shared>>
      tpu.wait_dma2 semaphore(%run_scoped3A : memref<!tpu.dma_semaphore, #tpu.memory_space<semaphore_mem>>) src(%dma_wait3A_30 : memref<624x16xf32, #tpu.memory_space<vmem_shared>>) dst(%dma_wait3A_28 : memref<624x16xf32, #tpu.memory_space<hbm>>)
      tpu.yield
    }) : () -> ()
    %eq3A = arith.constant 15 : i32
    %eq3A_21 = arith.cmpi eq, %arg1, %eq3A : i32
    %convert_element_type3A = arith.extui %eq3A_21 : i1 to i32
    %cond3A = arith.constant 0 : i32
    %cond3A_22 = arith.cmpi ne, %convert_element_type3A, %cond3A : i32
    scf.if %cond3A_22 {
      "tpu.region"() ({
        %run_scoped3A = tpu.sem_alloc : memref<!tpu.dma_semaphore, #tpu.memory_space<semaphore_mem>>
        %dma_start3A = arith.constant 9984 : i32
        %dma_start3A_23 = arith.constant 0 : i32
        %dma_start3A_24 = tpu.memref_slice %arg4[%arg0, %dma_start3A, %dma_start3A_23] : memref<2x10000x16xf32, #tpu.memory_space<hbm>> -> memref<1x16x16xf32, #tpu.memory_space<hbm>>
        %dma_start3A_25 = tpu.memref_squeeze %dma_start3A_24 : memref<1x16x16xf32, #tpu.memory_space<hbm>> -> memref<16x16xf32, #tpu.memory_space<hbm>>
        %dma_start3A_26 = arith.constant 9984 : i32
        %dma_start3A_27 = arith.constant 0 : i32
        %dma_start3A_28 = tpu.memref_slice %arg8[%dma_start3A_26, %dma_start3A_27] : memref<10000x16xf32, #tpu.memory_space<vmem_shared>> -> memref<16x16xf32, #tpu.memory_space<vmem_shared>>
        tpu.enqueue_dma source(%dma_start3A_28 : memref<16x16xf32, #tpu.memory_space<vmem_shared>>) target(%dma_start3A_25 : memref<16x16xf32, #tpu.memory_space<hbm>>) target_semaphore(%run_scoped3A : memref<!tpu.dma_semaphore, #tpu.memory_space<semaphore_mem>>)
        %dma_wait3A = arith.constant 9984 : i32
        %dma_wait3A_29 = arith.constant 0 : i32
        %dma_wait3A_30 = tpu.memref_slice %arg4[%arg0, %dma_wait3A, %dma_wait3A_29] : memref<2x10000x16xf32, #tpu.memory_space<hbm>> -> memref<1x16x16xf32, #tpu.memory_space<hbm>>
        %dma_wait3A_31 = tpu.memref_squeeze %dma_wait3A_30 : memref<1x16x16xf32, #tpu.memory_space<hbm>> -> memref<16x16xf32, #tpu.memory_space<hbm>>
        %dma_wait3A_32 = arith.constant 9984 : i32
        %dma_wait3A_33 = arith.constant 0 : i32
        %dma_wait3A_34 = tpu.memref_slice %arg8[%dma_wait3A_32, %dma_wait3A_33] : memref<10000x16xf32, #tpu.memory_space<vmem_shared>> -> memref<16x16xf32, #tpu.memory_space<vmem_shared>>
        tpu.wait_dma2 semaphore(%run_scoped3A : memref<!tpu.dma_semaphore, #tpu.memory_space<semaphore_mem>>) src(%dma_wait3A_34 : memref<16x16xf32, #tpu.memory_space<vmem_shared>>) dst(%dma_wait3A_31 : memref<16x16xf32, #tpu.memory_space<hbm>>)
        tpu.yield
      }) : () -> ()
    } else {
    }
    return
  }
}

#map = affine_map<(d0, d1) -> (0, 0)>
#map1 = affine_map<(d0, d1) -> (0)>
#map2 = affine_map<(d0, d1) -> (0, 0, 0)>
module attributes {stable_mosaic.version = 14 : i64} {
  func.func @_sc2_body(%arg0: i32, %arg1: i32, %arg2: memref<10000x128xf32, #tpu.memory_space<hbm>>, %arg3: memref<320000xi32, #tpu.memory_space<hbm>>, %arg4: memref<320000xi32, #tpu.memory_space<hbm>>, %arg5: memref<64xf32, #tpu.memory_space<hbm>>, %arg6: memref<2x10000x64xf32, #tpu.memory_space<hbm>>, %arg7: memref<320000x16xf32, #tpu.memory_space<hbm>>, %arg8: memref<80xi32, #tpu.memory_space<vmem>>, %arg9: memref<80xi32, #tpu.memory_space<vmem>>, %arg10: memref<80xi32, #tpu.memory_space<vmem>>, %arg11: memref<80x128xf32, #tpu.memory_space<vmem>>, %arg12: memref<80x128xf32, #tpu.memory_space<vmem>>, %arg13: memref<80x64xf32, #tpu.memory_space<vmem>>, %arg14: memref<80x16xf32, #tpu.memory_space<vmem>>, %arg15: memref<64xf32, #tpu.memory_space<vmem>>, %arg16: memref<16x64xf32, #tpu.memory_space<vmem>>, %arg17: memref<!tpu.dma_semaphore, #tpu.memory_space<semaphore_mem>>, %arg18: memref<!tpu.dma_semaphore, #tpu.memory_space<semaphore_mem>>, %arg19: memref<!tpu.dma_semaphore, #tpu.memory_space<semaphore_mem>>, %arg20: memref<!tpu.dma_semaphore, #tpu.memory_space<semaphore_mem>>, %arg21: memref<10000x64xf32, #tpu.memory_space<vmem_shared>>) attributes {dimension_semantics = [#tpu.dimension_semantics<core_parallel>, #tpu.dimension_semantics<subcore_parallel>], iteration_bounds = array<i64: 2, 16>, scalar_prefetch = 0 : i64, scratch_operands = 14 : i64, tpu.core_type = #tpu.core_type<sc_vector_subcore>, window_params = [{transform_indices = #map}, {transform_indices = #map1}, {transform_indices = #map1}, {transform_indices = #map1}, {transform_indices = #map2}, {transform_indices = #map}]} {
    %mul3A = arith.constant 16 : i32
    %mul3A_0 = arith.muli %arg0, %mul3A : i32
    %add3A = arith.addi %mul3A_0, %arg1 : i32
    "tpu.region"() ({
      %run_scoped3A = tpu.sem_alloc : memref<!tpu.dma_semaphore, #tpu.memory_space<semaphore_mem>>
      tpu.enqueue_dma source(%arg5 : memref<64xf32, #tpu.memory_space<hbm>>) target(%arg15 : memref<64xf32, #tpu.memory_space<vmem>>) target_semaphore(%run_scoped3A : memref<!tpu.dma_semaphore, #tpu.memory_space<semaphore_mem>>)
      tpu.wait_dma2 semaphore(%run_scoped3A : memref<!tpu.dma_semaphore, #tpu.memory_space<semaphore_mem>>) src(%arg5 : memref<64xf32, #tpu.memory_space<hbm>>) dst(%arg15 : memref<64xf32, #tpu.memory_space<vmem>>)
      tpu.yield
    }) : () -> ()
    %scan3A = arith.constant 0 : i32
    %scan3A_1 = arith.constant 0 : i32
    %scan3A_2 = arith.constant 16 : i32
    %scan3A_3 = arith.addi %scan3A_1, %scan3A_2 : i32
    %scan3A_4 = arith.constant 1 : i32
    scf.for %scan3A_33 = %scan3A_1 to %scan3A_3 step %scan3A_4  : i32 {
      %broadcast_in_dim3A = arith.constant 0.000000e+00 : f32
      %broadcast_in_dim3A_34 = vector.broadcast %broadcast_in_dim3A : f32 to vector<16xf32>
      %swap3A = arith.index_cast %scan3A_33 : i32 to index
      %swap3A_35 = arith.constant 0 : index
      %swap3A_36 = tpu.vector_load %arg16[%swap3A, %swap3A_35] {strides = array<i32>} : memref<16x64xf32, #tpu.memory_space<vmem>>, vector<16xf32>,
      tpu.vector_store %arg16[%swap3A, %swap3A_35], %broadcast_in_dim3A_34 {strides = array<i32>} : memref<16x64xf32, #tpu.memory_space<vmem>>, vector<16xf32>,
      %broadcast_in_dim3A_37 = arith.constant 0.000000e+00 : f32
      %broadcast_in_dim3A_38 = vector.broadcast %broadcast_in_dim3A_37 : f32 to vector<16xf32>
      %swap3A_39 = arith.index_cast %scan3A_33 : i32 to index
      %swap3A_40 = arith.constant 16 : index
      %swap3A_41 = tpu.vector_load %arg16[%swap3A_39, %swap3A_40] {strides = array<i32>} : memref<16x64xf32, #tpu.memory_space<vmem>>, vector<16xf32>,
      tpu.vector_store %arg16[%swap3A_39, %swap3A_40], %broadcast_in_dim3A_38 {strides = array<i32>} : memref<16x64xf32, #tpu.memory_space<vmem>>, vector<16xf32>,
      %broadcast_in_dim3A_42 = arith.constant 0.000000e+00 : f32
      %broadcast_in_dim3A_43 = vector.broadcast %broadcast_in_dim3A_42 : f32 to vector<16xf32>
      %swap3A_44 = arith.index_cast %scan3A_33 : i32 to index
      %swap3A_45 = arith.constant 32 : index
      %swap3A_46 = tpu.vector_load %arg16[%swap3A_44, %swap3A_45] {strides = array<i32>} : memref<16x64xf32, #tpu.memory_space<vmem>>, vector<16xf32>,
      tpu.vector_store %arg16[%swap3A_44, %swap3A_45], %broadcast_in_dim3A_43 {strides = array<i32>} : memref<16x64xf32, #tpu.memory_space<vmem>>, vector<16xf32>,
      %broadcast_in_dim3A_47 = arith.constant 0.000000e+00 : f32
      %broadcast_in_dim3A_48 = vector.broadcast %broadcast_in_dim3A_47 : f32 to vector<16xf32>
      %swap3A_49 = arith.index_cast %scan3A_33 : i32 to index
      %swap3A_50 = arith.constant 48 : index
      %swap3A_51 = tpu.vector_load %arg16[%swap3A_49, %swap3A_50] {strides = array<i32>} : memref<16x64xf32, #tpu.memory_space<vmem>>, vector<16xf32>,
      tpu.vector_store %arg16[%swap3A_49, %swap3A_50], %broadcast_in_dim3A_48 {strides = array<i32>} : memref<16x64xf32, #tpu.memory_space<vmem>>, vector<16xf32>,
    }
    %scan3A_5 = arith.constant 16 : i32
    %mul3A_6 = arith.constant 624 : i32
    %mul3A_7 = arith.muli %arg1, %mul3A_6 : i32
    %scan3A_8 = arith.constant 0 : i32
    %scan3A_9 = arith.constant 0 : i32
    %scan3A_10 = arith.constant 40 : i32
    %scan3A_11 = arith.addi %scan3A_9, %scan3A_10 : i32
    %scan3A_12 = arith.constant 1 : i32
    scf.for %scan3A_33 = %scan3A_9 to %scan3A_11 step %scan3A_12  : i32 {
      %mul3A_34 = arith.constant 16 : i32
      %mul3A_35 = arith.muli %scan3A_33, %mul3A_34 : i32
      %add3A_36 = arith.addi %mul3A_7, %mul3A_35 : i32
      "tpu.region"() ({
        %run_scoped3A = tpu.sem_alloc : memref<!tpu.dma_semaphore, #tpu.memory_space<semaphore_mem>>
        %dma_start3A = arith.constant 0 : i32
        %dma_start3A_37 = tpu.memref_slice %arg21[%add3A_36, %dma_start3A] : memref<10000x64xf32, #tpu.memory_space<vmem_shared>> -> memref<16x64xf32, #tpu.memory_space<vmem_shared>>
        %dma_start3A_38 = arith.constant 0 : i32
        %dma_start3A_39 = tpu.memref_slice %arg21[%add3A_36, %dma_start3A_38] : memref<10000x64xf32, #tpu.memory_space<vmem_shared>> -> memref<16x64xf32, #tpu.memory_space<vmem_shared>>
        tpu.enqueue_dma source(%arg16 : memref<16x64xf32, #tpu.memory_space<vmem>>) target(%dma_start3A_39 : memref<16x64xf32, #tpu.memory_space<vmem_shared>>) target_semaphore(%run_scoped3A : memref<!tpu.dma_semaphore, #tpu.memory_space<semaphore_mem>>)
        %dma_wait3A_40 = arith.constant 0 : i32
        %dma_wait3A_41 = tpu.memref_slice %arg21[%add3A_36, %dma_wait3A_40] : memref<10000x64xf32, #tpu.memory_space<vmem_shared>> -> memref<16x64xf32, #tpu.memory_space<vmem_shared>>
        %dma_wait3A_42 = arith.constant 0 : i32
        %dma_wait3A_43 = tpu.memref_slice %arg21[%add3A_36, %dma_wait3A_42] : memref<10000x64xf32, #tpu.memory_space<vmem_shared>> -> memref<16x64xf32, #tpu.memory_space<vmem_shared>>
        tpu.wait_dma2 semaphore(%run_scoped3A : memref<!tpu.dma_semaphore, #tpu.memory_space<semaphore_mem>>) src(%arg16 : memref<16x64xf32, #tpu.memory_space<vmem>>) dst(%dma_wait3A_43 : memref<16x64xf32, #tpu.memory_space<vmem_shared>>)
        tpu.yield
      }) : () -> ()
    }
    %scan3A_13 = arith.constant 40 : i32
    %barrier3A = arith.constant 0 : index
    tpu.barrier barrier_id(%barrier3A)
    %iota3A = tpu.iota {dimensions = array<i32: 0>} : vector<16xi32>
    %mul3A_14 = arith.constant 125 : i32
    %mul3A_15 = arith.muli %add3A, %mul3A_14 : i32
    %scan3A_16 = arith.constant 0 : i32
    %scan3A_17 = arith.constant 0 : i32
    %scan3A_18 = arith.constant 125 : i32
    %scan3A_19 = arith.addi %scan3A_17, %scan3A_18 : i32
    %scan3A_20 = arith.constant 1 : i32
    scf.for %scan3A_33 = %scan3A_17 to %scan3A_19 step %scan3A_20  : i32 {
      %add3A_34 = arith.addi %mul3A_15, %scan3A_33 : i32
      %mul3A_35 = arith.constant 80 : i32
      %mul3A_36 = arith.muli %add3A_34, %mul3A_35 : i32
      "tpu.region"() ({
        %run_scoped3A = tpu.sem_alloc : memref<!tpu.dma_semaphore, #tpu.memory_space<semaphore_mem>>
        %dma_start3A_83 = tpu.memref_slice %arg3[%mul3A_36] : memref<320000xi32, #tpu.memory_space<hbm>> -> memref<80xi32, #tpu.memory_space<hbm>>
        %dma_start3A_84 = tpu.memref_slice %arg3[%mul3A_36] : memref<320000xi32, #tpu.memory_space<hbm>> -> memref<80xi32, #tpu.memory_space<hbm>>
        tpu.enqueue_dma source(%dma_start3A_84 : memref<80xi32, #tpu.memory_space<hbm>>) target(%arg8 : memref<80xi32, #tpu.memory_space<vmem>>) target_semaphore(%run_scoped3A : memref<!tpu.dma_semaphore, #tpu.memory_space<semaphore_mem>>)
        %dma_wait3A_85 = tpu.memref_slice %arg3[%mul3A_36] : memref<320000xi32, #tpu.memory_space<hbm>> -> memref<80xi32, #tpu.memory_space<hbm>>
        %dma_wait3A_86 = tpu.memref_slice %arg3[%mul3A_36] : memref<320000xi32, #tpu.memory_space<hbm>> -> memref<80xi32, #tpu.memory_space<hbm>>
        tpu.wait_dma2 semaphore(%run_scoped3A : memref<!tpu.dma_semaphore, #tpu.memory_space<semaphore_mem>>) src(%dma_wait3A_86 : memref<80xi32, #tpu.memory_space<hbm>>) dst(%arg8 : memref<80xi32, #tpu.memory_space<vmem>>)
        tpu.yield
      }) : () -> ()
      "tpu.region"() ({
        %run_scoped3A = tpu.sem_alloc : memref<!tpu.dma_semaphore, #tpu.memory_space<semaphore_mem>>
        %dma_start3A_83 = tpu.memref_slice %arg4[%mul3A_36] : memref<320000xi32, #tpu.memory_space<hbm>> -> memref<80xi32, #tpu.memory_space<hbm>>
        %dma_start3A_84 = tpu.memref_slice %arg4[%mul3A_36] : memref<320000xi32, #tpu.memory_space<hbm>> -> memref<80xi32, #tpu.memory_space<hbm>>
        tpu.enqueue_dma source(%dma_start3A_84 : memref<80xi32, #tpu.memory_space<hbm>>) target(%arg9 : memref<80xi32, #tpu.memory_space<vmem>>) target_semaphore(%run_scoped3A : memref<!tpu.dma_semaphore, #tpu.memory_space<semaphore_mem>>)
        %dma_wait3A_85 = tpu.memref_slice %arg4[%mul3A_36] : memref<320000xi32, #tpu.memory_space<hbm>> -> memref<80xi32, #tpu.memory_space<hbm>>
        %dma_wait3A_86 = tpu.memref_slice %arg4[%mul3A_36] : memref<320000xi32, #tpu.memory_space<hbm>> -> memref<80xi32, #tpu.memory_space<hbm>>
        tpu.wait_dma2 semaphore(%run_scoped3A : memref<!tpu.dma_semaphore, #tpu.memory_space<semaphore_mem>>) src(%dma_wait3A_86 : memref<80xi32, #tpu.memory_space<hbm>>) dst(%arg9 : memref<80xi32, #tpu.memory_space<vmem>>)
        tpu.yield
      }) : () -> ()
      %dma_start3A = arith.constant 0 : i32
      %dma_start3A_37 = arith.constant 0 : i32
      %dma_start3A_38 = tpu.memref_slice %arg2[%dma_start3A, %dma_start3A_37] : memref<10000x128xf32, #tpu.memory_space<hbm>> -> memref<10000x128xf32, #tpu.memory_space<hbm>>
      tpu.enqueue_indirect_dma source(%dma_start3A_38 : memref<10000x128xf32, #tpu.memory_space<hbm>>) target(%arg11 : memref<80x128xf32, #tpu.memory_space<vmem>>) offsets(%arg8 : memref<80xi32, #tpu.memory_space<vmem>>) semaphore(%arg17 : memref<!tpu.dma_semaphore, #tpu.memory_space<semaphore_mem>>)
      %dma_start3A_39 = arith.constant 0 : i32
      %dma_start3A_40 = arith.constant 0 : i32
      %dma_start3A_41 = tpu.memref_slice %arg2[%dma_start3A_39, %dma_start3A_40] : memref<10000x128xf32, #tpu.memory_space<hbm>> -> memref<10000x128xf32, #tpu.memory_space<hbm>>
      tpu.enqueue_indirect_dma source(%dma_start3A_41 : memref<10000x128xf32, #tpu.memory_space<hbm>>) target(%arg12 : memref<80x128xf32, #tpu.memory_space<vmem>>) offsets(%arg9 : memref<80xi32, #tpu.memory_space<vmem>>) semaphore(%arg18 : memref<!tpu.dma_semaphore, #tpu.memory_space<semaphore_mem>>)
      %gt3A = arith.constant 0 : i32
      %gt3A_42 = arith.cmpi sgt, %scan3A_33, %gt3A : i32
      %convert_element_type3A_43 = arith.extui %gt3A_42 : i1 to i32
      %cond3A_44 = arith.constant 0 : i32
      %cond3A_45 = arith.cmpi ne, %convert_element_type3A_43, %cond3A_44 : i32
      scf.if %cond3A_45 {
        %dma_wait3A_83 = arith.constant 0 : i32
        %dma_wait3A_84 = arith.constant 0 : i32
        %dma_wait3A_85 = tpu.memref_slice %arg21[%dma_wait3A_83, %dma_wait3A_84] : memref<10000x64xf32, #tpu.memory_space<vmem_shared>> -> memref<10000x64xf32, #tpu.memory_space<vmem_shared>>
        tpu.wait_indirect_dma semaphore(%arg19 : memref<!tpu.dma_semaphore, #tpu.memory_space<semaphore_mem>>) src(%arg13 : memref<80x64xf32, #tpu.memory_space<vmem>>) dst(%dma_wait3A_85 : memref<10000x64xf32, #tpu.memory_space<vmem_shared>>)
        %mul3A_86 = arith.constant 80 : i32
        %mul3A_87 = arith.muli %mul3A_15, %mul3A_86 : i32
        %dma_wait3A_88 = arith.constant 0 : i32
        %dma_wait3A_89 = tpu.memref_slice %arg7[%mul3A_87, %dma_wait3A_88] : memref<320000x16xf32, #tpu.memory_space<hbm>> -> memref<80x16xf32, #tpu.memory_space<hbm>>
        %dma_wait3A_90 = arith.constant 0 : i32
        %dma_wait3A_91 = tpu.memref_slice %arg7[%mul3A_87, %dma_wait3A_90] : memref<320000x16xf32, #tpu.memory_space<hbm>> -> memref<80x16xf32, #tpu.memory_space<hbm>>
        tpu.wait_dma2 semaphore(%arg20 : memref<!tpu.dma_semaphore, #tpu.memory_space<semaphore_mem>>) src(%arg14 : memref<80x16xf32, #tpu.memory_space<vmem>>) dst(%dma_wait3A_91 : memref<80x16xf32, #tpu.memory_space<hbm>>)
      } else {
      }
      %dma_wait3A_46 = arith.constant 0 : i32
      %dma_wait3A_47 = arith.constant 0 : i32
      %dma_wait3A_48 = tpu.memref_slice %arg2[%dma_wait3A_46, %dma_wait3A_47] : memref<10000x128xf32, #tpu.memory_space<hbm>> -> memref<10000x128xf32, #tpu.memory_space<hbm>>
      tpu.wait_indirect_dma semaphore(%arg17 : memref<!tpu.dma_semaphore, #tpu.memory_space<semaphore_mem>>) src(%dma_wait3A_48 : memref<10000x128xf32, #tpu.memory_space<hbm>>) dst(%arg11 : memref<80x128xf32, #tpu.memory_space<vmem>>)
      %dma_wait3A_49 = arith.constant 0 : i32
      %dma_wait3A_50 = arith.constant 0 : i32
      %dma_wait3A_51 = tpu.memref_slice %arg2[%dma_wait3A_49, %dma_wait3A_50] : memref<10000x128xf32, #tpu.memory_space<hbm>> -> memref<10000x128xf32, #tpu.memory_space<hbm>>
      tpu.wait_indirect_dma semaphore(%arg18 : memref<!tpu.dma_semaphore, #tpu.memory_space<semaphore_mem>>) src(%dma_wait3A_51 : memref<10000x128xf32, #tpu.memory_space<hbm>>) dst(%arg12 : memref<80x128xf32, #tpu.memory_space<vmem>>)
      %scan3A_52 = arith.constant 0 : i32
      %scan3A_53 = arith.constant 0 : i32
      %scan3A_54 = arith.constant 80 : i32
      %scan3A_55 = arith.addi %scan3A_53, %scan3A_54 : i32
      %scan3A_56 = arith.constant 1 : i32
      scf.for %scan3A_83 = %scan3A_53 to %scan3A_55 step %scan3A_56  : i32 {
        %get3A_84 = arith.index_cast %scan3A_83 : i32 to index
        %get3A_85 = arith.constant 0 : index
        %get3A_86 = tpu.vector_load %arg11[%get3A_84, %get3A_85] {strides = array<i32>} : memref<80x128xf32, #tpu.memory_space<vmem>>, vector<16xf32>,
        %get3A_87 = arith.index_cast %scan3A_83 : i32 to index
        %get3A_88 = arith.constant 64 : index
        %get3A_89 = tpu.vector_load %arg12[%get3A_87, %get3A_88] {strides = array<i32>} : memref<80x128xf32, #tpu.memory_space<vmem>>, vector<16xf32>,
        %add3A_90 = arith.addf %get3A_86, %get3A_89 : vector<16xf32>
        %mul3A_91 = arith.constant 2.000000e-01 : f32
        %mul3A_92 = vector.broadcast %mul3A_91 : f32 to vector<16xf32>
        %mul3A_93 = arith.mulf %add3A_90, %mul3A_92 : vector<16xf32>
        %max3A = arith.maximumf %add3A_90, %mul3A_93 : vector<16xf32>
        %get3A_94 = arith.constant 0 : index
        %get3A_95 = tpu.vector_load %arg15[%get3A_94] {strides = array<i32>} : memref<64xf32, #tpu.memory_space<vmem>>, vector<16xf32>,
        %mul3A_96 = arith.mulf %max3A, %get3A_95 : vector<16xf32>
        %get3A_97 = arith.index_cast %scan3A_83 : i32 to index
        %get3A_98 = arith.constant 16 : index
        %get3A_99 = tpu.vector_load %arg11[%get3A_97, %get3A_98] {strides = array<i32>} : memref<80x128xf32, #tpu.memory_space<vmem>>, vector<16xf32>,
        %get3A_100 = arith.index_cast %scan3A_83 : i32 to index
        %get3A_101 = arith.constant 80 : index
        %get3A_102 = tpu.vector_load %arg12[%get3A_100, %get3A_101] {strides = array<i32>} : memref<80x128xf32, #tpu.memory_space<vmem>>, vector<16xf32>,
        %add3A_103 = arith.addf %get3A_99, %get3A_102 : vector<16xf32>
        %mul3A_104 = arith.constant 2.000000e-01 : f32
        %mul3A_105 = vector.broadcast %mul3A_104 : f32 to vector<16xf32>
        %mul3A_106 = arith.mulf %add3A_103, %mul3A_105 : vector<16xf32>
        %max3A_107 = arith.maximumf %add3A_103, %mul3A_106 : vector<16xf32>
        %get3A_108 = arith.constant 16 : index
        %get3A_109 = tpu.vector_load %arg15[%get3A_108] {strides = array<i32>} : memref<64xf32, #tpu.memory_space<vmem>>, vector<16xf32>,
        %mul3A_110 = arith.mulf %max3A_107, %get3A_109 : vector<16xf32>
        %add3A_111 = arith.addf %mul3A_96, %mul3A_110 : vector<16xf32>
        %get3A_112 = arith.index_cast %scan3A_83 : i32 to index
        %get3A_113 = arith.constant 32 : index
        %get3A_114 = tpu.vector_load %arg11[%get3A_112, %get3A_113] {strides = array<i32>} : memref<80x128xf32, #tpu.memory_space<vmem>>, vector<16xf32>,
        %get3A_115 = arith.index_cast %scan3A_83 : i32 to index
        %get3A_116 = arith.constant 96 : index
        %get3A_117 = tpu.vector_load %arg12[%get3A_115, %get3A_116] {strides = array<i32>} : memref<80x128xf32, #tpu.memory_space<vmem>>, vector<16xf32>,
        %add3A_118 = arith.addf %get3A_114, %get3A_117 : vector<16xf32>
        %mul3A_119 = arith.constant 2.000000e-01 : f32
        %mul3A_120 = vector.broadcast %mul3A_119 : f32 to vector<16xf32>
        %mul3A_121 = arith.mulf %add3A_118, %mul3A_120 : vector<16xf32>
        %max3A_122 = arith.maximumf %add3A_118, %mul3A_121 : vector<16xf32>
        %get3A_123 = arith.constant 32 : index
        %get3A_124 = tpu.vector_load %arg15[%get3A_123] {strides = array<i32>} : memref<64xf32, #tpu.memory_space<vmem>>, vector<16xf32>,
        %mul3A_125 = arith.mulf %max3A_122, %get3A_124 : vector<16xf32>
        %add3A_126 = arith.addf %add3A_111, %mul3A_125 : vector<16xf32>
        %get3A_127 = arith.index_cast %scan3A_83 : i32 to index
        %get3A_128 = arith.constant 48 : index
        %get3A_129 = tpu.vector_load %arg11[%get3A_127, %get3A_128] {strides = array<i32>} : memref<80x128xf32, #tpu.memory_space<vmem>>, vector<16xf32>,
        %get3A_130 = arith.index_cast %scan3A_83 : i32 to index
        %get3A_131 = arith.constant 112 : index
        %get3A_132 = tpu.vector_load %arg12[%get3A_130, %get3A_131] {strides = array<i32>} : memref<80x128xf32, #tpu.memory_space<vmem>>, vector<16xf32>,
        %add3A_133 = arith.addf %get3A_129, %get3A_132 : vector<16xf32>
        %mul3A_134 = arith.constant 2.000000e-01 : f32
        %mul3A_135 = vector.broadcast %mul3A_134 : f32 to vector<16xf32>
        %mul3A_136 = arith.mulf %add3A_133, %mul3A_135 : vector<16xf32>
        %max3A_137 = arith.maximumf %add3A_133, %mul3A_136 : vector<16xf32>
        %get3A_138 = arith.constant 48 : index
        %get3A_139 = tpu.vector_load %arg15[%get3A_138] {strides = array<i32>} : memref<64xf32, #tpu.memory_space<vmem>>, vector<16xf32>,
        %mul3A_140 = arith.mulf %max3A_137, %get3A_139 : vector<16xf32>
        %add3A_141 = arith.addf %add3A_126, %mul3A_140 : vector<16xf32>
        %reduce_sum3A = arith.constant true
        %reduce_sum3A_142 = vector.broadcast %reduce_sum3A : i1 to vector<16xi1>
        %reduce_sum3A_143 = tpu.scan <sum>, %add3A_141 masked %reduce_sum3A_142 : vector<16xf32>, vector<16xi1> -> vector<16xf32>
        %reduce_sum3A_144 = vector.extract %reduce_sum3A_143[15] : f32 from vector<16xf32>
        %broadcast_in_dim3A = vector.broadcast %reduce_sum3A_144 : f32 to vector<16xf32>
        %exp3A = math.exp %broadcast_in_dim3A : vector<16xf32>
        %mul3A_145 = arith.mulf %exp3A, %get3A_86 : vector<16xf32>
        %swap3A_146 = arith.index_cast %scan3A_83 : i32 to index
        %swap3A_147 = arith.constant 0 : index
        %swap3A_148 = tpu.vector_load %arg13[%swap3A_146, %swap3A_147] {strides = array<i32>} : memref<80x64xf32, #tpu.memory_space<vmem>>, vector<16xf32>,
        tpu.vector_store %arg13[%swap3A_146, %swap3A_147], %mul3A_145 {strides = array<i32>} : memref<80x64xf32, #tpu.memory_space<vmem>>, vector<16xf32>,
        %mul3A_149 = arith.mulf %exp3A, %get3A_99 : vector<16xf32>
        %swap3A_150 = arith.index_cast %scan3A_83 : i32 to index
        %swap3A_151 = arith.constant 16 : index
        %swap3A_152 = tpu.vector_load %arg13[%swap3A_150, %swap3A_151] {strides = array<i32>} : memref<80x64xf32, #tpu.memory_space<vmem>>, vector<16xf32>,
        tpu.vector_store %arg13[%swap3A_150, %swap3A_151], %mul3A_149 {strides = array<i32>} : memref<80x64xf32, #tpu.memory_space<vmem>>, vector<16xf32>,
        %mul3A_153 = arith.mulf %exp3A, %get3A_114 : vector<16xf32>
        %swap3A_154 = arith.index_cast %scan3A_83 : i32 to index
        %swap3A_155 = arith.constant 32 : index
        %swap3A_156 = tpu.vector_load %arg13[%swap3A_154, %swap3A_155] {strides = array<i32>} : memref<80x64xf32, #tpu.memory_space<vmem>>, vector<16xf32>,
        tpu.vector_store %arg13[%swap3A_154, %swap3A_155], %mul3A_153 {strides = array<i32>} : memref<80x64xf32, #tpu.memory_space<vmem>>, vector<16xf32>,
        %mul3A_157 = arith.mulf %exp3A, %get3A_129 : vector<16xf32>
        %swap3A_158 = arith.index_cast %scan3A_83 : i32 to index
        %swap3A_159 = arith.constant 48 : index
        %swap3A_160 = tpu.vector_load %arg13[%swap3A_158, %swap3A_159] {strides = array<i32>} : memref<80x64xf32, #tpu.memory_space<vmem>>, vector<16xf32>,
        tpu.vector_store %arg13[%swap3A_158, %swap3A_159], %mul3A_157 {strides = array<i32>} : memref<80x64xf32, #tpu.memory_space<vmem>>, vector<16xf32>,
        %eq3A_161 = arith.constant 0 : i32
        %eq3A_162 = vector.broadcast %eq3A_161 : i32 to vector<16xi32>
        %eq3A_163 = arith.cmpi eq, %iota3A, %eq3A_162 : vector<16xi32>
        %broadcast_in_dim3A_164 = arith.constant 0.000000e+00 : f32
        %broadcast_in_dim3A_165 = vector.broadcast %broadcast_in_dim3A_164 : f32 to vector<16xf32>
        %select_n3A = arith.select %eq3A_163, %exp3A, %broadcast_in_dim3A_165 : vector<16xi1>, vector<16xf32>
        %swap3A_166 = arith.index_cast %scan3A_83 : i32 to index
        %swap3A_167 = arith.constant 0 : index
        %swap3A_168 = tpu.vector_load %arg14[%swap3A_166, %swap3A_167] {strides = array<i32>} : memref<80x16xf32, #tpu.memory_space<vmem>>, vector<16xf32>,
        tpu.vector_store %arg14[%swap3A_166, %swap3A_167], %select_n3A {strides = array<i32>} : memref<80x16xf32, #tpu.memory_space<vmem>>, vector<16xf32>,
      }
      %scan3A_57 = arith.constant 80 : i32
      %get3A = arith.constant 0 : index
      %get3A_58 = tpu.vector_load %arg9[%get3A] {strides = array<i32>} : memref<80xi32, #tpu.memory_space<vmem>>, vector<16xi32>,
      %swap3A = arith.constant 0 : index
      %swap3A_59 = tpu.vector_load %arg10[%swap3A] {strides = array<i32>} : memref<80xi32, #tpu.memory_space<vmem>>, vector<16xi32>,
      tpu.vector_store %arg10[%swap3A], %get3A_58 {strides = array<i32>} : memref<80xi32, #tpu.memory_space<vmem>>, vector<16xi32>,
      %get3A_60 = arith.constant 16 : index
      %get3A_61 = tpu.vector_load %arg9[%get3A_60] {strides = array<i32>} : memref<80xi32, #tpu.memory_space<vmem>>, vector<16xi32>,
      %swap3A_62 = arith.constant 16 : index
      %swap3A_63 = tpu.vector_load %arg10[%swap3A_62] {strides = array<i32>} : memref<80xi32, #tpu.memory_space<vmem>>, vector<16xi32>,
      tpu.vector_store %arg10[%swap3A_62], %get3A_61 {strides = array<i32>} : memref<80xi32, #tpu.memory_space<vmem>>, vector<16xi32>,
      %get3A_64 = arith.constant 32 : index
      %get3A_65 = tpu.vector_load %arg9[%get3A_64] {strides = array<i32>} : memref<80xi32, #tpu.memory_space<vmem>>, vector<16xi32>,
      %swap3A_66 = arith.constant 32 : index
      %swap3A_67 = tpu.vector_load %arg10[%swap3A_66] {strides = array<i32>} : memref<80xi32, #tpu.memory_space<vmem>>, vector<16xi32>,
      tpu.vector_store %arg10[%swap3A_66], %get3A_65 {strides = array<i32>} : memref<80xi32, #tpu.memory_space<vmem>>, vector<16xi32>,
      %get3A_68 = arith.constant 48 : index
      %get3A_69 = tpu.vector_load %arg9[%get3A_68] {strides = array<i32>} : memref<80xi32, #tpu.memory_space<vmem>>, vector<16xi32>,
      %swap3A_70 = arith.constant 48 : index
      %swap3A_71 = tpu.vector_load %arg10[%swap3A_70] {strides = array<i32>} : memref<80xi32, #tpu.memory_space<vmem>>, vector<16xi32>,
      tpu.vector_store %arg10[%swap3A_70], %get3A_69 {strides = array<i32>} : memref<80xi32, #tpu.memory_space<vmem>>, vector<16xi32>,
      %get3A_72 = arith.constant 64 : index
      %get3A_73 = tpu.vector_load %arg9[%get3A_72] {strides = array<i32>} : memref<80xi32, #tpu.memory_space<vmem>>, vector<16xi32>,
      %swap3A_74 = arith.constant 64 : index
      %swap3A_75 = tpu.vector_load %arg10[%swap3A_74] {strides = array<i32>} : memref<80xi32, #tpu.memory_space<vmem>>, vector<16xi32>,
      tpu.vector_store %arg10[%swap3A_74], %get3A_73 {strides = array<i32>} : memref<80xi32, #tpu.memory_space<vmem>>, vector<16xi32>,
      %dma_start3A_76 = arith.constant 0 : i32
      %dma_start3A_77 = arith.constant 0 : i32
      %dma_start3A_78 = tpu.memref_slice %arg21[%dma_start3A_76, %dma_start3A_77] : memref<10000x64xf32, #tpu.memory_space<vmem_shared>> -> memref<10000x64xf32, #tpu.memory_space<vmem_shared>>
      tpu.enqueue_indirect_dma source(%arg13 : memref<80x64xf32, #tpu.memory_space<vmem>>) target(%dma_start3A_78 : memref<10000x64xf32, #tpu.memory_space<vmem_shared>>) offsets(%arg10 : memref<80xi32, #tpu.memory_space<vmem>>) semaphore(%arg19 : memref<!tpu.dma_semaphore, #tpu.memory_space<semaphore_mem>>) {add = true}
      %dma_start3A_79 = arith.constant 0 : i32
      %dma_start3A_80 = tpu.memref_slice %arg7[%mul3A_36, %dma_start3A_79] : memref<320000x16xf32, #tpu.memory_space<hbm>> -> memref<80x16xf32, #tpu.memory_space<hbm>>
      %dma_start3A_81 = arith.constant 0 : i32
      %dma_start3A_82 = tpu.memref_slice %arg7[%mul3A_36, %dma_start3A_81] : memref<320000x16xf32, #tpu.memory_space<hbm>> -> memref<80x16xf32, #tpu.memory_space<hbm>>
      tpu.enqueue_dma source(%arg14 : memref<80x16xf32, #tpu.memory_space<vmem>>) target(%dma_start3A_82 : memref<80x16xf32, #tpu.memory_space<hbm>>) target_semaphore(%arg20 : memref<!tpu.dma_semaphore, #tpu.memory_space<semaphore_mem>>)
    }
    %scan3A_21 = arith.constant 125 : i32
    %dma_wait3A = arith.constant 0 : i32
    %dma_wait3A_22 = arith.constant 0 : i32
    %dma_wait3A_23 = tpu.memref_slice %arg21[%dma_wait3A, %dma_wait3A_22] : memref<10000x64xf32, #tpu.memory_space<vmem_shared>> -> memref<10000x64xf32, #tpu.memory_space<vmem_shared>>
    tpu.wait_indirect_dma semaphore(%arg19 : memref<!tpu.dma_semaphore, #tpu.memory_space<semaphore_mem>>) src(%arg13 : memref<80x64xf32, #tpu.memory_space<vmem>>) dst(%dma_wait3A_23 : memref<10000x64xf32, #tpu.memory_space<vmem_shared>>)
    %mul3A_24 = arith.constant 80 : i32
    %mul3A_25 = arith.muli %mul3A_15, %mul3A_24 : i32
    %dma_wait3A_26 = arith.constant 0 : i32
    %dma_wait3A_27 = tpu.memref_slice %arg7[%mul3A_25, %dma_wait3A_26] : memref<320000x16xf32, #tpu.memory_space<hbm>> -> memref<80x16xf32, #tpu.memory_space<hbm>>
    %dma_wait3A_28 = arith.constant 0 : i32
    %dma_wait3A_29 = tpu.memref_slice %arg7[%mul3A_25, %dma_wait3A_28] : memref<320000x16xf32, #tpu.memory_space<hbm>> -> memref<80x16xf32, #tpu.memory_space<hbm>>
    tpu.wait_dma2 semaphore(%arg20 : memref<!tpu.dma_semaphore, #tpu.memory_space<semaphore_mem>>) src(%arg14 : memref<80x16xf32, #tpu.memory_space<vmem>>) dst(%dma_wait3A_29 : memref<80x16xf32, #tpu.memory_space<hbm>>)
    %barrier3A_30 = arith.constant 0 : index
    tpu.barrier barrier_id(%barrier3A_30)
    "tpu.region"() ({
      %run_scoped3A = tpu.sem_alloc : memref<!tpu.dma_semaphore, #tpu.memory_space<semaphore_mem>>
      %dma_start3A = arith.constant 0 : i32
      %dma_start3A_33 = tpu.memref_slice %arg6[%arg0, %mul3A_7, %dma_start3A] : memref<2x10000x64xf32, #tpu.memory_space<hbm>> -> memref<1x624x64xf32, #tpu.memory_space<hbm>>
      %dma_start3A_34 = tpu.memref_squeeze %dma_start3A_33 : memref<1x624x64xf32, #tpu.memory_space<hbm>> -> memref<624x64xf32, #tpu.memory_space<hbm>>
      %dma_start3A_35 = arith.constant 0 : i32
      %dma_start3A_36 = tpu.memref_slice %arg21[%mul3A_7, %dma_start3A_35] : memref<10000x64xf32, #tpu.memory_space<vmem_shared>> -> memref<624x64xf32, #tpu.memory_space<vmem_shared>>
      tpu.enqueue_dma source(%dma_start3A_36 : memref<624x64xf32, #tpu.memory_space<vmem_shared>>) target(%dma_start3A_34 : memref<624x64xf32, #tpu.memory_space<hbm>>) target_semaphore(%run_scoped3A : memref<!tpu.dma_semaphore, #tpu.memory_space<semaphore_mem>>)
      %dma_wait3A_37 = arith.constant 0 : i32
      %dma_wait3A_38 = tpu.memref_slice %arg6[%arg0, %mul3A_7, %dma_wait3A_37] : memref<2x10000x64xf32, #tpu.memory_space<hbm>> -> memref<1x624x64xf32, #tpu.memory_space<hbm>>
      %dma_wait3A_39 = tpu.memref_squeeze %dma_wait3A_38 : memref<1x624x64xf32, #tpu.memory_space<hbm>> -> memref<624x64xf32, #tpu.memory_space<hbm>>
      %dma_wait3A_40 = arith.constant 0 : i32
      %dma_wait3A_41 = tpu.memref_slice %arg21[%mul3A_7, %dma_wait3A_40] : memref<10000x64xf32, #tpu.memory_space<vmem_shared>> -> memref<624x64xf32, #tpu.memory_space<vmem_shared>>
      tpu.wait_dma2 semaphore(%run_scoped3A : memref<!tpu.dma_semaphore, #tpu.memory_space<semaphore_mem>>) src(%dma_wait3A_41 : memref<624x64xf32, #tpu.memory_space<vmem_shared>>) dst(%dma_wait3A_39 : memref<624x64xf32, #tpu.memory_space<hbm>>)
      tpu.yield
    }) : () -> ()
    %eq3A = arith.constant 15 : i32
    %eq3A_31 = arith.cmpi eq, %arg1, %eq3A : i32
    %convert_element_type3A = arith.extui %eq3A_31 : i1 to i32
    %cond3A = arith.constant 0 : i32
    %cond3A_32 = arith.cmpi ne, %convert_element_type3A, %cond3A : i32
    scf.if %cond3A_32 {
      "tpu.region"() ({
        %run_scoped3A = tpu.sem_alloc : memref<!tpu.dma_semaphore, #tpu.memory_space<semaphore_mem>>
        %dma_start3A = arith.constant 9984 : i32
        %dma_start3A_33 = arith.constant 0 : i32
        %dma_start3A_34 = tpu.memref_slice %arg6[%arg0, %dma_start3A, %dma_start3A_33] : memref<2x10000x64xf32, #tpu.memory_space<hbm>> -> memref<1x16x64xf32, #tpu.memory_space<hbm>>
        %dma_start3A_35 = tpu.memref_squeeze %dma_start3A_34 : memref<1x16x64xf32, #tpu.memory_space<hbm>> -> memref<16x64xf32, #tpu.memory_space<hbm>>
        %dma_start3A_36 = arith.constant 9984 : i32
        %dma_start3A_37 = arith.constant 0 : i32
        %dma_start3A_38 = tpu.memref_slice %arg21[%dma_start3A_36, %dma_start3A_37] : memref<10000x64xf32, #tpu.memory_space<vmem_shared>> -> memref<16x64xf32, #tpu.memory_space<vmem_shared>>
        tpu.enqueue_dma source(%dma_start3A_38 : memref<16x64xf32, #tpu.memory_space<vmem_shared>>) target(%dma_start3A_35 : memref<16x64xf32, #tpu.memory_space<hbm>>) target_semaphore(%run_scoped3A : memref<!tpu.dma_semaphore, #tpu.memory_space<semaphore_mem>>)
        %dma_wait3A_39 = arith.constant 9984 : i32
        %dma_wait3A_40 = arith.constant 0 : i32
        %dma_wait3A_41 = tpu.memref_slice %arg6[%arg0, %dma_wait3A_39, %dma_wait3A_40] : memref<2x10000x64xf32, #tpu.memory_space<hbm>> -> memref<1x16x64xf32, #tpu.memory_space<hbm>>
        %dma_wait3A_42 = tpu.memref_squeeze %dma_wait3A_41 : memref<1x16x64xf32, #tpu.memory_space<hbm>> -> memref<16x64xf32, #tpu.memory_space<hbm>>
        %dma_wait3A_43 = arith.constant 9984 : i32
        %dma_wait3A_44 = arith.constant 0 : i32
        %dma_wait3A_45 = tpu.memref_slice %arg21[%dma_wait3A_43, %dma_wait3A_44] : memref<10000x64xf32, #tpu.memory_space<vmem_shared>> -> memref<16x64xf32, #tpu.memory_space<vmem_shared>>
        tpu.wait_dma2 semaphore(%run_scoped3A : memref<!tpu.dma_semaphore, #tpu.memory_space<semaphore_mem>>) src(%dma_wait3A_45 : memref<16x64xf32, #tpu.memory_space<vmem_shared>>) dst(%dma_wait3A_42 : memref<16x64xf32, #tpu.memory_space<hbm>>)
        tpu.yield
      }) : () -> ()
    } else {
    }
    return
  }
}

module attributes {stable_mosaic.version = 14 : i64} {
  func.func @_tc1_body(%arg0: i32, %arg1: memref<400x128xf32, #tpu.memory_space<vmem>>, %arg2: memref<128x128xf32, #tpu.memory_space<vmem>>, %arg3: memref<128x128xf32, #tpu.memory_space<vmem>>, %arg4: memref<400x128xf32, #tpu.memory_space<vmem>>, %arg5: memref<400x128xf32, #tpu.memory_space<vmem>>) attributes {dimension_semantics = [#tpu.dimension_semantics<arbitrary>], iteration_bounds = array<i64: 25>, scalar_prefetch = 0 : i64, scratch_operands = 0 : i64, tpu.core_type = #tpu.core_type<tc>, window_params = [{transform_indices = @transform_0, window_bounds = array<i64: 400, 128>}, {pipeline_mode = #tpu.pipeline_mode<synchronous>, transform_indices = @transform_1, window_bounds = array<i64: 128, 128>}, {pipeline_mode = #tpu.pipeline_mode<synchronous>, transform_indices = @transform_2, window_bounds = array<i64: 128, 128>}, {transform_indices = @transform_3, window_bounds = array<i64: 400, 128>}, {transform_indices = @transform_4, window_bounds = array<i64: 400, 128>}]} {
    %get3A = arith.constant 0 : index
    %get3A_0 = arith.constant 0 : index
    %get3A_1 = vector.load %arg1[%get3A, %get3A_0] : memref<400x128xf32, #tpu.memory_space<vmem>>, vector<400x128xf32>
    %get3A_2 = arith.constant 0 : index
    %get3A_3 = arith.constant 0 : index
    %get3A_4 = vector.load %arg2[%get3A_2, %get3A_3] : memref<128x128xf32, #tpu.memory_space<vmem>>, vector<128x128xf32>
    %dot_general3A = arith.constant dense<0.000000e+00> : vector<400x128xf32>
    %dot_general3A_5 = tpu.matmul %get3A_1, %get3A_4, %dot_general3A {dimension_numbers = #tpu.dot_dimension_numbers<[1], [0], [0], [1], [0, 0, 1, 1], [], []>, transpose_lhs_hint = false} : vector<400x128xf32>, vector<128x128xf32>, vector<400x128xf32> -> vector<400x128xf32>
    %swap3A = arith.constant 0 : index
    %swap3A_6 = arith.constant 0 : index
    %swap3A_7 = vector.load %arg4[%swap3A, %swap3A_6] : memref<400x128xf32, #tpu.memory_space<vmem>>, vector<400x128xf32>
    tpu.vector_store %arg4[%swap3A, %swap3A_6], %dot_general3A_5 {strides = array<i32>} : memref<400x128xf32, #tpu.memory_space<vmem>>, vector<400x128xf32>,
    %get3A_8 = arith.constant 0 : index
    %get3A_9 = arith.constant 0 : index
    %get3A_10 = vector.load %arg3[%get3A_8, %get3A_9] : memref<128x128xf32, #tpu.memory_space<vmem>>, vector<128x128xf32>
    %dot_general3A_11 = arith.constant dense<0.000000e+00> : vector<400x128xf32>
    %dot_general3A_12 = tpu.matmul %get3A_1, %get3A_10, %dot_general3A_11 {dimension_numbers = #tpu.dot_dimension_numbers<[1], [0], [0], [1], [0, 0, 1, 1], [], []>, transpose_lhs_hint = false} : vector<400x128xf32>, vector<128x128xf32>, vector<400x128xf32> -> vector<400x128xf32>
    %swap3A_13 = arith.constant 0 : index
    %swap3A_14 = arith.constant 0 : index
    %swap3A_15 = vector.load %arg5[%swap3A_13, %swap3A_14] : memref<400x128xf32, #tpu.memory_space<vmem>>, vector<400x128xf32>
    tpu.vector_store %arg5[%swap3A_13, %swap3A_14], %dot_general3A_12 {strides = array<i32>} : memref<400x128xf32, #tpu.memory_space<vmem>>, vector<400x128xf32>,
    return
  }
  func.func @transform_0(%arg0: i32) -> (i32, i32) {
    %c0_i32 = arith.constant 0 : i32
    %c0_i32_0 = arith.constant 0 : i32
    return %arg0, %c0_i32 : i32, i32
  }
  func.func @transform_1(%arg0: i32) -> (i32, i32) {
    %c0_i32 = arith.constant 0 : i32
    %c0_i32_0 = arith.constant 0 : i32
    %c0_i32_1 = arith.constant 0 : i32
    return %c0_i32, %c0_i32_0 : i32, i32
  }
  func.func @transform_2(%arg0: i32) -> (i32, i32) {
    %c0_i32 = arith.constant 0 : i32
    %c0_i32_0 = arith.constant 0 : i32
    %c0_i32_1 = arith.constant 0 : i32
    return %c0_i32, %c0_i32_0 : i32, i32
  }
  func.func @transform_3(%arg0: i32) -> (i32, i32) {
    %c0_i32 = arith.constant 0 : i32
    %c0_i32_0 = arith.constant 0 : i32
    return %arg0, %c0_i32 : i32, i32
  }
  func.func @transform_4(%arg0: i32) -> (i32, i32) {
    %c0_i32 = arith.constant 0 : i32
    %c0_i32_0 = arith.constant 0 : i32
    return %arg0, %c0_i32 : i32, i32
  }
}

module attributes {stable_mosaic.version = 14 : i64} {
  func.func @_tc3_body(%arg0: i32, %arg1: memref<400x128xf32, #tpu.memory_space<vmem>>, %arg2: memref<2x400x64xf32, #tpu.memory_space<vmem>>, %arg3: memref<2x400x16xf32, #tpu.memory_space<vmem>>, %arg4: memref<1x64xf32, #tpu.memory_space<vmem>>, %arg5: memref<1x64xf32, #tpu.memory_space<vmem>>, %arg6: memref<1x64xf32, #tpu.memory_space<vmem>>, %arg7: memref<1x64xf32, #tpu.memory_space<vmem>>, %arg8: memref<400x64xf32, #tpu.memory_space<vmem>>) attributes {dimension_semantics = [#tpu.dimension_semantics<arbitrary>], iteration_bounds = array<i64: 25>, scalar_prefetch = 0 : i64, scratch_operands = 0 : i64, tpu.core_type = #tpu.core_type<tc>, window_params = [{transform_indices = @transform_0, window_bounds = array<i64: 400, 128>}, {transform_indices = @transform_1, window_bounds = array<i64: 2, 400, 64>}, {transform_indices = @transform_2, window_bounds = array<i64: 2, 400, 16>}, {pipeline_mode = #tpu.pipeline_mode<synchronous>, transform_indices = @transform_3, window_bounds = array<i64: 1, 64>}, {pipeline_mode = #tpu.pipeline_mode<synchronous>, transform_indices = @transform_4, window_bounds = array<i64: 1, 64>}, {pipeline_mode = #tpu.pipeline_mode<synchronous>, transform_indices = @transform_5, window_bounds = array<i64: 1, 64>}, {pipeline_mode = #tpu.pipeline_mode<synchronous>, transform_indices = @transform_6, window_bounds = array<i64: 1, 64>}, {transform_indices = @transform_7, window_bounds = array<i64: 400, 64>}]} {
    %get3A = arith.constant 0 : index
    %get3A_0 = arith.constant 0 : index
    %get3A_1 = vector.load %arg1[%get3A, %get3A_0] : memref<400x128xf32, #tpu.memory_space<vmem>>, vector<400x64xf32>
    %get3A_2 = arith.constant 0 : index
    %get3A_3 = arith.constant 64 : index
    %get3A_4 = vector.load %arg1[%get3A_2, %get3A_3] : memref<400x128xf32, #tpu.memory_space<vmem>>, vector<400x64xf32>
    %add3A = arith.addf %get3A_1, %get3A_4 : vector<400x64xf32>
    %mul3A = arith.constant 2.000000e-01 : f32
    %mul3A_5 = vector.broadcast %mul3A : f32 to vector<400x64xf32>
    %mul3A_6 = arith.mulf %add3A, %mul3A_5 : vector<400x64xf32>
    %max3A = arith.maximumf %add3A, %mul3A_6 : vector<400x64xf32>
    %get3A_7 = arith.constant 0 : index
    %get3A_8 = arith.constant 0 : index
    %get3A_9 = vector.load %arg4[%get3A_7, %get3A_8] : memref<1x64xf32, #tpu.memory_space<vmem>>, vector<1x64xf32>
    %mul3A_10 = vector.broadcast %get3A_9 : vector<1x64xf32> to vector<400x64xf32>
    %mul3A_11 = arith.mulf %max3A, %mul3A_10 : vector<400x64xf32>
    %reduce_sum3A = arith.constant dense<0.000000e+00> : vector<400xf32>
    %reduce_sum3A_12 = vector.multi_reduction <add>, %mul3A_11, %reduce_sum3A [1] : vector<400x64xf32> to vector<400xf32>
    %broadcast_in_dim3A = vector.shape_cast %reduce_sum3A_12 : vector<400xf32> to vector<400x1xf32>
    %exp3A = math.exp %broadcast_in_dim3A : vector<400x1xf32>
    %get3A_13 = arith.constant 0 : index
    %get3A_14 = arith.constant 0 : index
    %get3A_15 = arith.constant 0 : index
    %get3A_16 = vector.load %arg3[%get3A_13, %get3A_14, %get3A_15] : memref<2x400x16xf32, #tpu.memory_space<vmem>>, vector<1x400x16xf32>
    %get3A_17 = vector.shape_cast %get3A_16 : vector<1x400x16xf32> to vector<400x16xf32>
    %get3A_18 = arith.constant 1 : index
    %get3A_19 = arith.constant 0 : index
    %get3A_20 = arith.constant 0 : index
    %get3A_21 = vector.load %arg3[%get3A_18, %get3A_19, %get3A_20] : memref<2x400x16xf32, #tpu.memory_space<vmem>>, vector<1x400x16xf32>
    %get3A_22 = vector.shape_cast %get3A_21 : vector<1x400x16xf32> to vector<400x16xf32>
    %add3A_23 = arith.addf %get3A_17, %get3A_22 : vector<400x16xf32>
    %reduce_sum3A_24 = arith.constant dense<0.000000e+00> : vector<400xf32>
    %reduce_sum3A_25 = vector.multi_reduction <add>, %add3A_23, %reduce_sum3A_24 [1] : vector<400x16xf32> to vector<400xf32>
    %broadcast_in_dim3A_26 = vector.shape_cast %reduce_sum3A_25 : vector<400xf32> to vector<400x1xf32>
    %add3A_27 = arith.addf %broadcast_in_dim3A_26, %exp3A : vector<400x1xf32>
    %get3A_28 = arith.constant 0 : index
    %get3A_29 = arith.constant 0 : index
    %get3A_30 = arith.constant 0 : index
    %get3A_31 = vector.load %arg2[%get3A_28, %get3A_29, %get3A_30] : memref<2x400x64xf32, #tpu.memory_space<vmem>>, vector<1x400x64xf32>
    %get3A_32 = vector.shape_cast %get3A_31 : vector<1x400x64xf32> to vector<400x64xf32>
    %get3A_33 = arith.constant 1 : index
    %get3A_34 = arith.constant 0 : index
    %get3A_35 = arith.constant 0 : index
    %get3A_36 = vector.load %arg2[%get3A_33, %get3A_34, %get3A_35] : memref<2x400x64xf32, #tpu.memory_space<vmem>>, vector<1x400x64xf32>
    %get3A_37 = vector.shape_cast %get3A_36 : vector<1x400x64xf32> to vector<400x64xf32>
    %add3A_38 = arith.addf %get3A_32, %get3A_37 : vector<400x64xf32>
    %mul3A_39 = vector.broadcast %exp3A : vector<400x1xf32> to vector<400x64xf32>
    %mul3A_40 = arith.mulf %get3A_1, %mul3A_39 : vector<400x64xf32>
    %add3A_41 = arith.addf %add3A_38, %mul3A_40 : vector<400x64xf32>
    %div3A = vector.broadcast %add3A_27 : vector<400x1xf32> to vector<400x64xf32>
    %div3A_42 = arith.divf %add3A_41, %div3A : vector<400x64xf32>
    %get3A_43 = arith.constant 0 : index
    %get3A_44 = arith.constant 0 : index
    %get3A_45 = vector.load %arg5[%get3A_43, %get3A_44] : memref<1x64xf32, #tpu.memory_space<vmem>>, vector<1x64xf32>
    %add3A_46 = vector.broadcast %get3A_45 : vector<1x64xf32> to vector<400x64xf32>
    %add3A_47 = arith.addf %div3A_42, %add3A_46 : vector<400x64xf32>
    %get3A_48 = arith.constant 0 : index
    %get3A_49 = arith.constant 0 : index
    %get3A_50 = vector.load %arg6[%get3A_48, %get3A_49] : memref<1x64xf32, #tpu.memory_space<vmem>>, vector<1x64xf32>
    %mul3A_51 = arith.constant 0.999994993 : f32
    %mul3A_52 = vector.broadcast %mul3A_51 : f32 to vector<1x64xf32>
    %mul3A_53 = arith.mulf %get3A_50, %mul3A_52 : vector<1x64xf32>
    %mul3A_54 = vector.broadcast %mul3A_53 : vector<1x64xf32> to vector<400x64xf32>
    %mul3A_55 = arith.mulf %add3A_47, %mul3A_54 : vector<400x64xf32>
    %get3A_56 = arith.constant 0 : index
    %get3A_57 = arith.constant 0 : index
    %get3A_58 = vector.load %arg7[%get3A_56, %get3A_57] : memref<1x64xf32, #tpu.memory_space<vmem>>, vector<1x64xf32>
    %add3A_59 = vector.broadcast %get3A_58 : vector<1x64xf32> to vector<400x64xf32>
    %add3A_60 = arith.addf %mul3A_55, %add3A_59 : vector<400x64xf32>
    %reduce_max3A = arith.constant dense<0xFF800000> : vector<400xf32>
    %reduce_max3A_61 = vector.multi_reduction <maximumf>, %add3A_60, %reduce_max3A [1] : vector<400x64xf32> to vector<400xf32>
    %broadcast_in_dim3A_62 = vector.shape_cast %reduce_max3A_61 : vector<400xf32> to vector<400x1xf32>
    %sub3A = vector.broadcast %broadcast_in_dim3A_62 : vector<400x1xf32> to vector<400x64xf32>
    %sub3A_63 = arith.subf %add3A_60, %sub3A : vector<400x64xf32>
    %exp3A_64 = math.exp %sub3A_63 : vector<400x64xf32>
    %reduce_sum3A_65 = arith.constant dense<0.000000e+00> : vector<400xf32>
    %reduce_sum3A_66 = vector.multi_reduction <add>, %exp3A_64, %reduce_sum3A_65 [1] : vector<400x64xf32> to vector<400xf32>
    %broadcast_in_dim3A_67 = vector.shape_cast %reduce_sum3A_66 : vector<400xf32> to vector<400x1xf32>
    %log3A = math.log %broadcast_in_dim3A_67 : vector<400x1xf32>
    %add3A_68 = arith.addf %log3A, %broadcast_in_dim3A_62 : vector<400x1xf32>
    %sub3A_69 = vector.broadcast %add3A_68 : vector<400x1xf32> to vector<400x64xf32>
    %sub3A_70 = arith.subf %add3A_60, %sub3A_69 : vector<400x64xf32>
    %swap3A = arith.constant 0 : index
    %swap3A_71 = arith.constant 0 : index
    %swap3A_72 = vector.load %arg8[%swap3A, %swap3A_71] : memref<400x64xf32, #tpu.memory_space<vmem>>, vector<400x64xf32>
    tpu.vector_store %arg8[%swap3A, %swap3A_71], %sub3A_70 {strides = array<i32>} : memref<400x64xf32, #tpu.memory_space<vmem>>, vector<400x64xf32>,
    return
  }
  func.func @transform_0(%arg0: i32) -> (i32, i32) {
    %c0_i32 = arith.constant 0 : i32
    %c0_i32_0 = arith.constant 0 : i32
    return %arg0, %c0_i32 : i32, i32
  }
  func.func @transform_1(%arg0: i32) -> (i32, i32, i32) {
    %c0_i32 = arith.constant 0 : i32
    %c0_i32_0 = arith.constant 0 : i32
    %c0_i32_1 = arith.constant 0 : i32
    return %c0_i32, %arg0, %c0_i32_0 : i32, i32, i32
  }
  func.func @transform_2(%arg0: i32) -> (i32, i32, i32) {
    %c0_i32 = arith.constant 0 : i32
    %c0_i32_0 = arith.constant 0 : i32
    %c0_i32_1 = arith.constant 0 : i32
    return %c0_i32, %arg0, %c0_i32_0 : i32, i32, i32
  }
  func.func @transform_3(%arg0: i32) -> (i32, i32) {
    %c0_i32 = arith.constant 0 : i32
    %c0_i32_0 = arith.constant 0 : i32
    %c0_i32_1 = arith.constant 0 : i32
    return %c0_i32, %c0_i32_0 : i32, i32
  }
  func.func @transform_4(%arg0: i32) -> (i32, i32) {
    %c0_i32 = arith.constant 0 : i32
    %c0_i32_0 = arith.constant 0 : i32
    %c0_i32_1 = arith.constant 0 : i32
    return %c0_i32, %c0_i32_0 : i32, i32
  }
  func.func @transform_5(%arg0: i32) -> (i32, i32) {
    %c0_i32 = arith.constant 0 : i32
    %c0_i32_0 = arith.constant 0 : i32
    %c0_i32_1 = arith.constant 0 : i32
    return %c0_i32, %c0_i32_0 : i32, i32
  }
  func.func @transform_6(%arg0: i32) -> (i32, i32) {
    %c0_i32 = arith.constant 0 : i32
    %c0_i32_0 = arith.constant 0 : i32
    %c0_i32_1 = arith.constant 0 : i32
    return %c0_i32, %c0_i32_0 : i32, i32
  }
  func.func @transform_7(%arg0: i32) -> (i32, i32) {
    %c0_i32 = arith.constant 0 : i32
    %c0_i32_0 = arith.constant 0 : i32
    return %arg0, %c0_i32 : i32, i32
  }
}

module attributes {stable_mosaic.version = 14 : i64} {
  func.func @_tc2_body(%arg0: i32, %arg1: memref<400x128xf32, #tpu.memory_space<vmem>>, %arg2: memref<400x128xf32, #tpu.memory_space<vmem>>, %arg3: memref<2x400x128xf32, #tpu.memory_space<vmem>>, %arg4: memref<2x400x16xf32, #tpu.memory_space<vmem>>, %arg5: memref<1x128xf32, #tpu.memory_space<vmem>>, %arg6: memref<128x16xf32, #tpu.memory_space<vmem>>, %arg7: memref<16x128xf32, #tpu.memory_space<vmem>>, %arg8: memref<1x128xf32, #tpu.memory_space<vmem>>, %arg9: memref<1x128xf32, #tpu.memory_space<vmem>>, %arg10: memref<1x128xf32, #tpu.memory_space<vmem>>, %arg11: memref<128x128xf32, #tpu.memory_space<vmem>>, %arg12: memref<400x128xf32, #tpu.memory_space<vmem>>) attributes {dimension_semantics = [#tpu.dimension_semantics<arbitrary>], iteration_bounds = array<i64: 25>, scalar_prefetch = 0 : i64, scratch_operands = 0 : i64, tpu.core_type = #tpu.core_type<tc>, window_params = [{transform_indices = @transform_0, window_bounds = array<i64: 400, 128>}, {transform_indices = @transform_1, window_bounds = array<i64: 400, 128>}, {transform_indices = @transform_2, window_bounds = array<i64: 2, 400, 128>}, {transform_indices = @transform_3, window_bounds = array<i64: 2, 400, 16>}, {pipeline_mode = #tpu.pipeline_mode<synchronous>, transform_indices = @transform_4, window_bounds = array<i64: 1, 128>}, {pipeline_mode = #tpu.pipeline_mode<synchronous>, transform_indices = @transform_5, window_bounds = array<i64: 128, 16>}, {pipeline_mode = #tpu.pipeline_mode<synchronous>, transform_indices = @transform_6, window_bounds = array<i64: 16, 128>}, {pipeline_mode = #tpu.pipeline_mode<synchronous>, transform_indices = @transform_7, window_bounds = array<i64: 1, 128>}, {pipeline_mode = #tpu.pipeline_mode<synchronous>, transform_indices = @transform_8, window_bounds = array<i64: 1, 128>}, {pipeline_mode = #tpu.pipeline_mode<synchronous>, transform_indices = @transform_9, window_bounds = array<i64: 1, 128>}, {pipeline_mode = #tpu.pipeline_mode<synchronous>, transform_indices = @transform_10, window_bounds = array<i64: 128, 128>}, {transform_indices = @transform_11, window_bounds = array<i64: 400, 128>}]} {
    %get3A = arith.constant 0 : index
    %get3A_0 = arith.constant 0 : index
    %get3A_1 = vector.load %arg1[%get3A, %get3A_0] : memref<400x128xf32, #tpu.memory_space<vmem>>, vector<400x128xf32>
    %get3A_2 = arith.constant 0 : index
    %get3A_3 = arith.constant 0 : index
    %get3A_4 = vector.load %arg2[%get3A_2, %get3A_3] : memref<400x128xf32, #tpu.memory_space<vmem>>, vector<400x128xf32>
    %add3A = arith.addf %get3A_1, %get3A_4 : vector<400x128xf32>
    %mul3A = arith.constant 2.000000e-01 : f32
    %mul3A_5 = vector.broadcast %mul3A : f32 to vector<400x128xf32>
    %mul3A_6 = arith.mulf %add3A, %mul3A_5 : vector<400x128xf32>
    %max3A = arith.maximumf %add3A, %mul3A_6 : vector<400x128xf32>
    %get3A_7 = arith.constant 0 : index
    %get3A_8 = arith.constant 0 : index
    %get3A_9 = vector.load %arg5[%get3A_7, %get3A_8] : memref<1x128xf32, #tpu.memory_space<vmem>>, vector<1x128xf32>
    %mul3A_10 = vector.broadcast %get3A_9 : vector<1x128xf32> to vector<400x128xf32>
    %mul3A_11 = arith.mulf %max3A, %mul3A_10 : vector<400x128xf32>
    %get3A_12 = arith.constant 0 : index
    %get3A_13 = arith.constant 0 : index
    %get3A_14 = vector.load %arg6[%get3A_12, %get3A_13] : memref<128x16xf32, #tpu.memory_space<vmem>>, vector<128x16xf32>
    %dot_general3A = arith.constant dense<0.000000e+00> : vector<400x16xf32>
    %dot_general3A_15 = tpu.matmul %mul3A_11, %get3A_14, %dot_general3A {dimension_numbers = #tpu.dot_dimension_numbers<[1], [0], [0], [1], [0, 0, 1, 1], [], []>, transpose_lhs_hint = false} : vector<400x128xf32>, vector<128x16xf32>, vector<400x16xf32> -> vector<400x16xf32>
    %exp3A = math.exp %dot_general3A_15 : vector<400x16xf32>
    %get3A_16 = arith.constant 0 : index
    %get3A_17 = arith.constant 0 : index
    %get3A_18 = arith.constant 0 : index
    %get3A_19 = vector.load %arg4[%get3A_16, %get3A_17, %get3A_18] : memref<2x400x16xf32, #tpu.memory_space<vmem>>, vector<1x400x16xf32>
    %get3A_20 = vector.shape_cast %get3A_19 : vector<1x400x16xf32> to vector<400x16xf32>
    %get3A_21 = arith.constant 1 : index
    %get3A_22 = arith.constant 0 : index
    %get3A_23 = arith.constant 0 : index
    %get3A_24 = vector.load %arg4[%get3A_21, %get3A_22, %get3A_23] : memref<2x400x16xf32, #tpu.memory_space<vmem>>, vector<1x400x16xf32>
    %get3A_25 = vector.shape_cast %get3A_24 : vector<1x400x16xf32> to vector<400x16xf32>
    %add3A_26 = arith.addf %get3A_20, %get3A_25 : vector<400x16xf32>
    %add3A_27 = arith.addf %add3A_26, %exp3A : vector<400x16xf32>
    %get3A_28 = arith.constant 0 : index
    %get3A_29 = arith.constant 0 : index
    %get3A_30 = vector.load %arg7[%get3A_28, %get3A_29] : memref<16x128xf32, #tpu.memory_space<vmem>>, vector<16x128xf32>
    %dot_general3A_31 = arith.constant dense<0.000000e+00> : vector<400x128xf32>
    %dot_general3A_32 = tpu.matmul %exp3A, %get3A_30, %dot_general3A_31 {dimension_numbers = #tpu.dot_dimension_numbers<[1], [0], [0], [1], [0, 0, 1, 1], [], []>, transpose_lhs_hint = false} : vector<400x16xf32>, vector<16x128xf32>, vector<400x128xf32> -> vector<400x128xf32>
    %get3A_33 = arith.constant 0 : index
    %get3A_34 = arith.constant 0 : index
    %get3A_35 = arith.constant 0 : index
    %get3A_36 = vector.load %arg3[%get3A_33, %get3A_34, %get3A_35] : memref<2x400x128xf32, #tpu.memory_space<vmem>>, vector<1x400x128xf32>
    %get3A_37 = vector.shape_cast %get3A_36 : vector<1x400x128xf32> to vector<400x128xf32>
    %get3A_38 = arith.constant 1 : index
    %get3A_39 = arith.constant 0 : index
    %get3A_40 = arith.constant 0 : index
    %get3A_41 = vector.load %arg3[%get3A_38, %get3A_39, %get3A_40] : memref<2x400x128xf32, #tpu.memory_space<vmem>>, vector<1x400x128xf32>
    %get3A_42 = vector.shape_cast %get3A_41 : vector<1x400x128xf32> to vector<400x128xf32>
    %add3A_43 = arith.addf %get3A_37, %get3A_42 : vector<400x128xf32>
    %mul3A_44 = arith.mulf %get3A_1, %dot_general3A_32 : vector<400x128xf32>
    %add3A_45 = arith.addf %add3A_43, %mul3A_44 : vector<400x128xf32>
    %div3A = arith.constant 1.000000e+00 : f32
    %div3A_46 = vector.broadcast %div3A : f32 to vector<400x16xf32>
    %div3A_47 = arith.divf %div3A_46, %add3A_27 : vector<400x16xf32>
    %get3A_48 = arith.constant 0 : index
    %get3A_49 = arith.constant 0 : index
    %get3A_50 = vector.load %arg7[%get3A_48, %get3A_49] : memref<16x128xf32, #tpu.memory_space<vmem>>, vector<16x128xf32>
    %dot_general3A_51 = arith.constant dense<0.000000e+00> : vector<400x128xf32>
    %dot_general3A_52 = tpu.matmul %div3A_47, %get3A_50, %dot_general3A_51 {dimension_numbers = #tpu.dot_dimension_numbers<[1], [0], [0], [1], [0, 0, 1, 1], [], []>, transpose_lhs_hint = false} : vector<400x16xf32>, vector<16x128xf32>, vector<400x128xf32> -> vector<400x128xf32>
    %mul3A_53 = arith.mulf %add3A_45, %dot_general3A_52 : vector<400x128xf32>
    %get3A_54 = arith.constant 0 : index
    %get3A_55 = arith.constant 0 : index
    %get3A_56 = vector.load %arg8[%get3A_54, %get3A_55] : memref<1x128xf32, #tpu.memory_space<vmem>>, vector<1x128xf32>
    %add3A_57 = vector.broadcast %get3A_56 : vector<1x128xf32> to vector<400x128xf32>
    %add3A_58 = arith.addf %mul3A_53, %add3A_57 : vector<400x128xf32>
    %get3A_59 = arith.constant 0 : index
    %get3A_60 = arith.constant 0 : index
    %get3A_61 = vector.load %arg9[%get3A_59, %get3A_60] : memref<1x128xf32, #tpu.memory_space<vmem>>, vector<1x128xf32>
    %mul3A_62 = arith.constant 0.999994993 : f32
    %mul3A_63 = vector.broadcast %mul3A_62 : f32 to vector<1x128xf32>
    %mul3A_64 = arith.mulf %get3A_61, %mul3A_63 : vector<1x128xf32>
    %mul3A_65 = vector.broadcast %mul3A_64 : vector<1x128xf32> to vector<400x128xf32>
    %mul3A_66 = arith.mulf %add3A_58, %mul3A_65 : vector<400x128xf32>
    %get3A_67 = arith.constant 0 : index
    %get3A_68 = arith.constant 0 : index
    %get3A_69 = vector.load %arg10[%get3A_67, %get3A_68] : memref<1x128xf32, #tpu.memory_space<vmem>>, vector<1x128xf32>
    %add3A_70 = vector.broadcast %get3A_69 : vector<1x128xf32> to vector<400x128xf32>
    %add3A_71 = arith.addf %mul3A_66, %add3A_70 : vector<400x128xf32>
    %gt3A = arith.constant 0.000000e+00 : f32
    %gt3A_72 = vector.broadcast %gt3A : f32 to vector<400x128xf32>
    %gt3A_73 = arith.cmpf ogt, %add3A_71, %gt3A_72 : vector<400x128xf32>
    %min3A = arith.constant 0.000000e+00 : f32
    %min3A_74 = vector.broadcast %min3A : f32 to vector<400x128xf32>
    %min3A_75 = arith.minimumf %add3A_71, %min3A_74 : vector<400x128xf32>
    %exp3A_76 = math.exp %min3A_75 : vector<400x128xf32>
    %sub3A = arith.constant 1.000000e+00 : f32
    %sub3A_77 = vector.broadcast %sub3A : f32 to vector<400x128xf32>
    %sub3A_78 = arith.subf %exp3A_76, %sub3A_77 : vector<400x128xf32>
    %select_n3A = arith.select %gt3A_73, %add3A_71, %sub3A_78 : vector<400x128xi1>, vector<400x128xf32>
    %get3A_79 = arith.constant 0 : index
    %get3A_80 = arith.constant 0 : index
    %get3A_81 = vector.load %arg11[%get3A_79, %get3A_80] : memref<128x128xf32, #tpu.memory_space<vmem>>, vector<128x128xf32>
    %dot_general3A_82 = arith.constant dense<0.000000e+00> : vector<400x128xf32>
    %dot_general3A_83 = tpu.matmul %select_n3A, %get3A_81, %dot_general3A_82 {dimension_numbers = #tpu.dot_dimension_numbers<[1], [0], [0], [1], [0, 0, 1, 1], [], []>, transpose_lhs_hint = false} : vector<400x128xf32>, vector<128x128xf32>, vector<400x128xf32> -> vector<400x128xf32>
    %swap3A = arith.constant 0 : index
    %swap3A_84 = arith.constant 0 : index
    %swap3A_85 = vector.load %arg12[%swap3A, %swap3A_84] : memref<400x128xf32, #tpu.memory_space<vmem>>, vector<400x128xf32>
    tpu.vector_store %arg12[%swap3A, %swap3A_84], %dot_general3A_83 {strides = array<i32>} : memref<400x128xf32, #tpu.memory_space<vmem>>, vector<400x128xf32>,
    return
  }
  func.func @transform_0(%arg0: i32) -> (i32, i32) {
    %c0_i32 = arith.constant 0 : i32
    %c0_i32_0 = arith.constant 0 : i32
    return %arg0, %c0_i32 : i32, i32
  }
  func.func @transform_1(%arg0: i32) -> (i32, i32) {
    %c0_i32 = arith.constant 0 : i32
    %c0_i32_0 = arith.constant 0 : i32
    return %arg0, %c0_i32 : i32, i32
  }
  func.func @transform_2(%arg0: i32) -> (i32, i32, i32) {
    %c0_i32 = arith.constant 0 : i32
    %c0_i32_0 = arith.constant 0 : i32
    %c0_i32_1 = arith.constant 0 : i32
    return %c0_i32, %arg0, %c0_i32_0 : i32, i32, i32
  }
  func.func @transform_3(%arg0: i32) -> (i32, i32, i32) {
    %c0_i32 = arith.constant 0 : i32
    %c0_i32_0 = arith.constant 0 : i32
    %c0_i32_1 = arith.constant 0 : i32
    return %c0_i32, %arg0, %c0_i32_0 : i32, i32, i32
  }
  func.func @transform_4(%arg0: i32) -> (i32, i32) {
    %c0_i32 = arith.constant 0 : i32
    %c0_i32_0 = arith.constant 0 : i32
    %c0_i32_1 = arith.constant 0 : i32
    return %c0_i32, %c0_i32_0 : i32, i32
  }
  func.func @transform_5(%arg0: i32) -> (i32, i32) {
    %c0_i32 = arith.constant 0 : i32
    %c0_i32_0 = arith.constant 0 : i32
    %c0_i32_1 = arith.constant 0 : i32
    return %c0_i32, %c0_i32_0 : i32, i32
  }
  func.func @transform_6(%arg0: i32) -> (i32, i32) {
    %c0_i32 = arith.constant 0 : i32
    %c0_i32_0 = arith.constant 0 : i32
    %c0_i32_1 = arith.constant 0 : i32
    return %c0_i32, %c0_i32_0 : i32, i32
  }
  func.func @transform_7(%arg0: i32) -> (i32, i32) {
    %c0_i32 = arith.constant 0 : i32
    %c0_i32_0 = arith.constant 0 : i32
    %c0_i32_1 = arith.constant 0 : i32
    return %c0_i32, %c0_i32_0 : i32, i32
  }
  func.func @transform_8(%arg0: i32) -> (i32, i32) {
    %c0_i32 = arith.constant 0 : i32
    %c0_i32_0 = arith.constant 0 : i32
    %c0_i32_1 = arith.constant 0 : i32
    return %c0_i32, %c0_i32_0 : i32, i32
  }
  func.func @transform_9(%arg0: i32) -> (i32, i32) {
    %c0_i32 = arith.constant 0 : i32
    %c0_i32_0 = arith.constant 0 : i32
    %c0_i32_1 = arith.constant 0 : i32
    return %c0_i32, %c0_i32_0 : i32, i32
  }
  func.func @transform_10(%arg0: i32) -> (i32, i32) {
    %c0_i32 = arith.constant 0 : i32
    %c0_i32_0 = arith.constant 0 : i32
    %c0_i32_1 = arith.constant 0 : i32
    return %c0_i32, %c0_i32_0 : i32, i32
  }
  func.func @transform_11(%arg0: i32) -> (i32, i32) {
    %c0_i32 = arith.constant 0 : i32
    %c0_i32_0 = arith.constant 0 : i32
    return %arg0, %c0_i32 : i32, i32
  }
}

</mosaic_0001>

<sc_bundles>
// kernel: kernel.12.cloned.1.call-start
scs
__scs_entry_jumppad:
0x0: {  	(pc) =	sbr.rel $0x88, $3  }
0x1: {  	(tag) =	ssettag $0x0;
	lr =	simm.s32 $0x1  }
0x2: {  	[smem:$0x3F93] =	sst lr;
	_ =	strace $0xD0000000  }
0x3: {  	_ = 	snop  }
0x4: {  	_ = 	snop  }
0x5: {  	_ = 	snop  }
0x6: {  	_ = 	snop  }
0x7: {  	_ = 	snop  }
__scs_overlays_trampoline_lowered:
0x8: {  	[smem:$0x3FA2] =	sst s0  }
0x9: {  	[smem:$0x3FA3] =	sst s1  }
0xa: {  	[smem:$0x3FA4] =	sst s2  }
0xb: {  	[smem:$0x3FA5] =	sst s3  }
0xc: {  	[smem:$0x3FA6] =	sst s4  }
0xd: {  	[smem:$0x3FA7] =	sst s5  }
0xe: {  	[smem:$0x3FA8] =	sst s6  }
0xf: {  	[smem:$0x3FA9] =	sst s7  }
0x10: {  	[smem:$0x3FAA] =	sst s8  }
0x11: {  	[smem:$0x3FAB] =	sst s9;
	s0 =	simm.s32 @!p0 $0x0  }
0x12: {  	s1 =	sld [smem:$0x3F91];
	s0 =	simm.s32 @p0 $0x1  }
0x13: {  	[smem:$0x3FAC] =	sst s0;
	s0 =	simm.s32 @!p1 $0x0  }
0x14: {  	s2 =	sld [smem:$0x3F90];
	s0 =	simm.s32 @p1 $0x1  }
0x15: {  	[smem:$0x3FAD] =	sst s0;
	s0 =	simm.s32 @!p2 $0x0  }
0x16: {  	s3 =	sld [smem:$0x3FDB];
	s0 =	simm.s32 @p2 $0x1  }
0x17: {  	s4 =	simm.s32 $0x1BF5;
	[smem:$0x3FAF] =	sst s0  }
0x18: {  	s0 =	sld [smem:$0x3F92];
	_ =	swait.ge [sflag:s4], $0x0  }
0x19: {  	s7 =	sld [smem:$0x3F93]  }
0x1a: {  	s8 =	sadd.s32 $0xFFFFE003, lr  }
0x1b: {  	s9 =	sadd.s32 $0xFFFFFEF7, lr;
	s5 =	simm.s32 $0xFFFFFFFF;
	p2 =	slt.u32 s8, $0xFFFFF086  }
0x1c: {  	p1 =	slt.u32 s9, $0xF7A;
	s5 =	simm.s32 @!p2 $0x0  }
0x1d: {  	s5 =	simm.s32 @p1 $0x1;
	p0 =	seq.s32 s7, s2  }
0x1e: {  	s7 =	smul.u32 @!p0 $0xF7A, s2;
	p2 =	seq.s32 @!p0 s5, $0x0  }
0x1f: {  	s9 =	smul.u32 $0xF7A, s1;
	s8 =	simm.s32 @!p0 $0x1BF5;
	p2 =	por !p2, p0  }
0x20: {  	[sflag:s8] =	ssyncset.s32 @!p0 $0xFFFFF086;
	s6 =	sadd.s32 @!p0 s3, s7;
	s7 =	simm.s32 @!p0 $0x108  }
0x21: {  	s3 =	sadd.s32 s3, s9;
	s6 =	sadd.s32 @!p0 $0x88, s6;
	s7 =	simm.s32 @p2 $0x1082  }
0x22: {  	[simem:s7], [sflag:s8] =	dma.local @!p0 [hbm:s6], $0xF7A  }
0x23: {  	s9 =	sor.u32 $0xD0000000, s2;
	s6 =	simm.s32 $0x108;
	_ =	swait.ge @!p0 [sflag:s8], $0x0  }
0x24: {  	s3 =	sadd.s32 $0x88, s3;
	s6 =	simm.s32 @!p1 $0x1082;
	[sflag:s4] =	ssyncset.s32 $0xFFFFF086  }
0x25: {  	[simem:s6], [sflag:s4] =	dma.local [hbm:s3], $0xF7A  }
0x26: {  	[smem:$0x3F93] =	sst s1;
	(tag) =	ssettag s2;
	_ =	strace s9  }
0x27: {  	s1 =	sld [smem:$0x3FA3]  }
0x28: {  	s2 =	sld [smem:$0x3FA4]  }
0x29: {  	s4 =	sld [smem:$0x3FA6]  }
0x2a: {  	p0 =	seq.s32 s5, $0x0;
	s5 =	sld [smem:$0x3FA7]  }
0x2b: {  	s6 =	sld [smem:$0x3FA8]  }
0x2c: {  	s7 =	sld [smem:$0x3FA9]  }
0x2d: {  	s3 =	simm.s32 $0x108;
	s8 =	sld [smem:$0x3FAA]  }
0x2e: {  	s3 =	simm.s32 @!p0 $0x1082;
	s9 =	sld [smem:$0x3FAB]  }
0x2f: {  	lr =	sadd.s32 s0, s3;
	s0 =	sld [smem:$0x3FA2]  }
0x30: {  	s3 =	sld [smem:$0x3FA5]  }
0x31: {  	[smem:$0x3FAE] =	sst s10  }
0x32: {  	s10 =	sld [smem:$0x3FAC];
	_ =	sdelay $0x3  }
0x33: {  	p0 =	seq.s32 s10, $0x1;
	s10 =	sld [smem:$0x3FAE];
	_ =	sdelay $0x3  }
0x34: {  	[smem:$0x3FAE] =	sst s10  }
0x35: {  	s10 =	sld [smem:$0x3FAD];
	_ =	sdelay $0x3  }
0x36: {  	p1 =	seq.s32 s10, $0x1;
	s10 =	sld [smem:$0x3FAE];
	_ =	sdelay $0x3  }
0x37: {  	[smem:$0x3FAE] =	sst s10  }
0x38: {  	s10 =	sld [smem:$0x3FAF]  }
0x39: {  	_ = 	snop;
	(pc) =	sbr.ind lr, $3  }
0x3a: {  	_ = 	snop  }
0x3b: {  	_ = 	snop  }
0x3c: {  	p2 =	seq.s32 s10, $0x1;
	s10 =	sld [smem:$0x3FAE]  }
0x3d: {  	_ =	shalt  }
0x3e: {  	_ =	shalt  }
0x3f: {  	_ =	shalt  }
0x40: {  	_ =	shalt  }
0x41: {  	_ =	shalt  }
0x42: {  	_ =	shalt  }
0x43: {  	_ =	shalt  }
0x44: {  	_ =	shalt  }
0x45: {  	_ =	shalt  }
0x46: {  	_ =	shalt  }
0x47: {  	_ =	shalt  }
0x48: {  	_ =	shalt  }
0x49: {  	_ =	shalt  }
0x4a: {  	_ =	shalt  }
0x4b: {  	_ =	shalt  }
0x4c: {  	_ =	shalt  }
0x4d: {  	_ =	shalt  }
0x4e: {  	_ =	shalt  }
0x4f: {  	_ =	shalt  }
0x50: {  	_ =	shalt  }
0x51: {  	_ =	shalt  }
0x52: {  	_ =	shalt  }
0x53: {  	_ =	shalt  }
0x54: {  	_ =	shalt  }
0x55: {  	_ =	shalt  }
0x56: {  	_ =	shalt  }
0x57: {  	_ =	shalt  }
0x58: {  	_ =	shalt  }
0x59: {  	_ =	shalt  }
0x5a: {  	_ =	shalt  }
0x5b: {  	_ =	shalt  }
0x5c: {  	_ =	shalt  }
0x5d: {  	_ =	shalt  }
0x5e: {  	_ =	shalt  }
0x5f: {  	_ =	shalt  }
0x60: {  	_ =	shalt  }
0x61: {  	_ =	shalt  }
0x62: {  	_ =	shalt  }
0x63: {  	_ =	shalt  }
0x64: {  	_ =	shalt  }
0x65: {  	_ =	shalt  }
0x66: {  	_ =	shalt  }
0x67: {  	_ =	shalt  }
0x68: {  	_ =	shalt  }
0x69: {  	_ =	shalt  }
0x6a: {  	_ =	shalt  }
0x6b: {  	_ =	shalt  }
0x6c: {  	_ =	shalt  }
0x6d: {  	_ =	shalt  }
0x6e: {  	_ =	shalt  }
0x6f: {  	_ =	shalt  }
0x70: {  	_ =	shalt  }
0x71: {  	_ =	shalt  }
0x72: {  	_ =	shalt  }
0x73: {  	_ =	shalt  }
0x74: {  	_ =	shalt  }
0x75: {  	_ =	shalt  }
0x76: {  	_ =	shalt  }
0x77: {  	_ =	shalt  }
0x78: {  	_ =	shalt  }
0x79: {  	_ =	shalt  }
0x7a: {  	_ =	shalt  }
0x7b: {  	_ =	shalt  }
0x7c: {  	_ =	shalt  }
0x7d: {  	_ =	shalt  }
0x7e: {  	_ =	shalt  }
0x7f: {  	_ =	shalt  }
0x80: {  	_ =	shalt  }
0x81: {  	_ =	shalt  }
0x82: {  	_ =	shalt  }
0x83: {  	_ =	shalt  }
0x84: {  	_ =	shalt  }
0x85: {  	_ =	shalt  }
0x86: {  	_ =	shalt  }
0x87: {  	_ =	shalt  }
.Lfunc_end0:
.L_simem_size_0:
called_computation.1_lowered:
.L_overlay_start_0:
0x88: {  	s2 =	sld [smem:$0x3FD9]  }
0x89: {  	s3 =	sld [smem:$0x3FFE];
	_ =	sdelay $0x1  }
0x8a: {  	s1 =	srdreg.scid  }
0x8b: {  	s0 =	sand.u32 $0x1, s1  }
0x8c: {  	s17 =	sshll.u32 s0, $0xA;
	s2 =	sadd.s32 s3, s2  }
0x8d: {  	s2 =	sadd.s32 s2, s17  }
0x8e: {  	[smem:$0x3FBA] =	sst s2  }
0x8f: {  	_ = 	snop  }
0x90: {  	s2 =	sld [smem:$0x3FD0];
	(tm) =	ssettm $0x1  }
0x91: {  	s18 =	sld [smem:$0x3FFB];
	_ =	sdelay $0x3  }
0x92: {  	_ =	strace s18  }
0x93: {  	s3 =	sld [smem:$0x3FFC];
	_ =	sdelay $0x3  }
0x94: {  	_ =	strace s3  }
0x95: {  	s3 =	sld [smem:$0x3FFD];
	_ =	sdelay $0x3  }
0x96: {  	_ =	strace s3  }
0x97: {  	_ =	strace $0x8FFFFFFF  }
0x98: {  	s19 =	sld [smem:$0x3FDB];
	_ =	sdelay $0x1  }
0x99: {  	s4 =	simm.s32 $_scs_section_size  }
0x9a: {  	s5 =	simm.s32 $_size__tile_overlayer_lowered;
	s6 =	simm.s32 $_tile_overlayer_lowered  }
0x9b: {  	s22 =	simm.s32 $0x1BFF;
	s21 =	sshll.u32 s6, $0x1;
	s3 =	sadd.s32 s4, s19  }
0x9c: {  	s7 =	simm.s32 $0x0;
	s20 =	sshll.u32 s5, $0x1;
	s5 =	sadd.s32 s21, s3  }
0x9d: {  	[timem:s7], [sflag:s22] =	dma.local [hbm:s5], s20  }
0x9e: {  	_ =	swait.ge [sflag:s22], s20  }
0x9f: {  	s4 =	ssub.s32 $0x0, s20;
	[sflag:s22] =	ssyncset.done $0x0  }
0xa0: {  	[sflag:s22] =	ssyncadd.s32 s4;
	_ =	sdelay $0x1  }
0xa1: {  	s23 =	simm.s32 $0x1B8B  }
0xa2: {  	_ =	swait.ge [sflag:s23], $0x1  }
0xa3: {  	[sflag:s23] =	ssyncset.done $0x0  }
0xa4: {  	s25 =	simm.s32 $0x1B8E;
	s24 =	sld [smem:$0x3FFE];
	[sflag:s23] =	ssyncadd.s32 $0xFFFFFFFF  }
0xa5: {  	s26 =	simm.s32 $execute0_lowered;
	[smem:$0x3FD2] =	sst s25  }
0xa6: {  	s5 =	sshll.u32 s26, $0x1;
	_ =	strace $0x80000049;
	[dreg:$0x1] =	wrdreg $0xFFFFFFFF  }
0xa7: {  	s28 =	simm.s32 $_size_execute0_lowered;
	s3 =	sadd.s32 s3, s5;
	[dreg:$0x0] =	wrdreg $0x0  }
0xa8: {  	s5 =	sshll.u32 s28, $0x1;
	[dreg:$0x2] =	wrdreg s3  }
0xa9: {  	[dreg:$0x3] =	wrdreg s5  }
0xaa: {  	[dreg:$0x4] =	wrdreg $0xC0  }
0xab: {  	_ =	task [dreg:s7], $0x5FFFF  }
0xac: {  	[dreg:$0x1] =	wrdreg $0xFFFFFFFF  }
0xad: {  	[dreg:$0x0] =	wrdreg $0x60  }
0xae: {  	[dreg:$0x2] =	wrdreg s24  }
0xaf: {  	[dreg:$0x3] =	wrdreg s2  }
0xb0: {  	[dreg:$0x4] =	wrdreg $0x30800  }
0xb1: {  	[dreg:$0x5] =	wrdreg $0x9  }
0xb2: {  	_ =	task.clear_ibuf [dreg:s7], $0x6FFFF;
	_ =	strace $0x90000049  }
0xb3: {  	s29 =	simm.s32 $0x9;
	_ =	strace $0x8000004B  }
0xb4: {  	_ =	swait.ge [sflag:s29], $0x1  }
0xb5: {  	[sflag:s29] =	ssyncadd.s32 $0xFFFFFFFF  }
0xb6: {  	_ =	strace $0x9000004B  }
0xb7: {  	_ =	sfence  }
0xb8: {  	s30 =	sld [smem:$0x0];
	_ =	sdelay $0x2  }
0xb9: {  	s31 =	sshll.u32 s1, $0xD;
	s1 =	sshrl.u32 s1, $0x2  }
0xba: {  	s3 =	sand.u32 $0x4000, s31;
	s1 =	sadd.s32 s1, s30  }
0xbb: {  	s0 =	sor.u32 s3, s0;
	s1 =	sshll.u32 s1, $0x11  }
0xbc: {  	s0 =	sor.u32 s1, s0  }
0xbd: {  	s0 =	sadd.s32 $0x8F2B, s0  }
0xbe: {  	[sflag:s0] =	ssyncadd.remote.s32 $0x1  }
0xbf: {  	_ =	sfence.sel $0xFFFF  }
0xc0: {  	[dreg:$0x0] =	wrdreg $0xFFFFFFFF;
	(pc) =	sbr.abs _section_cstart, $3  }
0xc1: {  	[dreg:$0x1] =	wrdreg $0xFFFFFFFF  }
0xc2: {  	_ =	task.clear_ibuf [dreg:s7], $0x2FFFF;
	_ =	strace $0x9FFFFFFF  }
0xc3: {  	(tm) =	ssettm $0x7FFFFFFF  }
tec
execute0_lowered:
.L_overlay_start_1:
0x0: {  	(tag) =	ssettag $0x1  }
0x1: {  	s4 =	rddreg [dreg:$0x0];
	s2 =	srdreg.scid  }
0x2: {  	s8 =	rddreg [dreg:$0x1];
	s6 =	sand.u32 $0x1, s2  }
0x3: {  	s2 =	stileid.u32;
	s5 =	smul.u32 $0x271000, s6  }
0x4: {  	s1 =	rddreg [dreg:$0x2];
	s7 =	smul.u32 $0x4E000, s2  }
0x5: {  	s0 =	rddreg [dreg:$0x3];
	s9 =	smul.u32 $0x138800, s6  }
0x6: {  	s3 =	simm.s32 $0x0;
	s17 =	simm.s32 $0x0;
	s11 =	smul.u32 $0x13800, s2  }
0x7: {  	[smem:$0x7FF] =	sst s3;
	s12 =	sadd.s32 $0x58CC00, s4;
	s28 =	smul.u32 $0x27100, s2  }
0x8: {  	s16 =	sadd.s32 $0x138000, s1;
	_ =	strace $0x8000004A;
	s29 =	smul.u32 $0x4E20, s6  }
0x9: {  	s23 =	ssub.s32 $0x2, s6;
	s30 =	smul.u32 $0x4E2, s2;
	s14 =	sshll.u32 s2, $0x6  }
0xa: {  	p0 =	sne.s32 s2, $0xF;
	s24 =	sshrl.u32 s23, $0x1;
	s14 =	sor.u32 $0x1C01, s14  }
0xb: {  	s16 =	sshrl.u32 @!p0 s16, $0x3;
	s10 =	sadd.s32 s5, s4;
	s7 =	sshrl.u32 s7, $0x2  }
0xc: {  	s13 =	ssub.s32 s23, s24;
	s25 =	sadd.s32 s11, s9;
	s26 =	sshrl.u32 s9, $0x3  }
0xd: {  	s31 =	sadd.s32 s29, s8;
	s11 =	simm.s32 $0x1;
	s4 =	sadd.s32 s7, s1  }
0xe: {  	s5 =	sshrl.u32 s25, $0x3;
	s7 =	sadd.s32 s12, s26;
	s9 =	sadd.s32 s28, s10  }
0xf: {  	s10 =	simm.s32 $0x2880;
	s5 =	sadd.s32 s12, s5;
	s6 =	sadd.s32 $0x27000, s7  }
0x10: {  	s7 =	smax.u32 s13, $0x1;
	s8 =	sadd.s32 $0x5CA00, s9;
	s9 =	sadd.s32 s30, s31  }
0x11: {  	v0 =	vimm.f32 $0.0e+00;
	s12 =	simm.s32 $0x80;
	s13 =	simm.s32 $0x50;
	s15 =	sshrl.u32 s4, $0x3  }
.LBB2_1:
0x12: {  	[tilespmem:$0x2880] =	vst v0  }
0x13: {  	[tilespmem:$0x2900] =	vst v0  }
0x14: {  	[tilespmem:$0x2980] =	vst v0  }
0x15: {  	[tilespmem:$0x2A00] =	vst v0  }
0x16: {  	[tilespmem:$0x2A80] =	vst v0  }
0x17: {  	[tilespmem:$0x2B00] =	vst v0  }
0x18: {  	[tilespmem:$0x2B80] =	vst v0  }
0x19: {  	[tilespmem:$0x2C00] =	vst v0  }
0x1a: {  	[tilespmem:$0x2C80] =	vst v0  }
0x1b: {  	[tilespmem:$0x2D00] =	vst v0  }
0x1c: {  	[tilespmem:$0x2D80] =	vst v0  }
0x1d: {  	[tilespmem:$0x2E00] =	vst v0  }
0x1e: {  	[tilespmem:$0x2E80] =	vst v0  }
0x1f: {  	[tilespmem:$0x2F00] =	vst v0  }
0x20: {  	[tilespmem:$0x2F80] =	vst v0  }
0x21: {  	[tilespmem:$0x3000] =	vst v0;
	s18 =	sadd.s32 $0x0, s4  }
0x22: {  	[spmem:s18] =	stream.linear.scatter [tilespmem:s10], [sflag:$0x1], $0x800, $0x38;
	[tilespmem:$0x5790] =	vst v63  }
0x23: {  	s18 =	simm.s32 $0x2000;
	_ =	swait.ge [sflag:s11], $0x800  }
.LBB2_2:
0x24: {  	s19 =	sshra.s32 s18, $0x2;
	[sflag:s11] =	ssyncset.done $0x0;
	p1 =	sne.s32 s18, $0x4E000  }
.Ltmp0:
0x25: {  	s19 =	sadd.s32 s19, s4;
	[sflag:s11] =	ssyncadd.s32 $0xFFFFF800;
	(pc) =	sbr.rel @p1 .LBB2_2-.Ltmp0, $3  }
0x26: {  	[spmem:s19] =	stream.linear.scatter [tilespmem:s10], [sflag:$0x1], $0x800, $0x38;
	[tilespmem:$0x5790] =	vst v63  }
0x27: {  	s18 =	sadd.s32 $0x2000, s18;
	_ =	sdelay $0x1  }
0x28: {  	_ =	swait.ge [sflag:s11], $0x800  }
0x29: {  	[sflag:s11] =	ssyncset.done $0x0  }
0x2a: {  	[sflag:s11] =	ssyncadd.s32 $0xFFFFF800  }
0x2b: {  	s18 =	sadd.s32 $0x0, s9;
	[bflag:$0x0] =	sbarrier.arrive $0xFFFF  }
0x2c: {  	[tilespmem:s3], [sflag:$0x1] =	stream.linear.gather [hbm4b:s18+s3], $0x50, $0x38;
	[tilespmem:$0x5790] =	vst v63  }
0x2d: {  	_ =	swait.ge [sflag:s11], $0x50  }
0x2e: {  	[sflag:s11] =	ssyncset.done $0x0  }
0x2f: {  	[sflag:s11] =	ssyncadd.s32 $0xFFFFFFB0  }
0x30: {  	[tilespmem:s12], [sflag:$0x1] =	stream.linear.gather [hbm4b:s8+s3], $0x2800, $0x38;
	[tilespmem:$0x5790] =	vst v63  }
0x31: {  	_ =	swait.ge [sflag:s11], $0x2800  }
0x32: {  	[sflag:s11] =	ssyncset.done $0x0  }
0x33: {  	[sflag:s11] =	ssyncadd.s32 $0xFFFFD800  }
0x34: {  	[spmem:s1] =	stream.indirect.scatter.add.f32 [tilespmem:s12], [sflag:$0x1], $0x10, s3, s13, $0xb8;
	[tilespmem:$0x5790] =	vst v63  }
0x35: {  	s19 =	simm.s32 $0xA;
	_ =	swait.ge [sflag:s11], $0x500  }
0x36: {  	s20 =	simm.s32 $0x14;
	s18 =	sadd.s32 $0x500, s8;
	[sflag:s11] =	ssyncset.done $0x0  }
.LBB2_4:
0x37: {  	s21 =	sadd.s32 s19, s9  }
0x38: {  	[sflag:s11] =	ssyncadd.s32 $0xFFFFFB00;
	s19 =	smov.u32 s20;
	s22 =	sadd.s32 $0xA, s20  }
0x39: {  	[tilespmem:s3], [sflag:$0x1] =	stream.linear.gather [hbm4b:s21+s3], $0x50, $0x38;
	[tilespmem:$0x5790] =	vst v63  }
0x3a: {  	p1 =	sne.s32 s20, $0x4D8;
	_ =	swait.ge [sflag:s11], $0x50  }
0x3b: {  	[sflag:s11] =	ssyncset.done $0x0  }
0x3c: {  	[sflag:s11] =	ssyncadd.s32 $0xFFFFFFB0  }
0x3d: {  	[tilespmem:s12], [sflag:$0x1] =	stream.linear.gather [hbm4b:s18+s3], $0x2800, $0x38;
	[tilespmem:$0x5790] =	vst v63  }
0x3e: {  	_ =	swait.ge [sflag:s11], $0x2800  }
.Ltmp1:
0x3f: {  	[sflag:s11] =	ssyncset.done $0x0;
	(pc) =	sbr.rel @p1 .LBB2_4-.Ltmp1, $4  }
0x40: {  	[sflag:s11] =	ssyncadd.s32 $0xFFFFD800  }
0x41: {  	[spmem:s1] =	stream.indirect.scatter.add.f32 [tilespmem:s12], [sflag:$0x1], $0x10, s3, s13, $0xb8;
	[tilespmem:$0x5790] =	vst v63  }
0x42: {  	_ =	swait.ge [sflag:s11], $0x500  }
0x43: {  	s20 =	smov.u32 s22;
	s18 =	sadd.s32 $0x500, s18;
	[sflag:s11] =	ssyncset.done $0x0  }
0x44: {  	s19 =	sadd.s32 s19, s9;
	[sflag:s11] =	ssyncadd.s32 $0xFFFFFB00  }
0x45: {  	[tilespmem:s3], [sflag:$0x1] =	stream.linear.gather [hbm4b:s19+s3], $0x50, $0x38;
	[tilespmem:$0x5790] =	vst v63  }
0x46: {  	_ =	swait.ge [sflag:s11], $0x50  }
0x47: {  	[sflag:s11] =	ssyncset.done $0x0  }
0x48: {  	[sflag:s11] =	ssyncadd.s32 $0xFFFFFFB0  }
0x49: {  	[tilespmem:s12], [sflag:$0x1] =	stream.linear.gather [hbm4b:s18+s3], $0x2800, $0x38;
	[tilespmem:$0x5790] =	vst v63  }
0x4a: {  	_ =	swait.ge [sflag:s11], $0x2800  }
0x4b: {  	[sflag:s11] =	ssyncset.done $0x0  }
0x4c: {  	[sflag:s11] =	ssyncadd.s32 $0xFFFFD800  }
0x4d: {  	[spmem:s1] =	stream.indirect.scatter.add.f32 [tilespmem:s12], [sflag:$0x1], $0x10, s3, s13, $0xb8;
	[tilespmem:$0x5790] =	vst v63  }
0x4e: {  	_ =	swait.ge [sflag:s11], $0x500  }
0x4f: {  	[sflag:s11] =	ssyncset.done $0x0  }
0x50: {  	[sflag:s11] =	ssyncadd.s32 $0xFFFFFB00  }
0x51: {  	[bflag:$0x0] =	sbarrier.arrive $0xFFFF  }
0x52: {  	[hbm:s5], [sflag:s14] =	dma.local [spmem:s15], $0x2700  }
0x53: {  	s17 =	sadd.s32 $0x1, s17;
	_ =	swait.ge [sflag:s11], $0x2700  }
0x54: {  	p1 =	sne.s32 s17, s7;
	[sflag:s11] =	ssyncset.done $0x0  }
.Ltmp2:
0x55: {  	s18 =	simm.s32 @!p0 $0x1;
	[sflag:s11] =	ssyncadd.s32 $0xFFFFD900;
	(pc) =	sbr.rel @p1 .LBB2_1-.Ltmp2, $4  }
0x56: {  	[hbm:s6], [sflag:s14] =	dma.local @!p0 [spmem:s16], $0x100  }
0x57: {  	_ =	swait.ge @!p0 [sflag:s18], $0x100  }
0x58: {  	[sflag:s18] =	ssyncset.done @!p0 $0x0  }
0x59: {  	[sflag:s18] =	ssyncadd.s32 @!p0 $0xFFFFFF00  }
0x5a: {  	_ =	sfence.sel $0x180000  }
0x5b: {  	[bflag:$0x0] =	sbarrier.arrive $0xFFFF  }
0x5c: {  	p0 =	sne.s32 s2, $0x0;
	_ =	strace $0x9000004A  }
0x5d: {  	s0 =	sadd.s32 @!p0 $0x100000, s0;
	[bflag:$0x2] =	sbarrier.arrive $0xFFFF  }
0x5e: {  	[sflag:s0] =	ssyncadd.tile.s32 @!p0 $0x1;
	_ =	shalt  }
.Lfunc_end2:
_tile_overlayer_lowered:
.L_overlay_start_2:
0x5f: {  	(tag) =	ssettag $0x2  }
0x60: {  	s0 =	rddreg [dreg:$0x0];
	s2 =	stileid.u32  }
0x61: {  	s1 =	rddreg [dreg:$0x1];
	p0 =	sne.s32 s2, $0x0  }
0x62: {  	s3 =	rddreg [dreg:$0x2];
	[bflag:$0x3] =	sbarrier.arrive $0xFFFF;
	s2 =	simm.s32 @!p0 $0x1C01  }
0x63: {  	[timem:s3], [sflag:s2] =	dma.local @!p0 [hbm:s0], s1  }
0x64: {  	s0 =	simm.s32 @!p0 $0x1  }
0x65: {  	_ =	swait.ge @!p0 [sflag:s0], s1  }
0x66: {  	s1 =	ssub.s32 @!p0 $0x0, s1;
	[sflag:s0] =	ssyncset.done @!p0 $0x0  }
0x67: {  	[sflag:s0] =	ssyncadd.s32 @!p0 s1  }
0x68: {  	[bflag:$0x3] =	sbarrier.arrive $0xFFFF  }
0x69: {  	_ =	shalt  }

// kernel: kernel.15.cloned.1.call-start
scs
__scs_entry_jumppad:
0x0: {  	(pc) =	sbr.rel $0x88, $3  }
0x1: {  	(tag) =	ssettag $0x0;
	lr =	simm.s32 $0x1  }
0x2: {  	[smem:$0x3F93] =	sst lr;
	_ =	strace $0xD0000000  }
0x3: {  	_ = 	snop  }
0x4: {  	_ = 	snop  }
0x5: {  	_ = 	snop  }
0x6: {  	_ = 	snop  }
0x7: {  	_ = 	snop  }
__scs_overlays_trampoline_lowered:
0x8: {  	[smem:$0x3FA2] =	sst s0  }
0x9: {  	[smem:$0x3FA3] =	sst s1  }
0xa: {  	[smem:$0x3FA4] =	sst s2  }
0xb: {  	[smem:$0x3FA5] =	sst s3  }
0xc: {  	[smem:$0x3FA6] =	sst s4  }
0xd: {  	[smem:$0x3FA7] =	sst s5  }
0xe: {  	[smem:$0x3FA8] =	sst s6  }
0xf: {  	[smem:$0x3FA9] =	sst s7  }
0x10: {  	[smem:$0x3FAA] =	sst s8  }
0x11: {  	[smem:$0x3FAB] =	sst s9;
	s0 =	simm.s32 @!p0 $0x0  }
0x12: {  	s1 =	sld [smem:$0x3F91];
	s0 =	simm.s32 @p0 $0x1  }
0x13: {  	[smem:$0x3FAC] =	sst s0;
	s0 =	simm.s32 @!p1 $0x0  }
0x14: {  	s2 =	sld [smem:$0x3F90];
	s0 =	simm.s32 @p1 $0x1  }
0x15: {  	[smem:$0x3FAD] =	sst s0;
	s0 =	simm.s32 @!p2 $0x0  }
0x16: {  	s3 =	sld [smem:$0x3FDB];
	s0 =	simm.s32 @p2 $0x1  }
0x17: {  	s4 =	simm.s32 $0x1BF5;
	[smem:$0x3FAF] =	sst s0  }
0x18: {  	s0 =	sld [smem:$0x3F92];
	_ =	swait.ge [sflag:s4], $0x0  }
0x19: {  	s7 =	sld [smem:$0x3F93]  }
0x1a: {  	s8 =	sadd.s32 $0xFFFFE003, lr  }
0x1b: {  	s9 =	sadd.s32 $0xFFFFFEF7, lr;
	s5 =	simm.s32 $0xFFFFFFFF;
	p2 =	slt.u32 s8, $0xFFFFF086  }
0x1c: {  	p1 =	slt.u32 s9, $0xF7A;
	s5 =	simm.s32 @!p2 $0x0  }
0x1d: {  	s5 =	simm.s32 @p1 $0x1;
	p0 =	seq.s32 s7, s2  }
0x1e: {  	s7 =	smul.u32 @!p0 $0xF7A, s2;
	p2 =	seq.s32 @!p0 s5, $0x0  }
0x1f: {  	s9 =	smul.u32 $0xF7A, s1;
	s8 =	simm.s32 @!p0 $0x1BF5;
	p2 =	por !p2, p0  }
0x20: {  	[sflag:s8] =	ssyncset.s32 @!p0 $0xFFFFF086;
	s6 =	sadd.s32 @!p0 s3, s7;
	s7 =	simm.s32 @!p0 $0x108  }
0x21: {  	s3 =	sadd.s32 s3, s9;
	s6 =	sadd.s32 @!p0 $0x88, s6;
	s7 =	simm.s32 @p2 $0x1082  }
0x22: {  	[simem:s7], [sflag:s8] =	dma.local @!p0 [hbm:s6], $0xF7A  }
0x23: {  	s9 =	sor.u32 $0xD0000000, s2;
	s6 =	simm.s32 $0x108;
	_ =	swait.ge @!p0 [sflag:s8], $0x0  }
0x24: {  	s3 =	sadd.s32 $0x88, s3;
	s6 =	simm.s32 @!p1 $0x1082;
	[sflag:s4] =	ssyncset.s32 $0xFFFFF086  }
0x25: {  	[simem:s6], [sflag:s4] =	dma.local [hbm:s3], $0xF7A  }
0x26: {  	[smem:$0x3F93] =	sst s1;
	(tag) =	ssettag s2;
	_ =	strace s9  }
0x27: {  	s1 =	sld [smem:$0x3FA3]  }
0x28: {  	s2 =	sld [smem:$0x3FA4]  }
0x29: {  	s4 =	sld [smem:$0x3FA6]  }
0x2a: {  	p0 =	seq.s32 s5, $0x0;
	s5 =	sld [smem:$0x3FA7]  }
0x2b: {  	s6 =	sld [smem:$0x3FA8]  }
0x2c: {  	s7 =	sld [smem:$0x3FA9]  }
0x2d: {  	s3 =	simm.s32 $0x108;
	s8 =	sld [smem:$0x3FAA]  }
0x2e: {  	s3 =	simm.s32 @!p0 $0x1082;
	s9 =	sld [smem:$0x3FAB]  }
0x2f: {  	lr =	sadd.s32 s0, s3;
	s0 =	sld [smem:$0x3FA2]  }
0x30: {  	s3 =	sld [smem:$0x3FA5]  }
0x31: {  	[smem:$0x3FAE] =	sst s10  }
0x32: {  	s10 =	sld [smem:$0x3FAC];
	_ =	sdelay $0x3  }
0x33: {  	p0 =	seq.s32 s10, $0x1;
	s10 =	sld [smem:$0x3FAE];
	_ =	sdelay $0x3  }
0x34: {  	[smem:$0x3FAE] =	sst s10  }
0x35: {  	s10 =	sld [smem:$0x3FAD];
	_ =	sdelay $0x3  }
0x36: {  	p1 =	seq.s32 s10, $0x1;
	s10 =	sld [smem:$0x3FAE];
	_ =	sdelay $0x3  }
0x37: {  	[smem:$0x3FAE] =	sst s10  }
0x38: {  	s10 =	sld [smem:$0x3FAF]  }
0x39: {  	_ = 	snop;
	(pc) =	sbr.ind lr, $3  }
0x3a: {  	_ = 	snop  }
0x3b: {  	_ = 	snop  }
0x3c: {  	p2 =	seq.s32 s10, $0x1;
	s10 =	sld [smem:$0x3FAE]  }
0x3d: {  	_ =	shalt  }
0x3e: {  	_ =	shalt  }
0x3f: {  	_ =	shalt  }
0x40: {  	_ =	shalt  }
0x41: {  	_ =	shalt  }
0x42: {  	_ =	shalt  }
0x43: {  	_ =	shalt  }
0x44: {  	_ =	shalt  }
0x45: {  	_ =	shalt  }
0x46: {  	_ =	shalt  }
0x47: {  	_ =	shalt  }
0x48: {  	_ =	shalt  }
0x49: {  	_ =	shalt  }
0x4a: {  	_ =	shalt  }
0x4b: {  	_ =	shalt  }
0x4c: {  	_ =	shalt  }
0x4d: {  	_ =	shalt  }
0x4e: {  	_ =	shalt  }
0x4f: {  	_ =	shalt  }
0x50: {  	_ =	shalt  }
0x51: {  	_ =	shalt  }
0x52: {  	_ =	shalt  }
0x53: {  	_ =	shalt  }
0x54: {  	_ =	shalt  }
0x55: {  	_ =	shalt  }
0x56: {  	_ =	shalt  }
0x57: {  	_ =	shalt  }
0x58: {  	_ =	shalt  }
0x59: {  	_ =	shalt  }
0x5a: {  	_ =	shalt  }
0x5b: {  	_ =	shalt  }
0x5c: {  	_ =	shalt  }
0x5d: {  	_ =	shalt  }
0x5e: {  	_ =	shalt  }
0x5f: {  	_ =	shalt  }
0x60: {  	_ =	shalt  }
0x61: {  	_ =	shalt  }
0x62: {  	_ =	shalt  }
0x63: {  	_ =	shalt  }
0x64: {  	_ =	shalt  }
0x65: {  	_ =	shalt  }
0x66: {  	_ =	shalt  }
0x67: {  	_ =	shalt  }
0x68: {  	_ =	shalt  }
0x69: {  	_ =	shalt  }
0x6a: {  	_ =	shalt  }
0x6b: {  	_ =	shalt  }
0x6c: {  	_ =	shalt  }
0x6d: {  	_ =	shalt  }
0x6e: {  	_ =	shalt  }
0x6f: {  	_ =	shalt  }
0x70: {  	_ =	shalt  }
0x71: {  	_ =	shalt  }
0x72: {  	_ =	shalt  }
0x73: {  	_ =	shalt  }
0x74: {  	_ =	shalt  }
0x75: {  	_ =	shalt  }
0x76: {  	_ =	shalt  }
0x77: {  	_ =	shalt  }
0x78: {  	_ =	shalt  }
0x79: {  	_ =	shalt  }
0x7a: {  	_ =	shalt  }
0x7b: {  	_ =	shalt  }
0x7c: {  	_ =	shalt  }
0x7d: {  	_ =	shalt  }
0x7e: {  	_ =	shalt  }
0x7f: {  	_ =	shalt  }
0x80: {  	_ =	shalt  }
0x81: {  	_ =	shalt  }
0x82: {  	_ =	shalt  }
0x83: {  	_ =	shalt  }
0x84: {  	_ =	shalt  }
0x85: {  	_ =	shalt  }
0x86: {  	_ =	shalt  }
0x87: {  	_ =	shalt  }
.Lfunc_end0:
.L_simem_size_0:
called_computation.2_lowered:
.L_overlay_start_0:
0x88: {  	s2 =	sld [smem:$0x3FD9]  }
0x89: {  	s3 =	sld [smem:$0x3FFE];
	_ =	sdelay $0x1  }
0x8a: {  	s1 =	srdreg.scid  }
0x8b: {  	s0 =	sand.u32 $0x1, s1  }
0x8c: {  	s17 =	sshll.u32 s0, $0xA;
	s2 =	sadd.s32 s3, s2  }
0x8d: {  	s2 =	sadd.s32 s2, s17  }
0x8e: {  	[smem:$0x3FBA] =	sst s2  }
0x8f: {  	_ = 	snop  }
0x90: {  	s2 =	sld [smem:$0x3FBF]  }
0x91: {  	s18 =	sld [smem:$0x3FD0];
	(tm) =	ssettm $0x1  }
0x92: {  	s4 =	sld [smem:$0x3FFB];
	_ =	sdelay $0x3  }
0x93: {  	_ =	strace s4  }
0x94: {  	s4 =	sld [smem:$0x3FFC];
	_ =	sdelay $0x3  }
0x95: {  	_ =	strace s4  }
0x96: {  	s4 =	sld [smem:$0x3FFD];
	_ =	sdelay $0x3  }
0x97: {  	_ =	strace s4  }
0x98: {  	_ =	strace $0x8FFFFFFF  }
0x99: {  	s19 =	sld [smem:$0x3FDB];
	_ =	sdelay $0x1  }
0x9a: {  	s5 =	simm.s32 $_scs_section_size  }
0x9b: {  	s6 =	simm.s32 $_size__tile_overlayer_lowered;
	s7 =	simm.s32 $_tile_overlayer_lowered  }
0x9c: {  	s22 =	simm.s32 $0x1BFF;
	s21 =	sshll.u32 s7, $0x1;
	s4 =	sadd.s32 s5, s19  }
0x9d: {  	s8 =	simm.s32 $0x0;
	s20 =	sshll.u32 s6, $0x1;
	s6 =	sadd.s32 s21, s4  }
0x9e: {  	[timem:s8], [sflag:s22] =	dma.local [hbm:s6], s20  }
0x9f: {  	_ =	swait.ge [sflag:s22], s20  }
0xa0: {  	s5 =	ssub.s32 $0x0, s20;
	[sflag:s22] =	ssyncset.done $0x0  }
0xa1: {  	[sflag:s22] =	ssyncadd.s32 s5;
	_ =	sdelay $0x1  }
0xa2: {  	s23 =	simm.s32 $0x1B8B  }
0xa3: {  	_ =	swait.ge [sflag:s23], $0x1  }
0xa4: {  	[sflag:s23] =	ssyncset.done $0x0  }
0xa5: {  	s25 =	simm.s32 $0x1B8E;
	s24 =	sld [smem:$0x3FFE];
	[sflag:s23] =	ssyncadd.s32 $0xFFFFFFFF  }
0xa6: {  	s26 =	simm.s32 $execute0_lowered;
	[smem:$0x3FD2] =	sst s25  }
0xa7: {  	s6 =	sshll.u32 s26, $0x1;
	_ =	strace $0x8000004C;
	[dreg:$0x1] =	wrdreg $0xFFFFFFFF  }
0xa8: {  	s28 =	simm.s32 $_size_execute0_lowered;
	s4 =	sadd.s32 s4, s6;
	[dreg:$0x0] =	wrdreg $0x0  }
0xa9: {  	s6 =	sshll.u32 s28, $0x1;
	[dreg:$0x2] =	wrdreg s4  }
0xaa: {  	[dreg:$0x3] =	wrdreg s6  }
0xab: {  	[dreg:$0x4] =	wrdreg $0xC0  }
0xac: {  	_ =	task [dreg:s8], $0x5FFFF  }
0xad: {  	[dreg:$0x1] =	wrdreg $0xFFFFFFFF  }
0xae: {  	[dreg:$0x0] =	wrdreg $0x60  }
0xaf: {  	[dreg:$0x2] =	wrdreg s24  }
0xb0: {  	[dreg:$0x3] =	wrdreg s18  }
0xb1: {  	[dreg:$0x4] =	wrdreg s2  }
0xb2: {  	[dreg:$0x5] =	wrdreg $0xAA000  }
0xb3: {  	[dreg:$0x6] =	wrdreg $0x9  }
0xb4: {  	_ =	task.clear_ibuf [dreg:s8], $0x7FFFF;
	_ =	strace $0x9000004C  }
0xb5: {  	s29 =	simm.s32 $0x9;
	_ =	strace $0x8000004E  }
0xb6: {  	_ =	swait.ge [sflag:s29], $0x1  }
0xb7: {  	[sflag:s29] =	ssyncadd.s32 $0xFFFFFFFF  }
0xb8: {  	_ =	strace $0x9000004E  }
0xb9: {  	_ =	sfence  }
0xba: {  	s30 =	sld [smem:$0x0];
	_ =	sdelay $0x2  }
0xbb: {  	s31 =	sshll.u32 s1, $0xD;
	s1 =	sshrl.u32 s1, $0x2  }
0xbc: {  	s3 =	sand.u32 $0x4000, s31;
	s1 =	sadd.s32 s1, s30  }
0xbd: {  	s0 =	sor.u32 s3, s0;
	s1 =	sshll.u32 s1, $0x11  }
0xbe: {  	s0 =	sor.u32 s1, s0  }
0xbf: {  	s0 =	sadd.s32 $0x8F2B, s0  }
0xc0: {  	[sflag:s0] =	ssyncadd.remote.s32 $0x1  }
0xc1: {  	_ =	sfence.sel $0xFFFF  }
0xc2: {  	[dreg:$0x0] =	wrdreg $0xFFFFFFFF;
	(pc) =	sbr.abs _section_cstart, $3  }
0xc3: {  	[dreg:$0x1] =	wrdreg $0xFFFFFFFF  }
0xc4: {  	_ =	task.clear_ibuf [dreg:s8], $0x2FFFF;
	_ =	strace $0x9FFFFFFF  }
0xc5: {  	(tm) =	ssettm $0x7FFFFFFF  }
tec
execute0_lowered:
.L_overlay_start_1:
0x0: {  	(tag) =	ssettag $0x1  }
0x1: {  	s0 =	rddreg [dreg:$0x0]  }
0x2: {  	s1 =	rddreg [dreg:$0x1]  }
0x3: {  	s3 =	rddreg [dreg:$0x3]  }
0x4: {  	s4 =	simm.s32 $0x0;
	s2 =	srdreg.scid;
	s14 =	stileid.u32  }
0x5: {  	s15 =	simm.s32 $0x5;
	s16 =	simm.s32 $0xA200;
	s17 =	simm.s32 $0x80  }
0x6: {  	s18 =	simm.s32 $0x50;
	s19 =	simm.s32 $0x180;
	s20 =	simm.s32 $0x2980  }
0x7: {  	s21 =	simm.s32 $0x1;
	s22 =	simm.s32 $0x2;
	s23 =	simm.s32 $0x100  }
0x8: {  	s28 =	simm.s32 $0x3;
	s29 =	simm.s32 $0x4;
	s30 =	simm.s32 $0x0  }
0x9: {  	[smem:$0x7FF] =	sst s4;
	s6 =	sadd.s32 $0xE400, s0;
	s7 =	sadd.s32 $0x4600, s0  }
0xa: {  	s5 =	sadd.s32 $0x517600, s0;
	s2 =	sand.u32 $0x1, s2;
	s9 =	smul.u32 $0x4E000, s14  }
0xb: {  	s8 =	sadd.s32 $0x35600, s0;
	s12 =	smul.u32 $0x13800, s14;
	p0 =	sne.s32 s14, $0xF  }
0xc: {  	_ =	strace $0x8000004D;
	s24 =	ssub.s32 $0x2, s2;
	s10 =	smul.u32 $0x138800, s2  }
0xd: {  	s2 =	sshll.u32 s2, $0x4;
	s11 =	sshrl.u32 s24, $0x1;
	s9 =	sshrl.u32 s9, $0x2  }
0xe: {  	s2 =	sor.u32 s14, s2;
	s0 =	ssub.s32 s24, s11;
	s9 =	sadd.s32 s9, s3  }
0xf: {  	s25 =	sadd.s32 s12, s10;
	s26 =	sshrl.u32 s10, $0x3;
	s10 =	smul.u32 $0x7D, s2  }
0x10: {  	s2 =	sadd.s32 $0x138000, s3;
	s24 =	simm.s32 $0x5180;
	s31 =	sshrl.u32 s25, $0x3  }
0x11: {  	s12 =	sadd.s32 s5, s26;
	s13 =	smax.u32 s0, $0x1;
	s25 =	sshrl.u32 @!p0 s2, $0x3  }
0x12: {  	v0 =	vimm.f32 $0.0e+00;
	vm0 =	vmmov $0x1;
	s26 =	simm.s32 $0x7980;
	s11 =	sadd.s32 s5, s31;
	s12 =	sadd.s32 $0x27000, s12  }
.LBB2_1:
0x13: {  	s0 =	rddreg [dreg:$0x2];
	s2 =	simm.s32 $0xA180  }
0x14: {  	[tilespmem:s2], [sflag:$0x5] =	stream.linear.gather [hbm4b:s0+s4], $0x80, $0x38;
	[tilespmem:$0x14640] =	vst v63  }
0x15: {  	_ =	swait.ge [sflag:s15], $0x80  }
0x16: {  	[sflag:s15] =	ssyncset.done $0x0  }
0x17: {  	[sflag:s15] =	ssyncadd.s32 $0xFFFFFF80  }
0x18: {  	[tilespmem:$0xA200] =	vst v0  }
0x19: {  	[tilespmem:$0xA210] =	vst v0  }
0x1a: {  	[tilespmem:$0xA220] =	vst v0  }
0x1b: {  	[tilespmem:$0xA230] =	vst v0  }
0x1c: {  	[tilespmem:$0xA280] =	vst v0  }
0x1d: {  	[tilespmem:$0xA290] =	vst v0  }
0x1e: {  	[tilespmem:$0xA2A0] =	vst v0  }
0x1f: {  	[tilespmem:$0xA2B0] =	vst v0  }
0x20: {  	[tilespmem:$0xA300] =	vst v0  }
0x21: {  	[tilespmem:$0xA310] =	vst v0  }
0x22: {  	[tilespmem:$0xA320] =	vst v0  }
0x23: {  	[tilespmem:$0xA330] =	vst v0  }
0x24: {  	[tilespmem:$0xA380] =	vst v0  }
0x25: {  	[tilespmem:$0xA390] =	vst v0  }
0x26: {  	[tilespmem:$0xA3A0] =	vst v0  }
0x27: {  	[tilespmem:$0xA3B0] =	vst v0  }
0x28: {  	[tilespmem:$0xA400] =	vst v0  }
0x29: {  	[tilespmem:$0xA410] =	vst v0  }
0x2a: {  	[tilespmem:$0xA420] =	vst v0  }
0x2b: {  	[tilespmem:$0xA430] =	vst v0  }
0x2c: {  	[tilespmem:$0xA480] =	vst v0  }
0x2d: {  	[tilespmem:$0xA490] =	vst v0  }
0x2e: {  	[tilespmem:$0xA4A0] =	vst v0  }
0x2f: {  	[tilespmem:$0xA4B0] =	vst v0  }
0x30: {  	[tilespmem:$0xA500] =	vst v0  }
0x31: {  	[tilespmem:$0xA510] =	vst v0  }
0x32: {  	[tilespmem:$0xA520] =	vst v0  }
0x33: {  	[tilespmem:$0xA530] =	vst v0  }
0x34: {  	[tilespmem:$0xA580] =	vst v0  }
0x35: {  	[tilespmem:$0xA590] =	vst v0  }
0x36: {  	[tilespmem:$0xA5A0] =	vst v0  }
0x37: {  	[tilespmem:$0xA5B0] =	vst v0  }
0x38: {  	[tilespmem:$0xA600] =	vst v0  }
0x39: {  	[tilespmem:$0xA610] =	vst v0  }
0x3a: {  	[tilespmem:$0xA620] =	vst v0  }
0x3b: {  	[tilespmem:$0xA630] =	vst v0  }
0x3c: {  	[tilespmem:$0xA680] =	vst v0  }
0x3d: {  	[tilespmem:$0xA690] =	vst v0  }
0x3e: {  	[tilespmem:$0xA6A0] =	vst v0  }
0x3f: {  	[tilespmem:$0xA6B0] =	vst v0  }
0x40: {  	[tilespmem:$0xA700] =	vst v0  }
0x41: {  	[tilespmem:$0xA710] =	vst v0  }
0x42: {  	[tilespmem:$0xA720] =	vst v0  }
0x43: {  	[tilespmem:$0xA730] =	vst v0  }
0x44: {  	[tilespmem:$0xA780] =	vst v0  }
0x45: {  	[tilespmem:$0xA790] =	vst v0  }
0x46: {  	[tilespmem:$0xA7A0] =	vst v0  }
0x47: {  	[tilespmem:$0xA7B0] =	vst v0  }
0x48: {  	[tilespmem:$0xA800] =	vst v0  }
0x49: {  	[tilespmem:$0xA810] =	vst v0  }
0x4a: {  	[tilespmem:$0xA820] =	vst v0  }
0x4b: {  	[tilespmem:$0xA830] =	vst v0  }
0x4c: {  	[tilespmem:$0xA880] =	vst v0  }
0x4d: {  	[tilespmem:$0xA890] =	vst v0  }
0x4e: {  	[tilespmem:$0xA8A0] =	vst v0  }
0x4f: {  	[tilespmem:$0xA8B0] =	vst v0  }
0x50: {  	[tilespmem:$0xA900] =	vst v0  }
0x51: {  	[tilespmem:$0xA910] =	vst v0  }
0x52: {  	[tilespmem:$0xA920] =	vst v0  }
0x53: {  	[tilespmem:$0xA930] =	vst v0  }
0x54: {  	[tilespmem:$0xA980] =	vst v0  }
0x55: {  	[tilespmem:$0xA990] =	vst v0  }
0x56: {  	[tilespmem:$0xA9A0] =	vst v0  }
0x57: {  	s31 =	sadd.s32 $0x0, s9;
	[tilespmem:$0xA9B0] =	vst v0  }
0x58: {  	[spmem:s31] =	stream.linear.scatter [tilespmem:s16], [sflag:$0x5], $0x800, $0x38;
	[tilespmem:$0x14640] =	vst v63  }
0x59: {  	s0 =	simm.s32 $0x2000;
	_ =	swait.ge [sflag:s15], $0x800  }
.LBB2_2:
0x5a: {  	s2 =	sshra.s32 s0, $0x2;
	[sflag:s15] =	ssyncset.done $0x0;
	p1 =	sne.s32 s0, $0x4E000  }
.Ltmp0:
0x5b: {  	s2 =	sadd.s32 s2, s9;
	[sflag:s15] =	ssyncadd.s32 $0xFFFFF800;
	(pc) =	sbr.rel @p1 .LBB2_2-.Ltmp0, $3  }
0x5c: {  	[spmem:s2] =	stream.linear.scatter [tilespmem:s16], [sflag:$0x5], $0x800, $0x38;
	[tilespmem:$0x14640] =	vst v63  }
0x5d: {  	s0 =	sadd.s32 $0x2000, s0;
	_ =	sdelay $0x1  }
0x5e: {  	_ =	swait.ge [sflag:s15], $0x800  }
0x5f: {  	[sflag:s15] =	ssyncset.done $0x0  }
0x60: {  	[sflag:s15] =	ssyncadd.s32 $0xFFFFF800  }
0x61: {  	s31 =	simm.s32 $0x0;
	[bflag:$0x0] =	sbarrier.arrive $0xFFFF  }
.LBB2_4:
0x62: {  	s0 =	sadd.s32 s10, s31  }
0x63: {  	s2 =	smul.u32 $0xA, s0;
	_ =	sdelay $0x1  }
0x64: {  	s5 =	sadd.s32 s7, s2  }
0x65: {  	[tilespmem:s4], [sflag:$0x5] =	stream.linear.gather [hbm4b:s5+s4], $0x50, $0x38;
	[tilespmem:$0x14640] =	vst v63  }
0x66: {  	_ =	swait.ge [sflag:s15], $0x50  }
0x67: {  	[sflag:s15] =	ssyncset.done $0x0  }
0x68: {  	s2 =	sadd.s32 s1, s2;
	[sflag:s15] =	ssyncadd.s32 $0xFFFFFFB0  }
0x69: {  	[tilespmem:s17], [sflag:$0x5] =	stream.linear.gather [hbm4b:s2+s4], $0x50, $0x38;
	[tilespmem:$0x14640] =	vst v63  }
0x6a: {  	_ =	swait.ge [sflag:s15], $0x50  }
0x6b: {  	[sflag:s15] =	ssyncset.done $0x0  }
0x6c: {  	p1 =	seq.s32 s31, $0x0;
	[sflag:s15] =	ssyncadd.s32 $0xFFFFFFB0  }
0x6d: {  	[tilespmem:s19], [sflag:$0x1] =	stream.indirect.gather [hbm4b:s6+s18], $0x80, s4, s18, $0xb8;
	[tilespmem:$0x14640] =	vst v63  }
0x6e: {  	s2 =	simm.s32 @!p1 $0x3  }
0x6f: {  	[tilespmem:s20], [sflag:$0x2] =	stream.indirect.gather [hbm4b:s6+s18], $0x80, s17, s18, $0xb8;
	[tilespmem:$0x14640] =	vst v63  }
0x70: {  	_ =	swait.ge @!p1 [sflag:s2], $0x1400  }
0x71: {  	[sflag:s2] =	ssyncset.done @!p1 $0x0  }
0x72: {  	[sflag:s2] =	ssyncadd.s32 @!p1 $0xFFFFEC00;
	s2 =	simm.s32 @!p1 $0x4  }
0x73: {  	_ =	swait.ge @!p1 [sflag:s2], $0x2800  }
0x74: {  	[sflag:s2] =	ssyncset.done @!p1 $0x0  }
0x75: {  	[sflag:s2] =	ssyncadd.s32 @!p1 $0xFFFFD800  }
0x76: {  	_ =	swait.ge [sflag:s21], $0x2800  }
0x77: {  	[sflag:s21] =	ssyncset.done $0x0  }
0x78: {  	[sflag:s21] =	ssyncadd.s32 $0xFFFFD800  }
0x79: {  	_ =	swait.ge [sflag:s22], $0x2800  }
0x7a: {  	[sflag:s22] =	ssyncset.done $0x0  }
0x7b: {  	s2 =	simm.s32 $0x0;
	[sflag:s22] =	ssyncadd.s32 $0xFFFFD800  }
0x7c: {  	v8 =	vld [tilespmem:s2+$0x1B0]  }
0x7d: {  	v2 =	vld [tilespmem:s2+$0x180]  }
0x7e: {  	v3 =	vld [tilespmem:s2+$0x29C0]  }
0x7f: {  	v1 =	vld [tilespmem:s2+$0x190]  }
0x80: {  	v4 =	vld [tilespmem:s2+$0x29D0]  }
0x81: {  	v7 =	vld [tilespmem:s2+$0x1A0]  }
0x82: {  	v5 =	vld [tilespmem:s2+$0x29E0]  }
0x83: {  	v6 =	vld [tilespmem:s2+$0x29F0]  }
0x84: {  	v9 =	vld [tilespmem:$0xA180]  }
0x85: {  	v10 =	vld [tilespmem:$0xA190];
	v3 =	vadd.f32 v3, v2;
	v4 =	vadd.f32 v4, v1;
	_ =	sdelay $0x1  }
0x86: {  	v11 =	vld [tilespmem:$0xA1A0];
	v5 =	vadd.f32 v5, v7;
	v12 =	vmul.f32 $2.000000030e-01, v3;
	v13 =	vmul.f32 $2.000000030e-01, v4  }
0x87: {  	v6 =	vadd.f32 v6, v8  }
0x88: {  	v14 =	vld [tilespmem:$0xA1B0];
	v63 =	vmul.f32 $2.000000030e-01, v5;
	v3 =	vmax.f32 v3, v12;
	v4 =	vmax.f32 v4, v13  }
0x89: {  	v3 =	vmul.f32 v3, v9;
	v4 =	vmul.f32 v4, v10  }
0x8a: {  	v5 =	vmax.f32 v5, v63;
	v9 =	vmul.f32 $2.000000030e-01, v6  }
0x8b: {  	v3 =	vadd.f32 v4, v3;
	v4 =	vmul.f32 v5, v11  }
0x8c: {  	v5 =	vmax.f32 v6, v9  }
0x8d: {  	v3 =	vadd.f32 v4, v3;
	v4 =	vmul.f32 v5, v14;
	_ =	sdelay $0x1  }
0x8e: {  	v3 =	vadd.f32 v4, v3;
	_ =	sdelay $0x1  }
0x8f: {  	(xrf2) =	vadd.scan.msk.f32 $0xffff, v3;
	_ =	sdelay $0x9  }
0x90: {  	v3, _, _ =	vpop (xrf2)  }
0x91: {  	v3 =	vmul.f32 $1.442695020e+00, v3;
	_ =	sdelay $0x1  }
0x92: {  	v3 =	vbroadcast v3, $0xF;
	_ =	sdelay $0x1  }
0x93: {  	(erf) = vpow2.f32 v3;
	_ =	sdelay $0x6  }
0x94: {  	s5 =	simm.s32 $0x80  }
0x95: {  	v4 =	vld [tilespmem:s5+$0x1B0]  }
0x96: {  	v3 =	vld [tilespmem:s5+$0x180];
	v6 =	vpop (erf)  }
0x97: {  	s14 =	simm.s32 $0x400;
	v5 =	vld [tilespmem:s5+$0x29C0];
	v7 =	vmul.f32 v6, v7;
	v8 =	vmul.f32 v6, v8;
	v9 =	vnsel vm0, $0x0, v6  }
.LBB2_5:
0x98: {  	p1 =	sne.s32 s14, $0x9E00;
	v10 =	vmul.f32 v6, v2;
	v11 =	vmul.f32 v6, v1;
	v1 =	vld [tilespmem:s5+$0x190];
	[tilespmem:s2+$0x7980] =	vst v9  }
0x99: {  	v6 =	vld [tilespmem:s5+$0x29D0];
	[tilespmem:s2+$0x51B0] =	vst v8  }
0x9a: {  	v8 =	vld [tilespmem:s5+$0x1A0];
	[tilespmem:s2+$0x51A0] =	vst v7;
	v9 =	vmov v4  }
0x9b: {  	v4 =	vld [tilespmem:s5+$0x29E0];
	[tilespmem:s2+$0x5190] =	vst v11;
	v2 =	vmov v3  }
0x9c: {  	v3 =	vld [tilespmem:s5+$0x29F0];
	[tilespmem:s2+$0x5180] =	vst v10;
	s2 =	smov.u32 s5  }
0x9d: {  	v7 =	vld [tilespmem:$0xA180]  }
0x9e: {  	v5 =	vadd.f32 v5, v2;
	v6 =	vadd.f32 v6, v1;
	v10 =	vld [tilespmem:$0xA190]  }
0x9f: {  	v11 =	vld [tilespmem:$0xA1A0]  }
0xa0: {  	v12 =	vmul.f32 $2.000000030e-01, v5;
	v13 =	vmul.f32 $2.000000030e-01, v6;
	v4 =	vadd.f32 v4, v8;
	v14 =	vld [tilespmem:$0xA1B0]  }
0xa1: {  	v3 =	vadd.f32 v3, v9  }
0xa2: {  	v5 =	vmax.f32 v5, v12;
	v6 =	vmax.f32 v6, v13;
	v12 =	vmul.f32 $2.000000030e-01, v4  }
0xa3: {  	v5 =	vmul.f32 v5, v7;
	v6 =	vmul.f32 v6, v10  }
0xa4: {  	v7 =	vmul.f32 $2.000000030e-01, v3;
	v4 =	vmax.f32 v4, v12  }
0xa5: {  	v5 =	vadd.f32 v6, v5;
	v4 =	vmul.f32 v4, v11  }
0xa6: {  	v3 =	vmax.f32 v3, v7  }
0xa7: {  	v3 =	vmul.f32 v3, v14;
	v4 =	vadd.f32 v4, v5;
	_ =	sdelay $0x1  }
0xa8: {  	v3 =	vadd.f32 v3, v4;
	_ =	sdelay $0x1  }
0xa9: {  	(xrf2) =	vadd.scan.msk.f32 $0xffff, v3;
	_ =	sdelay $0x9  }
0xaa: {  	v3, _, _ =	vpop (xrf2)  }
0xab: {  	v3 =	vmul.f32 $1.442695020e+00, v3;
	_ =	sdelay $0x1  }
0xac: {  	v3 =	vbroadcast v3, $0xF;
	_ =	sdelay $0x1  }
0xad: {  	(erf) = vpow2.f32 v3;
	_ =	sdelay $0x5  }
.Ltmp1:
0xae: {  	(pc) =	sbr.rel @p1 .LBB2_5-.Ltmp1, $4  }
0xaf: {  	s5 =	sshra.s32 s14, $0x2  }
0xb0: {  	v4 =	vld [tilespmem:s5+$0x1B0]  }
0xb1: {  	v3 =	vld [tilespmem:s5+$0x180];
	v6 =	vpop (erf)  }
0xb2: {  	s14 =	sadd.s32 $0x200, s14;
	v5 =	vld [tilespmem:s5+$0x29C0];
	v7 =	vmul.f32 v6, v8;
	v8 =	vmul.f32 v6, v9;
	v9 =	vnsel vm0, $0x0, v6  }
0xb3: {  	v10 =	vld [tilespmem:s5+$0x190];
	[tilespmem:s2+$0x7980] =	vst v9  }
0xb4: {  	v1 =	vmul.f32 v6, v1;
	v9 =	vld [tilespmem:s5+$0x29D0];
	[tilespmem:s2+$0x51B0] =	vst v8  }
0xb5: {  	v2 =	vmul.f32 v6, v2;
	v8 =	vld [tilespmem:s5+$0x1A0];
	[tilespmem:s2+$0x51A0] =	vst v7  }
0xb6: {  	v7 =	vld [tilespmem:s5+$0x29E0];
	[tilespmem:s2+$0x5190] =	vst v1  }
0xb7: {  	v1 =	vld [tilespmem:s5+$0x29F0];
	[tilespmem:s2+$0x5180] =	vst v2  }
0xb8: {  	v5 =	vadd.f32 v5, v3;
	v2 =	vld [tilespmem:$0xA180]  }
0xb9: {  	v55 =	vld [tilespmem:$0xA190];
	v54 =	vadd.f32 v9, v10  }
0xba: {  	v12 =	vmul.f32 $2.000000030e-01, v5  }
0xbb: {  	v11 =	vld [tilespmem:$0xA1A0];
	v13 =	vmul.f32 $2.000000030e-01, v54;
	v7 =	vadd.f32 v7, v8  }
0xbc: {  	v5 =	vmax.f32 v5, v12  }
0xbd: {  	v14 =	vld [tilespmem:$0xA1B0];
	v1 =	vadd.f32 v1, v4;
	v6 =	vmax.f32 v54, v13;
	v56 =	vmul.f32 $2.000000030e-01, v7  }
0xbe: {  	v2 =	vmul.f32 v5, v2;
	v57 =	vmul.f32 v6, v55  }
0xbf: {  	v59 =	vmul.f32 $2.000000030e-01, v1;
	v58 =	vmax.f32 v7, v56  }
0xc0: {  	v2 =	vadd.f32 v57, v2;
	v60 =	vmul.f32 v58, v11  }
0xc1: {  	v1 =	vmax.f32 v1, v59  }
0xc2: {  	v1 =	vmul.f32 v1, v14;
	v2 =	vadd.f32 v60, v2;
	_ =	sdelay $0x1  }
0xc3: {  	v1 =	vadd.f32 v1, v2;
	_ =	sdelay $0x1  }
0xc4: {  	(xrf2) =	vadd.scan.msk.f32 $0xffff, v1;
	_ =	sdelay $0x9  }
0xc5: {  	v1, _, _ =	vpop (xrf2)  }
0xc6: {  	v1 =	vmul.f32 $1.442695020e+00, v1;
	_ =	sdelay $0x1  }
0xc7: {  	v1 =	vbroadcast v1, $0xF;
	_ =	sdelay $0x1  }
0xc8: {  	(erf) = vpow2.f32 v1;
	_ =	sdelay $0x8  }
0xc9: {  	v1 =	vpop (erf)  }
0xca: {  	v2 =	vmul.f32 v1, v4;
	v61 =	vnsel vm0, $0x0, v1  }
0xcb: {  	v62 =	vmul.f32 v1, v8;
	[tilespmem:s5+$0x7980] =	vst v61  }
0xcc: {  	v63 =	vmul.f32 v1, v10;
	[tilespmem:s5+$0x51B0] =	vst v2  }
0xcd: {  	v1 =	vmul.f32 v1, v3;
	[tilespmem:s5+$0x51A0] =	vst v62  }
0xce: {  	[tilespmem:s5+$0x5190] =	vst v63  }
0xcf: {  	[tilespmem:s5+$0x5180] =	vst v1  }
0xd0: {  	v1 =	vld [tilespmem:$0x80]  }
0xd1: {  	v2 =	vld [tilespmem:$0x90]  }
0xd2: {  	v3 =	vld [tilespmem:$0xA0]  }
0xd3: {  	v4 =	vld [tilespmem:$0xB0]  }
0xd4: {  	v5 =	vld [tilespmem:$0xC0]  }
0xd5: {  	[tilespmem:$0x100] =	vst v1  }
0xd6: {  	s31 =	sadd.s32 $0x1, s31;
	[tilespmem:$0x110] =	vst v2  }
0xd7: {  	p1 =	sne.s32 s31, $0x7D;
	[tilespmem:$0x120] =	vst v3  }
.Ltmp2:
0xd8: {  	[tilespmem:$0x130] =	vst v4;
	(pc) =	sbr.rel @p1 .LBB2_4-.Ltmp2, $4  }
0xd9: {  	s0 =	smul.u32 $0x500, s0;
	[tilespmem:$0x140] =	vst v5  }
0xda: {  	[spmem:s3] =	stream.indirect.scatter.add.f32 [tilespmem:s24], [sflag:$0x3], $0x40, s23, s18, $0xb8;
	[tilespmem:$0x14640] =	vst v63  }
0xdb: {  	s0 =	sadd.s32 s8, s0  }
0xdc: {  	[hbm4b:s0+s4] =	stream.linear.scatter [tilespmem:s26], [sflag:$0x4], $0x2800, $0x38;
	[tilespmem:$0x14640] =	vst v63  }
0xdd: {  	_ =	swait.ge [sflag:s28], $0x1400  }
0xde: {  	[sflag:s28] =	ssyncset.done $0x0  }
0xdf: {  	[sflag:s28] =	ssyncadd.s32 $0xFFFFEC00  }
0xe0: {  	_ =	swait.ge [sflag:s29], $0x2800  }
0xe1: {  	s0 =	stileid.u32;
	[sflag:s29] =	ssyncset.done $0x0  }
0xe2: {  	s0 =	sshll.u32 s0, $0x6;
	[sflag:s29] =	ssyncadd.s32 $0xFFFFD800  }
0xe3: {  	s2 =	sshrl.u32 s9, $0x3;
	s0 =	sor.u32 $0x1C05, s0;
	[bflag:$0x0] =	sbarrier.arrive $0xFFFF  }
0xe4: {  	[hbm:s11], [sflag:s0] =	dma.local [spmem:s2], $0x2700  }
0xe5: {  	_ =	swait.ge [sflag:s15], $0x2700  }
0xe6: {  	s30 =	sadd.s32 $0x1, s30;
	[sflag:s15] =	ssyncset.done $0x0  }
0xe7: {  	p1 =	sne.s32 s30, s13;
	[sflag:s15] =	ssyncadd.s32 $0xFFFFD900  }
0xe8: {  	[hbm:s12], [sflag:s0] =	dma.local @!p0 [spmem:s25], $0x100  }
.Ltmp3:
0xe9: {  	_ = 	snop;
	(pc) =	sbr.rel @p1 .LBB2_1-.Ltmp3, $4  }
0xea: {  	s0 =	simm.s32 @!p0 $0x5  }
0xeb: {  	_ =	swait.ge @!p0 [sflag:s0], $0x100  }
0xec: {  	[sflag:s0] =	ssyncset.done @!p0 $0x0  }
0xed: {  	[sflag:s0] =	ssyncadd.s32 @!p0 $0xFFFFFF00  }
0xee: {  	_ =	sfence.sel $0x180000  }
0xef: {  	[bflag:$0x0] =	sbarrier.arrive $0xFFFF  }
0xf0: {  	_ =	strace $0x9000004D  }
0xf1: {  	s0 =	stileid.u32;
	[bflag:$0x2] =	sbarrier.arrive $0xFFFF  }
0xf2: {  	p0 =	sne.s32 s0, $0x0;
	s0 =	rddreg [dreg:$0x4]  }
0xf3: {  	s0 =	sadd.s32 @!p0 $0x100000, s0  }
0xf4: {  	[sflag:s0] =	ssyncadd.tile.s32 @!p0 $0x1;
	_ =	shalt  }
.Lfunc_end2:
_tile_overlayer_lowered:
.L_overlay_start_2:
0xf5: {  	(tag) =	ssettag $0x2  }
0xf6: {  	s0 =	rddreg [dreg:$0x0];
	s2 =	stileid.u32  }
0xf7: {  	s1 =	rddreg [dreg:$0x1];
	p0 =	sne.s32 s2, $0x0  }
0xf8: {  	s3 =	rddreg [dreg:$0x2];
	[bflag:$0x3] =	sbarrier.arrive $0xFFFF;
	s2 =	simm.s32 @!p0 $0x1C05  }
0xf9: {  	[timem:s3], [sflag:s2] =	dma.local @!p0 [hbm:s0], s1  }
0xfa: {  	s0 =	simm.s32 @!p0 $0x5  }
0xfb: {  	_ =	swait.ge @!p0 [sflag:s0], s1  }
0xfc: {  	s1 =	ssub.s32 @!p0 $0x0, s1;
	[sflag:s0] =	ssyncset.done @!p0 $0x0  }
0xfd: {  	[sflag:s0] =	ssyncadd.s32 @!p0 s1  }
0xfe: {  	[bflag:$0x3] =	sbarrier.arrive $0xFFFF  }
0xff: {  	_ =	shalt  }

// kernel: kernel.18.cloned.1.call-start
scs
__scs_entry_jumppad:
0x0: {  	(pc) =	sbr.rel $0x88, $3  }
0x1: {  	(tag) =	ssettag $0x0;
	lr =	simm.s32 $0x1  }
0x2: {  	[smem:$0x3F93] =	sst lr;
	_ =	strace $0xD0000000  }
0x3: {  	_ = 	snop  }
0x4: {  	_ = 	snop  }
0x5: {  	_ = 	snop  }
0x6: {  	_ = 	snop  }
0x7: {  	_ = 	snop  }
__scs_overlays_trampoline_lowered:
0x8: {  	[smem:$0x3FA2] =	sst s0  }
0x9: {  	[smem:$0x3FA3] =	sst s1  }
0xa: {  	[smem:$0x3FA4] =	sst s2  }
0xb: {  	[smem:$0x3FA5] =	sst s3  }
0xc: {  	[smem:$0x3FA6] =	sst s4  }
0xd: {  	[smem:$0x3FA7] =	sst s5  }
0xe: {  	[smem:$0x3FA8] =	sst s6  }
0xf: {  	[smem:$0x3FA9] =	sst s7  }
0x10: {  	[smem:$0x3FAA] =	sst s8  }
0x11: {  	[smem:$0x3FAB] =	sst s9;
	s0 =	simm.s32 @!p0 $0x0  }
0x12: {  	s1 =	sld [smem:$0x3F91];
	s0 =	simm.s32 @p0 $0x1  }
0x13: {  	[smem:$0x3FAC] =	sst s0;
	s0 =	simm.s32 @!p1 $0x0  }
0x14: {  	s2 =	sld [smem:$0x3F90];
	s0 =	simm.s32 @p1 $0x1  }
0x15: {  	[smem:$0x3FAD] =	sst s0;
	s0 =	simm.s32 @!p2 $0x0  }
0x16: {  	s3 =	sld [smem:$0x3FDB];
	s0 =	simm.s32 @p2 $0x1  }
0x17: {  	s4 =	simm.s32 $0x1BF5;
	[smem:$0x3FAF] =	sst s0  }
0x18: {  	s0 =	sld [smem:$0x3F92];
	_ =	swait.ge [sflag:s4], $0x0  }
0x19: {  	s7 =	sld [smem:$0x3F93]  }
0x1a: {  	s8 =	sadd.s32 $0xFFFFE003, lr  }
0x1b: {  	s9 =	sadd.s32 $0xFFFFFEF7, lr;
	s5 =	simm.s32 $0xFFFFFFFF;
	p2 =	slt.u32 s8, $0xFFFFF086  }
0x1c: {  	p1 =	slt.u32 s9, $0xF7A;
	s5 =	simm.s32 @!p2 $0x0  }
0x1d: {  	s5 =	simm.s32 @p1 $0x1;
	p0 =	seq.s32 s7, s2  }
0x1e: {  	s7 =	smul.u32 @!p0 $0xF7A, s2;
	p2 =	seq.s32 @!p0 s5, $0x0  }
0x1f: {  	s9 =	smul.u32 $0xF7A, s1;
	s8 =	simm.s32 @!p0 $0x1BF5;
	p2 =	por !p2, p0  }
0x20: {  	[sflag:s8] =	ssyncset.s32 @!p0 $0xFFFFF086;
	s6 =	sadd.s32 @!p0 s3, s7;
	s7 =	simm.s32 @!p0 $0x108  }
0x21: {  	s3 =	sadd.s32 s3, s9;
	s6 =	sadd.s32 @!p0 $0x88, s6;
	s7 =	simm.s32 @p2 $0x1082  }
0x22: {  	[simem:s7], [sflag:s8] =	dma.local @!p0 [hbm:s6], $0xF7A  }
0x23: {  	s9 =	sor.u32 $0xD0000000, s2;
	s6 =	simm.s32 $0x108;
	_ =	swait.ge @!p0 [sflag:s8], $0x0  }
0x24: {  	s3 =	sadd.s32 $0x88, s3;
	s6 =	simm.s32 @!p1 $0x1082;
	[sflag:s4] =	ssyncset.s32 $0xFFFFF086  }
0x25: {  	[simem:s6], [sflag:s4] =	dma.local [hbm:s3], $0xF7A  }
0x26: {  	[smem:$0x3F93] =	sst s1;
	(tag) =	ssettag s2;
	_ =	strace s9  }
0x27: {  	s1 =	sld [smem:$0x3FA3]  }
0x28: {  	s2 =	sld [smem:$0x3FA4]  }
0x29: {  	s4 =	sld [smem:$0x3FA6]  }
0x2a: {  	p0 =	seq.s32 s5, $0x0;
	s5 =	sld [smem:$0x3FA7]  }
0x2b: {  	s6 =	sld [smem:$0x3FA8]  }
0x2c: {  	s7 =	sld [smem:$0x3FA9]  }
0x2d: {  	s3 =	simm.s32 $0x108;
	s8 =	sld [smem:$0x3FAA]  }
0x2e: {  	s3 =	simm.s32 @!p0 $0x1082;
	s9 =	sld [smem:$0x3FAB]  }
0x2f: {  	lr =	sadd.s32 s0, s3;
	s0 =	sld [smem:$0x3FA2]  }
0x30: {  	s3 =	sld [smem:$0x3FA5]  }
0x31: {  	[smem:$0x3FAE] =	sst s10  }
0x32: {  	s10 =	sld [smem:$0x3FAC];
	_ =	sdelay $0x3  }
0x33: {  	p0 =	seq.s32 s10, $0x1;
	s10 =	sld [smem:$0x3FAE];
	_ =	sdelay $0x3  }
0x34: {  	[smem:$0x3FAE] =	sst s10  }
0x35: {  	s10 =	sld [smem:$0x3FAD];
	_ =	sdelay $0x3  }
0x36: {  	p1 =	seq.s32 s10, $0x1;
	s10 =	sld [smem:$0x3FAE];
	_ =	sdelay $0x3  }
0x37: {  	[smem:$0x3FAE] =	sst s10  }
0x38: {  	s10 =	sld [smem:$0x3FAF]  }
0x39: {  	_ = 	snop;
	(pc) =	sbr.ind lr, $3  }
0x3a: {  	_ = 	snop  }
0x3b: {  	_ = 	snop  }
0x3c: {  	p2 =	seq.s32 s10, $0x1;
	s10 =	sld [smem:$0x3FAE]  }
0x3d: {  	_ =	shalt  }
0x3e: {  	_ =	shalt  }
0x3f: {  	_ =	shalt  }
0x40: {  	_ =	shalt  }
0x41: {  	_ =	shalt  }
0x42: {  	_ =	shalt  }
0x43: {  	_ =	shalt  }
0x44: {  	_ =	shalt  }
0x45: {  	_ =	shalt  }
0x46: {  	_ =	shalt  }
0x47: {  	_ =	shalt  }
0x48: {  	_ =	shalt  }
0x49: {  	_ =	shalt  }
0x4a: {  	_ =	shalt  }
0x4b: {  	_ =	shalt  }
0x4c: {  	_ =	shalt  }
0x4d: {  	_ =	shalt  }
0x4e: {  	_ =	shalt  }
0x4f: {  	_ =	shalt  }
0x50: {  	_ =	shalt  }
0x51: {  	_ =	shalt  }
0x52: {  	_ =	shalt  }
0x53: {  	_ =	shalt  }
0x54: {  	_ =	shalt  }
0x55: {  	_ =	shalt  }
0x56: {  	_ =	shalt  }
0x57: {  	_ =	shalt  }
0x58: {  	_ =	shalt  }
0x59: {  	_ =	shalt  }
0x5a: {  	_ =	shalt  }
0x5b: {  	_ =	shalt  }
0x5c: {  	_ =	shalt  }
0x5d: {  	_ =	shalt  }
0x5e: {  	_ =	shalt  }
0x5f: {  	_ =	shalt  }
0x60: {  	_ =	shalt  }
0x61: {  	_ =	shalt  }
0x62: {  	_ =	shalt  }
0x63: {  	_ =	shalt  }
0x64: {  	_ =	shalt  }
0x65: {  	_ =	shalt  }
0x66: {  	_ =	shalt  }
0x67: {  	_ =	shalt  }
0x68: {  	_ =	shalt  }
0x69: {  	_ =	shalt  }
0x6a: {  	_ =	shalt  }
0x6b: {  	_ =	shalt  }
0x6c: {  	_ =	shalt  }
0x6d: {  	_ =	shalt  }
0x6e: {  	_ =	shalt  }
0x6f: {  	_ =	shalt  }
0x70: {  	_ =	shalt  }
0x71: {  	_ =	shalt  }
0x72: {  	_ =	shalt  }
0x73: {  	_ =	shalt  }
0x74: {  	_ =	shalt  }
0x75: {  	_ =	shalt  }
0x76: {  	_ =	shalt  }
0x77: {  	_ =	shalt  }
0x78: {  	_ =	shalt  }
0x79: {  	_ =	shalt  }
0x7a: {  	_ =	shalt  }
0x7b: {  	_ =	shalt  }
0x7c: {  	_ =	shalt  }
0x7d: {  	_ =	shalt  }
0x7e: {  	_ =	shalt  }
0x7f: {  	_ =	shalt  }
0x80: {  	_ =	shalt  }
0x81: {  	_ =	shalt  }
0x82: {  	_ =	shalt  }
0x83: {  	_ =	shalt  }
0x84: {  	_ =	shalt  }
0x85: {  	_ =	shalt  }
0x86: {  	_ =	shalt  }
0x87: {  	_ =	shalt  }
.Lfunc_end0:
.L_simem_size_0:
called_computation.3_lowered:
.L_overlay_start_0:
0x88: {  	s2 =	sld [smem:$0x3FD9]  }
0x89: {  	s3 =	sld [smem:$0x3FFE];
	_ =	sdelay $0x1  }
0x8a: {  	s1 =	srdreg.scid  }
0x8b: {  	s0 =	sand.u32 $0x1, s1  }
0x8c: {  	s17 =	sshll.u32 s0, $0xA;
	s2 =	sadd.s32 s3, s2  }
0x8d: {  	s2 =	sadd.s32 s2, s17  }
0x8e: {  	[smem:$0x3FBA] =	sst s2  }
0x8f: {  	_ = 	snop  }
0x90: {  	s2 =	sld [smem:$0x3FD0];
	(tm) =	ssettm $0x1  }
0x91: {  	s18 =	sld [smem:$0x3FFB];
	_ =	sdelay $0x3  }
0x92: {  	_ =	strace s18  }
0x93: {  	s3 =	sld [smem:$0x3FFC];
	_ =	sdelay $0x3  }
0x94: {  	_ =	strace s3  }
0x95: {  	s3 =	sld [smem:$0x3FFD];
	_ =	sdelay $0x3  }
0x96: {  	_ =	strace s3  }
0x97: {  	_ =	strace $0x8FFFFFFF  }
0x98: {  	s19 =	sld [smem:$0x3FDB];
	_ =	sdelay $0x1  }
0x99: {  	s4 =	simm.s32 $_scs_section_size  }
0x9a: {  	s5 =	simm.s32 $_size__tile_overlayer_lowered;
	s6 =	simm.s32 $_tile_overlayer_lowered  }
0x9b: {  	s22 =	simm.s32 $0x1BFF;
	s21 =	sshll.u32 s6, $0x1;
	s3 =	sadd.s32 s4, s19  }
0x9c: {  	s7 =	simm.s32 $0x0;
	s20 =	sshll.u32 s5, $0x1;
	s5 =	sadd.s32 s21, s3  }
0x9d: {  	[timem:s7], [sflag:s22] =	dma.local [hbm:s5], s20  }
0x9e: {  	_ =	swait.ge [sflag:s22], s20  }
0x9f: {  	s4 =	ssub.s32 $0x0, s20;
	[sflag:s22] =	ssyncset.done $0x0  }
0xa0: {  	[sflag:s22] =	ssyncadd.s32 s4;
	_ =	sdelay $0x1  }
0xa1: {  	s23 =	simm.s32 $0x1B8B  }
0xa2: {  	_ =	swait.ge [sflag:s23], $0x1  }
0xa3: {  	[sflag:s23] =	ssyncset.done $0x0  }
0xa4: {  	s25 =	simm.s32 $0x1B8E;
	s24 =	sld [smem:$0x3FFE];
	[sflag:s23] =	ssyncadd.s32 $0xFFFFFFFF  }
0xa5: {  	s26 =	simm.s32 $execute0_lowered;
	[smem:$0x3FD2] =	sst s25  }
0xa6: {  	s5 =	sshll.u32 s26, $0x1;
	_ =	strace $0x8000004F;
	[dreg:$0x1] =	wrdreg $0xFFFFFFFF  }
0xa7: {  	s28 =	simm.s32 $_size_execute0_lowered;
	s3 =	sadd.s32 s3, s5;
	[dreg:$0x0] =	wrdreg $0x0  }
0xa8: {  	s5 =	sshll.u32 s28, $0x1;
	[dreg:$0x2] =	wrdreg s3  }
0xa9: {  	[dreg:$0x3] =	wrdreg s5  }
0xaa: {  	[dreg:$0x4] =	wrdreg $0xC0  }
0xab: {  	_ =	task [dreg:s7], $0x5FFFF  }
0xac: {  	[dreg:$0x1] =	wrdreg $0xFFFFFFFF  }
0xad: {  	[dreg:$0x0] =	wrdreg $0x60  }
0xae: {  	[dreg:$0x2] =	wrdreg s24  }
0xaf: {  	[dreg:$0x3] =	wrdreg s2  }
0xb0: {  	[dreg:$0x4] =	wrdreg $0x30800  }
0xb1: {  	[dreg:$0x5] =	wrdreg $0x9  }
0xb2: {  	_ =	task.clear_ibuf [dreg:s7], $0x6FFFF;
	_ =	strace $0x9000004F  }
0xb3: {  	s29 =	simm.s32 $0x9;
	_ =	strace $0x80000051  }
0xb4: {  	_ =	swait.ge [sflag:s29], $0x1  }
0xb5: {  	[sflag:s29] =	ssyncadd.s32 $0xFFFFFFFF  }
0xb6: {  	_ =	strace $0x90000051  }
0xb7: {  	_ =	sfence  }
0xb8: {  	s30 =	sld [smem:$0x0];
	_ =	sdelay $0x2  }
0xb9: {  	s31 =	sshll.u32 s1, $0xD;
	s1 =	sshrl.u32 s1, $0x2  }
0xba: {  	s3 =	sand.u32 $0x4000, s31;
	s1 =	sadd.s32 s1, s30  }
0xbb: {  	s0 =	sor.u32 s3, s0;
	s1 =	sshll.u32 s1, $0x11  }
0xbc: {  	s0 =	sor.u32 s1, s0  }
0xbd: {  	s0 =	sadd.s32 $0x8F2B, s0  }
0xbe: {  	[sflag:s0] =	ssyncadd.remote.s32 $0x1  }
0xbf: {  	_ =	sfence.sel $0xFFFF  }
0xc0: {  	[dreg:$0x0] =	wrdreg $0xFFFFFFFF;
	(pc) =	sbr.abs _section_cstart, $3  }
0xc1: {  	[dreg:$0x1] =	wrdreg $0xFFFFFFFF  }
0xc2: {  	_ =	task.clear_ibuf [dreg:s7], $0x2FFFF;
	_ =	strace $0x9FFFFFFF  }
0xc3: {  	(tm) =	ssettm $0x7FFFFFFF  }
tec
execute0_lowered:
.L_overlay_start_1:
0x0: {  	(tag) =	ssettag $0x1  }
0x1: {  	s4 =	rddreg [dreg:$0x0];
	s2 =	srdreg.scid  }
0x2: {  	s8 =	rddreg [dreg:$0x1];
	s6 =	sand.u32 $0x1, s2  }
0x3: {  	s2 =	stileid.u32;
	s5 =	smul.u32 $0x271000, s6  }
0x4: {  	s1 =	rddreg [dreg:$0x2];
	s7 =	smul.u32 $0x4E000, s2  }
0x5: {  	s0 =	rddreg [dreg:$0x3];
	s9 =	smul.u32 $0x138800, s6  }
0x6: {  	s3 =	simm.s32 $0x0;
	s17 =	simm.s32 $0x0;
	s11 =	smul.u32 $0x13800, s2  }
0x7: {  	[smem:$0x7FF] =	sst s3;
	s12 =	sadd.s32 $0x565800, s4;
	s28 =	smul.u32 $0x27100, s2  }
0x8: {  	s16 =	sadd.s32 $0x138000, s1;
	_ =	strace $0x80000050;
	s29 =	smul.u32 $0x4E20, s6  }
0x9: {  	s23 =	ssub.s32 $0x2, s6;
	s30 =	smul.u32 $0x4E2, s2;
	s14 =	sshll.u32 s2, $0x6  }
0xa: {  	p0 =	sne.s32 s2, $0xF;
	s24 =	sshrl.u32 s23, $0x1;
	s14 =	sor.u32 $0x1C01, s14  }
0xb: {  	s16 =	sshrl.u32 @!p0 s16, $0x3;
	s10 =	sadd.s32 s5, s4;
	s7 =	sshrl.u32 s7, $0x2  }
0xc: {  	s13 =	ssub.s32 s23, s24;
	s25 =	sadd.s32 s11, s9;
	s26 =	sshrl.u32 s9, $0x3  }
0xd: {  	s31 =	sadd.s32 s29, s8;
	s11 =	simm.s32 $0x1;
	s4 =	sadd.s32 s7, s1  }
0xe: {  	s5 =	sshrl.u32 s25, $0x3;
	s7 =	sadd.s32 s12, s26;
	s9 =	sadd.s32 s28, s10  }
0xf: {  	s10 =	simm.s32 $0x2880;
	s5 =	sadd.s32 s12, s5;
	s6 =	sadd.s32 $0x27000, s7  }
0x10: {  	s7 =	smax.u32 s13, $0x1;
	s8 =	sadd.s32 $0x35600, s9;
	s9 =	sadd.s32 s30, s31  }
0x11: {  	v0 =	vimm.f32 $0.0e+00;
	s12 =	simm.s32 $0x80;
	s13 =	simm.s32 $0x50;
	s15 =	sshrl.u32 s4, $0x3  }
.LBB2_1:
0x12: {  	[tilespmem:$0x2880] =	vst v0  }
0x13: {  	[tilespmem:$0x2900] =	vst v0  }
0x14: {  	[tilespmem:$0x2980] =	vst v0  }
0x15: {  	[tilespmem:$0x2A00] =	vst v0  }
0x16: {  	[tilespmem:$0x2A80] =	vst v0  }
0x17: {  	[tilespmem:$0x2B00] =	vst v0  }
0x18: {  	[tilespmem:$0x2B80] =	vst v0  }
0x19: {  	[tilespmem:$0x2C00] =	vst v0  }
0x1a: {  	[tilespmem:$0x2C80] =	vst v0  }
0x1b: {  	[tilespmem:$0x2D00] =	vst v0  }
0x1c: {  	[tilespmem:$0x2D80] =	vst v0  }
0x1d: {  	[tilespmem:$0x2E00] =	vst v0  }
0x1e: {  	[tilespmem:$0x2E80] =	vst v0  }
0x1f: {  	[tilespmem:$0x2F00] =	vst v0  }
0x20: {  	[tilespmem:$0x2F80] =	vst v0  }
0x21: {  	[tilespmem:$0x3000] =	vst v0;
	s18 =	sadd.s32 $0x0, s4  }
0x22: {  	[spmem:s18] =	stream.linear.scatter [tilespmem:s10], [sflag:$0x1], $0x800, $0x38;
	[tilespmem:$0x5790] =	vst v63  }
0x23: {  	s18 =	simm.s32 $0x2000;
	_ =	swait.ge [sflag:s11], $0x800  }
.LBB2_2:
0x24: {  	s19 =	sshra.s32 s18, $0x2;
	[sflag:s11] =	ssyncset.done $0x0;
	p1 =	sne.s32 s18, $0x4E000  }
.Ltmp0:
0x25: {  	s19 =	sadd.s32 s19, s4;
	[sflag:s11] =	ssyncadd.s32 $0xFFFFF800;
	(pc) =	sbr.rel @p1 .LBB2_2-.Ltmp0, $3  }
0x26: {  	[spmem:s19] =	stream.linear.scatter [tilespmem:s10], [sflag:$0x1], $0x800, $0x38;
	[tilespmem:$0x5790] =	vst v63  }
0x27: {  	s18 =	sadd.s32 $0x2000, s18;
	_ =	sdelay $0x1  }
0x28: {  	_ =	swait.ge [sflag:s11], $0x800  }
0x29: {  	[sflag:s11] =	ssyncset.done $0x0  }
0x2a: {  	[sflag:s11] =	ssyncadd.s32 $0xFFFFF800  }
0x2b: {  	s18 =	sadd.s32 $0x0, s9;
	[bflag:$0x0] =	sbarrier.arrive $0xFFFF  }
0x2c: {  	[tilespmem:s3], [sflag:$0x1] =	stream.linear.gather [hbm4b:s18+s3], $0x50, $0x38;
	[tilespmem:$0x5790] =	vst v63  }
0x2d: {  	_ =	swait.ge [sflag:s11], $0x50  }
0x2e: {  	[sflag:s11] =	ssyncset.done $0x0  }
0x2f: {  	[sflag:s11] =	ssyncadd.s32 $0xFFFFFFB0  }
0x30: {  	[tilespmem:s12], [sflag:$0x1] =	stream.linear.gather [hbm4b:s8+s3], $0x2800, $0x38;
	[tilespmem:$0x5790] =	vst v63  }
0x31: {  	_ =	swait.ge [sflag:s11], $0x2800  }
0x32: {  	[sflag:s11] =	ssyncset.done $0x0  }
0x33: {  	[sflag:s11] =	ssyncadd.s32 $0xFFFFD800  }
0x34: {  	[spmem:s1] =	stream.indirect.scatter.add.f32 [tilespmem:s12], [sflag:$0x1], $0x10, s3, s13, $0xb8;
	[tilespmem:$0x5790] =	vst v63  }
0x35: {  	s19 =	simm.s32 $0xA;
	_ =	swait.ge [sflag:s11], $0x500  }
0x36: {  	s20 =	simm.s32 $0x14;
	s18 =	sadd.s32 $0x500, s8;
	[sflag:s11] =	ssyncset.done $0x0  }
.LBB2_4:
0x37: {  	s21 =	sadd.s32 s19, s9  }
0x38: {  	[sflag:s11] =	ssyncadd.s32 $0xFFFFFB00;
	s19 =	smov.u32 s20;
	s22 =	sadd.s32 $0xA, s20  }
0x39: {  	[tilespmem:s3], [sflag:$0x1] =	stream.linear.gather [hbm4b:s21+s3], $0x50, $0x38;
	[tilespmem:$0x5790] =	vst v63  }
0x3a: {  	p1 =	sne.s32 s20, $0x4D8;
	_ =	swait.ge [sflag:s11], $0x50  }
0x3b: {  	[sflag:s11] =	ssyncset.done $0x0  }
0x3c: {  	[sflag:s11] =	ssyncadd.s32 $0xFFFFFFB0  }
0x3d: {  	[tilespmem:s12], [sflag:$0x1] =	stream.linear.gather [hbm4b:s18+s3], $0x2800, $0x38;
	[tilespmem:$0x5790] =	vst v63  }
0x3e: {  	_ =	swait.ge [sflag:s11], $0x2800  }
.Ltmp1:
0x3f: {  	[sflag:s11] =	ssyncset.done $0x0;
	(pc) =	sbr.rel @p1 .LBB2_4-.Ltmp1, $4  }
0x40: {  	[sflag:s11] =	ssyncadd.s32 $0xFFFFD800  }
0x41: {  	[spmem:s1] =	stream.indirect.scatter.add.f32 [tilespmem:s12], [sflag:$0x1], $0x10, s3, s13, $0xb8;
	[tilespmem:$0x5790] =	vst v63  }
0x42: {  	_ =	swait.ge [sflag:s11], $0x500  }
0x43: {  	s20 =	smov.u32 s22;
	s18 =	sadd.s32 $0x500, s18;
	[sflag:s11] =	ssyncset.done $0x0  }
0x44: {  	s19 =	sadd.s32 s19, s9;
	[sflag:s11] =	ssyncadd.s32 $0xFFFFFB00  }
0x45: {  	[tilespmem:s3], [sflag:$0x1] =	stream.linear.gather [hbm4b:s19+s3], $0x50, $0x38;
	[tilespmem:$0x5790] =	vst v63  }
0x46: {  	_ =	swait.ge [sflag:s11], $0x50  }
0x47: {  	[sflag:s11] =	ssyncset.done $0x0  }
0x48: {  	[sflag:s11] =	ssyncadd.s32 $0xFFFFFFB0  }
0x49: {  	[tilespmem:s12], [sflag:$0x1] =	stream.linear.gather [hbm4b:s18+s3], $0x2800, $0x38;
	[tilespmem:$0x5790] =	vst v63  }
0x4a: {  	_ =	swait.ge [sflag:s11], $0x2800  }
0x4b: {  	[sflag:s11] =	ssyncset.done $0x0  }
0x4c: {  	[sflag:s11] =	ssyncadd.s32 $0xFFFFD800  }
0x4d: {  	[spmem:s1] =	stream.indirect.scatter.add.f32 [tilespmem:s12], [sflag:$0x1], $0x10, s3, s13, $0xb8;
	[tilespmem:$0x5790] =	vst v63  }
0x4e: {  	_ =	swait.ge [sflag:s11], $0x500  }
0x4f: {  	[sflag:s11] =	ssyncset.done $0x0  }
0x50: {  	[sflag:s11] =	ssyncadd.s32 $0xFFFFFB00  }
0x51: {  	[bflag:$0x0] =	sbarrier.arrive $0xFFFF  }
0x52: {  	[hbm:s5], [sflag:s14] =	dma.local [spmem:s15], $0x2700  }
0x53: {  	s17 =	sadd.s32 $0x1, s17;
	_ =	swait.ge [sflag:s11], $0x2700  }
0x54: {  	p1 =	sne.s32 s17, s7;
	[sflag:s11] =	ssyncset.done $0x0  }
.Ltmp2:
0x55: {  	s18 =	simm.s32 @!p0 $0x1;
	[sflag:s11] =	ssyncadd.s32 $0xFFFFD900;
	(pc) =	sbr.rel @p1 .LBB2_1-.Ltmp2, $4  }
0x56: {  	[hbm:s6], [sflag:s14] =	dma.local @!p0 [spmem:s16], $0x100  }
0x57: {  	_ =	swait.ge @!p0 [sflag:s18], $0x100  }
0x58: {  	[sflag:s18] =	ssyncset.done @!p0 $0x0  }
0x59: {  	[sflag:s18] =	ssyncadd.s32 @!p0 $0xFFFFFF00  }
0x5a: {  	_ =	sfence.sel $0x180000  }
0x5b: {  	[bflag:$0x0] =	sbarrier.arrive $0xFFFF  }
0x5c: {  	p0 =	sne.s32 s2, $0x0;
	_ =	strace $0x90000050  }
0x5d: {  	s0 =	sadd.s32 @!p0 $0x100000, s0;
	[bflag:$0x2] =	sbarrier.arrive $0xFFFF  }
0x5e: {  	[sflag:s0] =	ssyncadd.tile.s32 @!p0 $0x1;
	_ =	shalt  }
.Lfunc_end2:
_tile_overlayer_lowered:
.L_overlay_start_2:
0x5f: {  	(tag) =	ssettag $0x2  }
0x60: {  	s0 =	rddreg [dreg:$0x0];
	s2 =	stileid.u32  }
0x61: {  	s1 =	rddreg [dreg:$0x1];
	p0 =	sne.s32 s2, $0x0  }
0x62: {  	s3 =	rddreg [dreg:$0x2];
	[bflag:$0x3] =	sbarrier.arrive $0xFFFF;
	s2 =	simm.s32 @!p0 $0x1C01  }
0x63: {  	[timem:s3], [sflag:s2] =	dma.local @!p0 [hbm:s0], s1  }
0x64: {  	s0 =	simm.s32 @!p0 $0x1  }
0x65: {  	_ =	swait.ge @!p0 [sflag:s0], s1  }
0x66: {  	s1 =	ssub.s32 @!p0 $0x0, s1;
	[sflag:s0] =	ssyncset.done @!p0 $0x0  }
0x67: {  	[sflag:s0] =	ssyncadd.s32 @!p0 s1  }
0x68: {  	[bflag:$0x3] =	sbarrier.arrive $0xFFFF  }
0x69: {  	_ =	shalt  }

// kernel: kernel.9.cloned.1.call-start
scs
__scs_entry_jumppad:
0x0: {  	(pc) =	sbr.rel $0x88, $3  }
0x1: {  	(tag) =	ssettag $0x0;
	lr =	simm.s32 $0x1  }
0x2: {  	[smem:$0x3F93] =	sst lr;
	_ =	strace $0xD0000000  }
0x3: {  	_ = 	snop  }
0x4: {  	_ = 	snop  }
0x5: {  	_ = 	snop  }
0x6: {  	_ = 	snop  }
0x7: {  	_ = 	snop  }
__scs_overlays_trampoline_lowered:
0x8: {  	[smem:$0x3FA2] =	sst s0  }
0x9: {  	[smem:$0x3FA3] =	sst s1  }
0xa: {  	[smem:$0x3FA4] =	sst s2  }
0xb: {  	[smem:$0x3FA5] =	sst s3  }
0xc: {  	[smem:$0x3FA6] =	sst s4  }
0xd: {  	[smem:$0x3FA7] =	sst s5  }
0xe: {  	[smem:$0x3FA8] =	sst s6  }
0xf: {  	[smem:$0x3FA9] =	sst s7  }
0x10: {  	[smem:$0x3FAA] =	sst s8  }
0x11: {  	[smem:$0x3FAB] =	sst s9;
	s0 =	simm.s32 @!p0 $0x0  }
0x12: {  	s1 =	sld [smem:$0x3F91];
	s0 =	simm.s32 @p0 $0x1  }
0x13: {  	[smem:$0x3FAC] =	sst s0;
	s0 =	simm.s32 @!p1 $0x0  }
0x14: {  	s2 =	sld [smem:$0x3F90];
	s0 =	simm.s32 @p1 $0x1  }
0x15: {  	[smem:$0x3FAD] =	sst s0;
	s0 =	simm.s32 @!p2 $0x0  }
0x16: {  	s3 =	sld [smem:$0x3FDB];
	s0 =	simm.s32 @p2 $0x1  }
0x17: {  	s4 =	simm.s32 $0x1BF5;
	[smem:$0x3FAF] =	sst s0  }
0x18: {  	s0 =	sld [smem:$0x3F92];
	_ =	swait.ge [sflag:s4], $0x0  }
0x19: {  	s7 =	sld [smem:$0x3F93]  }
0x1a: {  	s8 =	sadd.s32 $0xFFFFE003, lr  }
0x1b: {  	s9 =	sadd.s32 $0xFFFFFEF7, lr;
	s5 =	simm.s32 $0xFFFFFFFF;
	p2 =	slt.u32 s8, $0xFFFFF086  }
0x1c: {  	p1 =	slt.u32 s9, $0xF7A;
	s5 =	simm.s32 @!p2 $0x0  }
0x1d: {  	s5 =	simm.s32 @p1 $0x1;
	p0 =	seq.s32 s7, s2  }
0x1e: {  	s7 =	smul.u32 @!p0 $0xF7A, s2;
	p2 =	seq.s32 @!p0 s5, $0x0  }
0x1f: {  	s9 =	smul.u32 $0xF7A, s1;
	s8 =	simm.s32 @!p0 $0x1BF5;
	p2 =	por !p2, p0  }
0x20: {  	[sflag:s8] =	ssyncset.s32 @!p0 $0xFFFFF086;
	s6 =	sadd.s32 @!p0 s3, s7;
	s7 =	simm.s32 @!p0 $0x108  }
0x21: {  	s3 =	sadd.s32 s3, s9;
	s6 =	sadd.s32 @!p0 $0x88, s6;
	s7 =	simm.s32 @p2 $0x1082  }
0x22: {  	[simem:s7], [sflag:s8] =	dma.local @!p0 [hbm:s6], $0xF7A  }
0x23: {  	s9 =	sor.u32 $0xD0000000, s2;
	s6 =	simm.s32 $0x108;
	_ =	swait.ge @!p0 [sflag:s8], $0x0  }
0x24: {  	s3 =	sadd.s32 $0x88, s3;
	s6 =	simm.s32 @!p1 $0x1082;
	[sflag:s4] =	ssyncset.s32 $0xFFFFF086  }
0x25: {  	[simem:s6], [sflag:s4] =	dma.local [hbm:s3], $0xF7A  }
0x26: {  	[smem:$0x3F93] =	sst s1;
	(tag) =	ssettag s2;
	_ =	strace s9  }
0x27: {  	s1 =	sld [smem:$0x3FA3]  }
0x28: {  	s2 =	sld [smem:$0x3FA4]  }
0x29: {  	s4 =	sld [smem:$0x3FA6]  }
0x2a: {  	p0 =	seq.s32 s5, $0x0;
	s5 =	sld [smem:$0x3FA7]  }
0x2b: {  	s6 =	sld [smem:$0x3FA8]  }
0x2c: {  	s7 =	sld [smem:$0x3FA9]  }
0x2d: {  	s3 =	simm.s32 $0x108;
	s8 =	sld [smem:$0x3FAA]  }
0x2e: {  	s3 =	simm.s32 @!p0 $0x1082;
	s9 =	sld [smem:$0x3FAB]  }
0x2f: {  	lr =	sadd.s32 s0, s3;
	s0 =	sld [smem:$0x3FA2]  }
0x30: {  	s3 =	sld [smem:$0x3FA5]  }
0x31: {  	[smem:$0x3FAE] =	sst s10  }
0x32: {  	s10 =	sld [smem:$0x3FAC];
	_ =	sdelay $0x3  }
0x33: {  	p0 =	seq.s32 s10, $0x1;
	s10 =	sld [smem:$0x3FAE];
	_ =	sdelay $0x3  }
0x34: {  	[smem:$0x3FAE] =	sst s10  }
0x35: {  	s10 =	sld [smem:$0x3FAD];
	_ =	sdelay $0x3  }
0x36: {  	p1 =	seq.s32 s10, $0x1;
	s10 =	sld [smem:$0x3FAE];
	_ =	sdelay $0x3  }
0x37: {  	[smem:$0x3FAE] =	sst s10  }
0x38: {  	s10 =	sld [smem:$0x3FAF]  }
0x39: {  	_ = 	snop;
	(pc) =	sbr.ind lr, $3  }
0x3a: {  	_ = 	snop  }
0x3b: {  	_ = 	snop  }
0x3c: {  	p2 =	seq.s32 s10, $0x1;
	s10 =	sld [smem:$0x3FAE]  }
0x3d: {  	_ =	shalt  }
0x3e: {  	_ =	shalt  }
0x3f: {  	_ =	shalt  }
0x40: {  	_ =	shalt  }
0x41: {  	_ =	shalt  }
0x42: {  	_ =	shalt  }
0x43: {  	_ =	shalt  }
0x44: {  	_ =	shalt  }
0x45: {  	_ =	shalt  }
0x46: {  	_ =	shalt  }
0x47: {  	_ =	shalt  }
0x48: {  	_ =	shalt  }
0x49: {  	_ =	shalt  }
0x4a: {  	_ =	shalt  }
0x4b: {  	_ =	shalt  }
0x4c: {  	_ =	shalt  }
0x4d: {  	_ =	shalt  }
0x4e: {  	_ =	shalt  }
0x4f: {  	_ =	shalt  }
0x50: {  	_ =	shalt  }
0x51: {  	_ =	shalt  }
0x52: {  	_ =	shalt  }
0x53: {  	_ =	shalt  }
0x54: {  	_ =	shalt  }
0x55: {  	_ =	shalt  }
0x56: {  	_ =	shalt  }
0x57: {  	_ =	shalt  }
0x58: {  	_ =	shalt  }
0x59: {  	_ =	shalt  }
0x5a: {  	_ =	shalt  }
0x5b: {  	_ =	shalt  }
0x5c: {  	_ =	shalt  }
0x5d: {  	_ =	shalt  }
0x5e: {  	_ =	shalt  }
0x5f: {  	_ =	shalt  }
0x60: {  	_ =	shalt  }
0x61: {  	_ =	shalt  }
0x62: {  	_ =	shalt  }
0x63: {  	_ =	shalt  }
0x64: {  	_ =	shalt  }
0x65: {  	_ =	shalt  }
0x66: {  	_ =	shalt  }
0x67: {  	_ =	shalt  }
0x68: {  	_ =	shalt  }
0x69: {  	_ =	shalt  }
0x6a: {  	_ =	shalt  }
0x6b: {  	_ =	shalt  }
0x6c: {  	_ =	shalt  }
0x6d: {  	_ =	shalt  }
0x6e: {  	_ =	shalt  }
0x6f: {  	_ =	shalt  }
0x70: {  	_ =	shalt  }
0x71: {  	_ =	shalt  }
0x72: {  	_ =	shalt  }
0x73: {  	_ =	shalt  }
0x74: {  	_ =	shalt  }
0x75: {  	_ =	shalt  }
0x76: {  	_ =	shalt  }
0x77: {  	_ =	shalt  }
0x78: {  	_ =	shalt  }
0x79: {  	_ =	shalt  }
0x7a: {  	_ =	shalt  }
0x7b: {  	_ =	shalt  }
0x7c: {  	_ =	shalt  }
0x7d: {  	_ =	shalt  }
0x7e: {  	_ =	shalt  }
0x7f: {  	_ =	shalt  }
0x80: {  	_ =	shalt  }
0x81: {  	_ =	shalt  }
0x82: {  	_ =	shalt  }
0x83: {  	_ =	shalt  }
0x84: {  	_ =	shalt  }
0x85: {  	_ =	shalt  }
0x86: {  	_ =	shalt  }
0x87: {  	_ =	shalt  }
.Lfunc_end0:
.L_simem_size_0:
called_computation_lowered:
.L_overlay_start_0:
0x88: {  	s2 =	sld [smem:$0x3FD9]  }
0x89: {  	s3 =	sld [smem:$0x3FFE];
	_ =	sdelay $0x1  }
0x8a: {  	s1 =	srdreg.scid  }
0x8b: {  	s0 =	sand.u32 $0x1, s1  }
0x8c: {  	s17 =	sshll.u32 s0, $0xA;
	s2 =	sadd.s32 s3, s2  }
0x8d: {  	s2 =	sadd.s32 s2, s17  }
0x8e: {  	[smem:$0x3FBA] =	sst s2  }
0x8f: {  	_ = 	snop  }
0x90: {  	s2 =	sld [smem:$0x3FD0];
	(tm) =	ssettm $0x1  }
0x91: {  	s18 =	sld [smem:$0x3FFB];
	_ =	sdelay $0x3  }
0x92: {  	_ =	strace s18  }
0x93: {  	s3 =	sld [smem:$0x3FFC];
	_ =	sdelay $0x3  }
0x94: {  	_ =	strace s3  }
0x95: {  	s3 =	sld [smem:$0x3FFD];
	_ =	sdelay $0x3  }
0x96: {  	_ =	strace s3  }
0x97: {  	_ =	strace $0x8FFFFFFF  }
0x98: {  	s19 =	sld [smem:$0x3FDB];
	_ =	sdelay $0x1  }
0x99: {  	s4 =	simm.s32 $_scs_section_size  }
0x9a: {  	s5 =	simm.s32 $_size__tile_overlayer_lowered;
	s6 =	simm.s32 $_tile_overlayer_lowered  }
0x9b: {  	s22 =	simm.s32 $0x1BFF;
	s21 =	sshll.u32 s6, $0x1;
	s3 =	sadd.s32 s4, s19  }
0x9c: {  	s7 =	simm.s32 $0x0;
	s20 =	sshll.u32 s5, $0x1;
	s5 =	sadd.s32 s21, s3  }
0x9d: {  	[timem:s7], [sflag:s22] =	dma.local [hbm:s5], s20  }
0x9e: {  	_ =	swait.ge [sflag:s22], s20  }
0x9f: {  	s4 =	ssub.s32 $0x0, s20;
	[sflag:s22] =	ssyncset.done $0x0  }
0xa0: {  	[sflag:s22] =	ssyncadd.s32 s4;
	_ =	sdelay $0x1  }
0xa1: {  	s23 =	simm.s32 $0x1B8B  }
0xa2: {  	_ =	swait.ge [sflag:s23], $0x1  }
0xa3: {  	[sflag:s23] =	ssyncset.done $0x0  }
0xa4: {  	s25 =	simm.s32 $0x1B8E;
	s24 =	sld [smem:$0x3FFE];
	[sflag:s23] =	ssyncadd.s32 $0xFFFFFFFF  }
0xa5: {  	s26 =	simm.s32 $execute0_lowered;
	[smem:$0x3FD2] =	sst s25  }
0xa6: {  	s5 =	sshll.u32 s26, $0x1;
	_ =	strace $0x80000046;
	[dreg:$0x1] =	wrdreg $0xFFFFFFFF  }
0xa7: {  	s28 =	simm.s32 $_size_execute0_lowered;
	s3 =	sadd.s32 s3, s5;
	[dreg:$0x0] =	wrdreg $0x0  }
0xa8: {  	s5 =	sshll.u32 s28, $0x1;
	[dreg:$0x2] =	wrdreg s3  }
0xa9: {  	[dreg:$0x3] =	wrdreg s5  }
0xaa: {  	[dreg:$0x4] =	wrdreg $0xC0  }
0xab: {  	_ =	task [dreg:s7], $0x5FFFF  }
0xac: {  	[dreg:$0x1] =	wrdreg $0xFFFFFFFF  }
0xad: {  	[dreg:$0x0] =	wrdreg $0x60  }
0xae: {  	[dreg:$0x2] =	wrdreg s24  }
0xaf: {  	[dreg:$0x3] =	wrdreg s2  }
0xb0: {  	[dreg:$0x4] =	wrdreg $0xAA000  }
0xb1: {  	[dreg:$0x5] =	wrdreg $0x9  }
0xb2: {  	_ =	task.clear_ibuf [dreg:s7], $0x6FFFF;
	_ =	strace $0x90000046  }
0xb3: {  	s29 =	simm.s32 $0x9;
	_ =	strace $0x80000048  }
0xb4: {  	_ =	swait.ge [sflag:s29], $0x1  }
0xb5: {  	[sflag:s29] =	ssyncadd.s32 $0xFFFFFFFF  }
0xb6: {  	_ =	strace $0x90000048  }
0xb7: {  	_ =	sfence  }
0xb8: {  	s30 =	sld [smem:$0x0];
	_ =	sdelay $0x2  }
0xb9: {  	s31 =	sshll.u32 s1, $0xD;
	s1 =	sshrl.u32 s1, $0x2  }
0xba: {  	s3 =	sand.u32 $0x4000, s31;
	s1 =	sadd.s32 s1, s30  }
0xbb: {  	s0 =	sor.u32 s3, s0;
	s1 =	sshll.u32 s1, $0x11  }
0xbc: {  	s0 =	sor.u32 s1, s0  }
0xbd: {  	s0 =	sadd.s32 $0x8F2B, s0  }
0xbe: {  	[sflag:s0] =	ssyncadd.remote.s32 $0x1  }
0xbf: {  	_ =	sfence.sel $0xFFFF  }
0xc0: {  	[dreg:$0x0] =	wrdreg $0xFFFFFFFF;
	(pc) =	sbr.abs _section_cstart, $3  }
0xc1: {  	[dreg:$0x1] =	wrdreg $0xFFFFFFFF  }
0xc2: {  	_ =	task.clear_ibuf [dreg:s7], $0x2FFFF;
	_ =	strace $0x9FFFFFFF  }
0xc3: {  	(tm) =	ssettm $0x7FFFFFFF  }
tec
execute0_lowered:
.L_overlay_start_1:
0x0: {  	(tag) =	ssettag $0x1  }
0x1: {  	s0 =	rddreg [dreg:$0x0]  }
0x2: {  	s1 =	rddreg [dreg:$0x1]  }
0x3: {  	s2 =	rddreg [dreg:$0x2];
	s3 =	simm.s32 $0x0;
	s20 =	srdreg.scid  }
0x4: {  	s15 =	stileid.u32;
	s16 =	simm.s32 $0x5;
	s17 =	simm.s32 $0xA200  }
0x5: {  	s18 =	simm.s32 $0x80;
	s19 =	simm.s32 $0x50;
	s28 =	simm.s32 $0x7980  }
0x6: {  	s29 =	simm.s32 $0x3;
	s30 =	simm.s32 $0x4;
	s31 =	simm.s32 $0x0  }
0x7: {  	[smem:$0x7FF] =	sst s3;
	s4 =	sadd.s32 $0xE600, s0;
	s6 =	sadd.s32 $0x35800, s0  }
0x8: {  	s7 =	sadd.s32 $0x4600, s0;
	s5 =	sadd.s32 $0xE400, s0;
	s10 =	smul.u32 $0x4E000, s15  }
0x9: {  	s8 =	sadd.s32 $0x53EA00, s0;
	s9 =	sadd.s32 $0x5CA00, s0;
	s13 =	smul.u32 $0x13800, s15  }
0xa: {  	_ =	strace $0x80000047;
	[dreg:$0x4] =	wrdreg s5;
	s5 =	sand.u32 $0x1, s20  }
0xb: {  	p0 =	sne.s32 s15, $0xF;
	s20 =	simm.s32 $0x180;
	s21 =	ssub.s32 $0x2, s5  }
0xc: {  	s11 =	smul.u32 $0x138800, s5;
	s5 =	sshll.u32 s5, $0x4;
	s10 =	sshrl.u32 s10, $0x2  }
0xd: {  	s12 =	sshrl.u32 s21, $0x1;
	s5 =	sor.u32 s15, s5;
	s10 =	sadd.s32 s10, s2  }
0xe: {  	s0 =	ssub.s32 s21, s12;
	s22 =	sadd.s32 s13, s11;
	s23 =	sshrl.u32 s11, $0x3  }
0xf: {  	s11 =	smul.u32 $0x7D, s5;
	s21 =	simm.s32 $0x2980;
	s24 =	sshrl.u32 s22, $0x3  }
0x10: {  	s25 =	sadd.s32 s8, s23;
	s14 =	smax.u32 s0, $0x1;
	s22 =	simm.s32 $0x1  }
0x11: {  	v0 =	vimm.f32 $0.0e+00;
	vm0 =	vmmov $0x1;
	vm1 =	vcmask $0x320;
	s23 =	simm.s32 $0x2;
	s5 =	sadd.s32 s8, s24;
	s26 =	sadd.s32 $0x27000, s25  }
0x12: {  	vm2 =	vcmask $0x720;
	vm3 =	vcmask $0xB20;
	vm4 =	vcmask $0xF20;
	s24 =	simm.s32 $0x100;
	[dreg:$0x5] =	wrdreg s5;
	s5 =	sadd.s32 $0x138000, s2  }
0x13: {  	vm5 =	vcmask $0x1320;
	vm6 =	vcmask $0x1720;
	vm7 =	vcmask $0x1B20;
	[dreg:$0x6] =	wrdreg s26;
	s26 =	simm.s32 $0x5180;
	s25 =	sshrl.u32 @!p0 s5, $0x3  }
.LBB2_1:
0x14: {  	s0 =	rddreg [dreg:$0x4];
	s5 =	simm.s32 $0xA180  }
0x15: {  	[tilespmem:s5], [sflag:$0x5] =	stream.linear.gather [hbm4b:s0+s3], $0x80, $0x38;
	[tilespmem:$0x1E280] =	vst v63  }
0x16: {  	_ =	swait.ge [sflag:s16], $0x80  }
0x17: {  	[sflag:s16] =	ssyncset.done $0x0  }
0x18: {  	s0 =	simm.s32 $0x0;
	s5 =	simm.s32 $0x200;
	[sflag:s16] =	ssyncadd.s32 $0xFFFFFF80  }
.LBB2_2:
0x19: {  	p1 =	sne.s32 s5, $0x1E00;
	[tilespmem:s0+$0xA270] =	vst v0  }
0x1a: {  	[tilespmem:s0+$0xA200] =	vst v0  }
0x1b: {  	[tilespmem:s0+$0xA210] =	vst v0  }
.Ltmp0:
0x1c: {  	[tilespmem:s0+$0xA220] =	vst v0;
	(pc) =	sbr.rel @p1 .LBB2_2-.Ltmp0, $4  }
0x1d: {  	[tilespmem:s0+$0xA230] =	vst v0  }
0x1e: {  	[tilespmem:s0+$0xA240] =	vst v0  }
0x1f: {  	[tilespmem:s0+$0xA250] =	vst v0  }
0x20: {  	[tilespmem:s0+$0xA260] =	vst v0;
	s0 =	sshra.s32 s5, $0x2;
	s5 =	sadd.s32 $0x200, s5  }
0x21: {  	[tilespmem:s0+$0xA270] =	vst v0  }
0x22: {  	[tilespmem:s0+$0xA200] =	vst v0  }
0x23: {  	[tilespmem:s0+$0xA210] =	vst v0  }
0x24: {  	[tilespmem:s0+$0xA220] =	vst v0  }
0x25: {  	[tilespmem:s0+$0xA230] =	vst v0  }
0x26: {  	[tilespmem:s0+$0xA240] =	vst v0  }
0x27: {  	[tilespmem:s0+$0xA250] =	vst v0  }
0x28: {  	[tilespmem:s0+$0xA260] =	vst v0;
	s15 =	sadd.s32 $0x0, s10  }
0x29: {  	[spmem:s15] =	stream.linear.scatter [tilespmem:s17], [sflag:$0x5], $0x800, $0x38;
	[tilespmem:$0x1E280] =	vst v63  }
0x2a: {  	s0 =	simm.s32 $0x2000;
	_ =	swait.ge [sflag:s16], $0x800  }
.LBB2_4:
0x2b: {  	s5 =	sshra.s32 s0, $0x2;
	[sflag:s16] =	ssyncset.done $0x0;
	p1 =	sne.s32 s0, $0x4E000  }
.Ltmp1:
0x2c: {  	s5 =	sadd.s32 s5, s10;
	[sflag:s16] =	ssyncadd.s32 $0xFFFFF800;
	(pc) =	sbr.rel @p1 .LBB2_4-.Ltmp1, $3  }
0x2d: {  	[spmem:s5] =	stream.linear.scatter [tilespmem:s17], [sflag:$0x5], $0x800, $0x38;
	[tilespmem:$0x1E280] =	vst v63  }
0x2e: {  	s0 =	sadd.s32 $0x2000, s0;
	_ =	sdelay $0x1  }
0x2f: {  	_ =	swait.ge [sflag:s16], $0x800  }
0x30: {  	[sflag:s16] =	ssyncset.done $0x0  }
0x31: {  	[sflag:s16] =	ssyncadd.s32 $0xFFFFF800  }
0x32: {  	s0 =	simm.s32 $0x0;
	[bflag:$0x0] =	sbarrier.arrive $0xFFFF  }
.LBB2_6:
0x33: {  	s15 =	sadd.s32 s11, s0  }
0x34: {  	s5 =	smul.u32 $0xA, s15;
	_ =	sdelay $0x1  }
0x35: {  	s8 =	sadd.s32 s7, s5  }
0x36: {  	[tilespmem:s3], [sflag:$0x5] =	stream.linear.gather [hbm4b:s8+s3], $0x50, $0x38;
	[tilespmem:$0x1E280] =	vst v63  }
0x37: {  	_ =	swait.ge [sflag:s16], $0x50  }
0x38: {  	[sflag:s16] =	ssyncset.done $0x0  }
0x39: {  	s5 =	sadd.s32 s1, s5;
	[sflag:s16] =	ssyncadd.s32 $0xFFFFFFB0  }
0x3a: {  	[tilespmem:s18], [sflag:$0x5] =	stream.linear.gather [hbm4b:s5+s3], $0x50, $0x38;
	[tilespmem:$0x1E280] =	vst v63  }
0x3b: {  	_ =	swait.ge [sflag:s16], $0x50  }
0x3c: {  	[sflag:s16] =	ssyncset.done $0x0  }
0x3d: {  	p1 =	seq.s32 s0, $0x0;
	[sflag:s16] =	ssyncadd.s32 $0xFFFFFFB0  }
0x3e: {  	[tilespmem:s20], [sflag:$0x1] =	stream.indirect.gather [hbm4b:s4+s19], $0x80, s3, s19, $0xb8;
	[tilespmem:$0x1E280] =	vst v63  }
0x3f: {  	s5 =	simm.s32 @!p1 $0x3  }
0x40: {  	[tilespmem:s21], [sflag:$0x2] =	stream.indirect.gather [hbm4b:s6+s19], $0x80, s18, s19, $0xb8;
	[tilespmem:$0x1E280] =	vst v63  }
0x41: {  	_ =	swait.ge @!p1 [sflag:s5], $0x2800  }
0x42: {  	[sflag:s5] =	ssyncset.done @!p1 $0x0  }
0x43: {  	[sflag:s5] =	ssyncadd.s32 @!p1 $0xFFFFD800;
	s5 =	simm.s32 @!p1 $0x4  }
0x44: {  	_ =	swait.ge @!p1 [sflag:s5], $0x2800  }
0x45: {  	[sflag:s5] =	ssyncset.done @!p1 $0x0  }
0x46: {  	[sflag:s5] =	ssyncadd.s32 @!p1 $0xFFFFD800  }
0x47: {  	_ =	swait.ge [sflag:s22], $0x2800  }
0x48: {  	[sflag:s22] =	ssyncset.done $0x0  }
0x49: {  	[sflag:s22] =	ssyncadd.s32 $0xFFFFD800  }
0x4a: {  	_ =	swait.ge [sflag:s23], $0x2800  }
0x4b: {  	[sflag:s23] =	ssyncset.done $0x0  }
0x4c: {  	s5 =	simm.s32 $0x0;
	[sflag:s23] =	ssyncadd.s32 $0xFFFFD800  }
0x4d: {  	v1 =	vld [tilespmem:s5+$0x180]  }
0x4e: {  	v2 =	vld [tilespmem:s5+$0x2980];
	_ =	sdelay $0x4  }
0x4f: {  	v3 =	vld [tilespmem:$0xA180];
	v2 =	vadd.f32 v2, v1;
	_ =	sdelay $0x1  }
0x50: {  	v4 =	vmul.f32 $2.000000030e-01, v2;
	_ =	sdelay $0x1  }
0x51: {  	v2 =	vmax.f32 v2, v4  }
0x52: {  	v2 =	vmul.f32 v2, v3;
	_ =	sdelay $0x1  }
0x53: {  	(xrf2) =	vadd.scan.msk.f32 $0xffff, v2;
	_ =	sdelay $0x9  }
0x54: {  	v2, _, _ =	vpop (xrf2)  }
0x55: {  	v2 =	vmul.f32 $1.442695020e+00, v2;
	_ =	sdelay $0x1  }
0x56: {  	v2 =	vbroadcast v2, $0xF;
	_ =	sdelay $0x1  }
0x57: {  	(erf) = vpow2.f32 v2;
	_ =	sdelay $0x6  }
0x58: {  	v6 =	vld [tilespmem:s5+$0x190]  }
0x59: {  	v2 =	vld [tilespmem:s5+$0x2990]  }
0x5a: {  	v8 =	vpop (erf)  }
0x5b: {  	v1 =	vmul.f32 v8, v1;
	_ =	sdelay $0x1  }
0x5c: {  	[tilespmem:s5+$0x5180] =	vst v1  }
0x5d: {  	v1 =	vadd.f32 v2, v6;
	v2 =	vld [tilespmem:$0xA190];
	_ =	sdelay $0x1  }
0x5e: {  	v11 =	vmul.f32 $2.000000030e-01, v1;
	_ =	sdelay $0x1  }
0x5f: {  	v1 =	vmax.f32 v1, v11  }
0x60: {  	v1 =	vmul.f32 v1, v2;
	_ =	sdelay $0x1  }
0x61: {  	(xrf2) =	vadd.scan.msk.f32 $0xffff, v1;
	_ =	sdelay $0x9  }
0x62: {  	v1, _, _ =	vpop (xrf2)  }
0x63: {  	v1 =	vmul.f32 $1.442695020e+00, v1;
	_ =	sdelay $0x1  }
0x64: {  	v1 =	vbroadcast v1, $0xF;
	_ =	sdelay $0x1  }
0x65: {  	(erf) = vpow2.f32 v1;
	_ =	sdelay $0x6  }
0x66: {  	v3 =	vld [tilespmem:s5+$0x29A0]  }
0x67: {  	v1 =	vld [tilespmem:s5+$0x1A0]  }
0x68: {  	v2 =	vpop (erf)  }
0x69: {  	v6 =	vmul.f32 v2, v6;
	_ =	sdelay $0x1  }
0x6a: {  	[tilespmem:s5+$0x5190] =	vst v6  }
0x6b: {  	v3 =	vadd.f32 v3, v1;
	v6 =	vld [tilespmem:$0xA1A0];
	_ =	sdelay $0x1  }
0x6c: {  	v11 =	vmul.f32 $2.000000030e-01, v3;
	_ =	sdelay $0x1  }
0x6d: {  	v3 =	vmax.f32 v3, v11  }
0x6e: {  	v3 =	vmul.f32 v3, v6;
	_ =	sdelay $0x1  }
0x6f: {  	(xrf2) =	vadd.scan.msk.f32 $0xffff, v3;
	_ =	sdelay $0x9  }
0x70: {  	v3, _, _ =	vpop (xrf2)  }
0x71: {  	v3 =	vmul.f32 $1.442695020e+00, v3;
	_ =	sdelay $0x1  }
0x72: {  	v3 =	vbroadcast v3, $0xF;
	_ =	sdelay $0x1  }
0x73: {  	(erf) = vpow2.f32 v3;
	_ =	sdelay $0x6  }
0x74: {  	v4 =	vld [tilespmem:s5+$0x29B0]  }
0x75: {  	v3 =	vld [tilespmem:s5+$0x1B0]  }
0x76: {  	v6 =	vpop (erf)  }
0x77: {  	v1 =	vmul.f32 v6, v1;
	_ =	sdelay $0x1  }
0x78: {  	[tilespmem:s5+$0x51A0] =	vst v1  }
0x79: {  	v1 =	vadd.f32 v4, v3;
	v4 =	vld [tilespmem:$0xA1B0];
	_ =	sdelay $0x1  }
0x7a: {  	v11 =	vmul.f32 $2.000000030e-01, v1;
	_ =	sdelay $0x1  }
0x7b: {  	v1 =	vmax.f32 v1, v11  }
0x7c: {  	v1 =	vmul.f32 v1, v4;
	_ =	sdelay $0x1  }
0x7d: {  	(xrf2) =	vadd.scan.msk.f32 $0xffff, v1;
	_ =	sdelay $0x9  }
0x7e: {  	v1, _, _ =	vpop (xrf2)  }
0x7f: {  	v1 =	vmul.f32 $1.442695020e+00, v1;
	_ =	sdelay $0x1  }
0x80: {  	v1 =	vbroadcast v1, $0xF;
	_ =	sdelay $0x1  }
0x81: {  	(erf) = vpow2.f32 v1;
	_ =	sdelay $0x6  }
0x82: {  	v5 =	vld [tilespmem:s5+$0x29C0]  }
0x83: {  	v1 =	vld [tilespmem:s5+$0x1C0]  }
0x84: {  	v4 =	vpop (erf)  }
0x85: {  	v3 =	vmul.f32 v4, v3;
	_ =	sdelay $0x1  }
0x86: {  	[tilespmem:s5+$0x51B0] =	vst v3  }
0x87: {  	v3 =	vadd.f32 v5, v1;
	v5 =	vld [tilespmem:$0xA1C0];
	_ =	sdelay $0x1  }
0x88: {  	v11 =	vmul.f32 $2.000000030e-01, v3;
	_ =	sdelay $0x1  }
0x89: {  	v3 =	vmax.f32 v3, v11  }
0x8a: {  	v3 =	vmul.f32 v3, v5;
	_ =	sdelay $0x1  }
0x8b: {  	(xrf2) =	vadd.scan.msk.f32 $0xffff, v3;
	_ =	sdelay $0x9  }
0x8c: {  	v3, _, _ =	vpop (xrf2)  }
0x8d: {  	v3 =	vmul.f32 $1.442695020e+00, v3;
	_ =	sdelay $0x1  }
0x8e: {  	v3 =	vbroadcast v3, $0xF;
	_ =	sdelay $0x1  }
0x8f: {  	(erf) = vpow2.f32 v3;
	_ =	sdelay $0x6  }
0x90: {  	v7 =	vld [tilespmem:s5+$0x29D0]  }
0x91: {  	v3 =	vld [tilespmem:s5+$0x1D0]  }
0x92: {  	v5 =	vpop (erf)  }
0x93: {  	v1 =	vmul.f32 v5, v1;
	_ =	sdelay $0x1  }
0x94: {  	[tilespmem:s5+$0x51C0] =	vst v1  }
0x95: {  	v1 =	vadd.f32 v7, v3;
	v7 =	vld [tilespmem:$0xA1D0];
	_ =	sdelay $0x1  }
0x96: {  	v11 =	vmul.f32 $2.000000030e-01, v1;
	_ =	sdelay $0x1  }
0x97: {  	v1 =	vmax.f32 v1, v11  }
0x98: {  	v1 =	vmul.f32 v1, v7;
	_ =	sdelay $0x1  }
0x99: {  	(xrf2) =	vadd.scan.msk.f32 $0xffff, v1;
	_ =	sdelay $0x9  }
0x9a: {  	v1, _, _ =	vpop (xrf2)  }
0x9b: {  	v1 =	vmul.f32 $1.442695020e+00, v1;
	_ =	sdelay $0x1  }
0x9c: {  	v1 =	vbroadcast v1, $0xF;
	_ =	sdelay $0x1  }
0x9d: {  	(erf) = vpow2.f32 v1;
	_ =	sdelay $0x6  }
0x9e: {  	v9 =	vld [tilespmem:s5+$0x29E0]  }
0x9f: {  	v1 =	vld [tilespmem:s5+$0x1E0]  }
0xa0: {  	v7 =	vpop (erf)  }
0xa1: {  	v3 =	vmul.f32 v7, v3;
	_ =	sdelay $0x1  }
0xa2: {  	[tilespmem:s5+$0x51D0] =	vst v3  }
0xa3: {  	v3 =	vadd.f32 v9, v1;
	v9 =	vld [tilespmem:$0xA1E0];
	_ =	sdelay $0x1  }
0xa4: {  	v11 =	vmul.f32 $2.000000030e-01, v3;
	_ =	sdelay $0x1  }
0xa5: {  	v3 =	vmax.f32 v3, v11  }
0xa6: {  	v3 =	vmul.f32 v3, v9;
	_ =	sdelay $0x1  }
0xa7: {  	(xrf2) =	vadd.scan.msk.f32 $0xffff, v3;
	_ =	sdelay $0x9  }
0xa8: {  	v3, _, _ =	vpop (xrf2)  }
0xa9: {  	v3 =	vmul.f32 $1.442695020e+00, v3;
	_ =	sdelay $0x1  }
0xaa: {  	v3 =	vbroadcast v3, $0xF;
	_ =	sdelay $0x1  }
0xab: {  	(erf) = vpow2.f32 v3;
	_ =	sdelay $0x6  }
0xac: {  	v10 =	vld [tilespmem:s5+$0x29F0]  }
0xad: {  	v3 =	vld [tilespmem:s5+$0x1F0]  }
0xae: {  	v11 =	vpop (erf)  }
0xaf: {  	v1 =	vmul.f32 v11, v1;
	_ =	sdelay $0x1  }
0xb0: {  	[tilespmem:s5+$0x51E0] =	vst v1  }
0xb1: {  	v1 =	vadd.f32 v10, v3;
	v9 =	vld [tilespmem:$0xA1F0];
	_ =	sdelay $0x1  }
0xb2: {  	v10 =	vmul.f32 $2.000000030e-01, v1;
	_ =	sdelay $0x1  }
0xb3: {  	v1 =	vmax.f32 v1, v10  }
0xb4: {  	v1 =	vmul.f32 v1, v9;
	_ =	sdelay $0x1  }
0xb5: {  	(xrf2) =	vadd.scan.msk.f32 $0xffff, v1;
	_ =	sdelay $0x9  }
0xb6: {  	v1, _, _ =	vpop (xrf2)  }
0xb7: {  	v1 =	vmul.f32 $1.442695020e+00, v1;
	_ =	sdelay $0x1  }
0xb8: {  	v1 =	vbroadcast v1, $0xF;
	_ =	sdelay $0x1  }
0xb9: {  	(erf) = vpow2.f32 v1;
	_ =	sdelay $0x2  }
0xba: {  	v1 =	vnsel vm0, $0x0, v8  }
0xbb: {  	v1 =	vsel vm1, v1, v2  }
0xbc: {  	v1 =	vsel vm2, v1, v6  }
0xbd: {  	s13 =	simm.s32 $0x80;
	v1 =	vsel vm3, v1, v4  }
0xbe: {  	v4 =	vld [tilespmem:s13+$0x180];
	v2 =	vsel vm4, v1, v5  }
0xbf: {  	v1 =	vld [tilespmem:s13+$0x2980];
	v2 =	vsel vm5, v2, v7  }
0xc0: {  	v9 =	vld [tilespmem:s13+$0x2990];
	v5 =	vsel vm6, v2, v11;
	v7 =	vpop (erf)  }
0xc1: {  	s8 =	simm.s32 $0x400;
	v6 =	vld [tilespmem:s13+$0x29A0];
	v2 =	vmul.f32 v7, v3;
	v3 =	vsel vm7, v5, v7  }
.LBB2_7:
0xc2: {  	p1 =	sne.s32 s8, $0x9E00;
	v8 =	vld [tilespmem:s13+$0x29B0];
	[tilespmem:s5+$0x7980] =	vst v3;
	s12 =	smov.u32 s8;
	s8 =	sadd.s32 $0x200, s8  }
0xc3: {  	v7 =	vld [tilespmem:s13+$0x29C0];
	[tilespmem:s5+$0x51F0] =	vst v2;
	s5 =	smov.u32 s13  }
0xc4: {  	v2 =	vadd.f32 v1, v4;
	v10 =	vld [tilespmem:$0xA180]  }
0xc5: {  	v5 =	vld [tilespmem:s5+$0x29D0]  }
0xc6: {  	v11 =	vmul.f32 $2.000000030e-01, v2;
	v3 =	vld [tilespmem:s5+$0x29E0]  }
0xc7: {  	v1 =	vld [tilespmem:s5+$0x29F0]  }
0xc8: {  	v2 =	vmax.f32 v2, v11  }
0xc9: {  	v2 =	vmul.f32 v2, v10;
	_ =	sdelay $0x1  }
0xca: {  	(xrf2) =	vadd.scan.msk.f32 $0xffff, v2;
	_ =	sdelay $0x9  }
0xcb: {  	v2, _, _ =	vpop (xrf2)  }
0xcc: {  	v2 =	vmul.f32 $1.442695020e+00, v2;
	_ =	sdelay $0x1  }
0xcd: {  	v2 =	vbroadcast v2, $0xF;
	_ =	sdelay $0x1  }
0xce: {  	(erf) = vpow2.f32 v2;
	_ =	sdelay $0x6  }
0xcf: {  	v10 =	vld [tilespmem:s5+$0x190];
	_ =	sdelay $0x1  }
0xd0: {  	v2 =	vpop (erf)  }
0xd1: {  	v4 =	vmul.f32 v2, v4;
	_ =	sdelay $0x1  }
0xd2: {  	[tilespmem:s5+$0x5180] =	vst v4;
	v4 =	vadd.f32 v9, v10  }
0xd3: {  	v9 =	vld [tilespmem:$0xA190]  }
0xd4: {  	v11 =	vmul.f32 $2.000000030e-01, v4;
	_ =	sdelay $0x1  }
0xd5: {  	v4 =	vmax.f32 v4, v11;
	_ =	sdelay $0x1  }
0xd6: {  	v4 =	vmul.f32 v4, v9;
	_ =	sdelay $0x1  }
0xd7: {  	(xrf2) =	vadd.scan.msk.f32 $0xffff, v4;
	_ =	sdelay $0x9  }
0xd8: {  	v4, _, _ =	vpop (xrf2)  }
0xd9: {  	v4 =	vmul.f32 $1.442695020e+00, v4;
	_ =	sdelay $0x1  }
0xda: {  	v4 =	vbroadcast v4, $0xF;
	_ =	sdelay $0x1  }
0xdb: {  	(erf) = vpow2.f32 v4;
	_ =	sdelay $0x6  }
0xdc: {  	v9 =	vld [tilespmem:s5+$0x1A0];
	_ =	sdelay $0x1  }
0xdd: {  	v4 =	vpop (erf)  }
0xde: {  	v10 =	vmul.f32 v4, v10;
	_ =	sdelay $0x1  }
0xdf: {  	[tilespmem:s5+$0x5190] =	vst v10;
	v6 =	vadd.f32 v6, v9  }
0xe0: {  	v10 =	vld [tilespmem:$0xA1A0]  }
0xe1: {  	v11 =	vmul.f32 $2.000000030e-01, v6;
	_ =	sdelay $0x1  }
0xe2: {  	v6 =	vmax.f32 v6, v11;
	_ =	sdelay $0x1  }
0xe3: {  	v6 =	vmul.f32 v6, v10;
	_ =	sdelay $0x1  }
0xe4: {  	(xrf2) =	vadd.scan.msk.f32 $0xffff, v6;
	_ =	sdelay $0x9  }
0xe5: {  	v6, _, _ =	vpop (xrf2)  }
0xe6: {  	v6 =	vmul.f32 $1.442695020e+00, v6;
	_ =	sdelay $0x1  }
0xe7: {  	v6 =	vbroadcast v6, $0xF;
	_ =	sdelay $0x1  }
0xe8: {  	(erf) = vpow2.f32 v6;
	_ =	sdelay $0x6  }
0xe9: {  	v10 =	vld [tilespmem:s5+$0x1B0];
	_ =	sdelay $0x1  }
0xea: {  	v6 =	vpop (erf)  }
0xeb: {  	v9 =	vmul.f32 v6, v9;
	_ =	sdelay $0x1  }
0xec: {  	[tilespmem:s5+$0x51A0] =	vst v9;
	v8 =	vadd.f32 v8, v10  }
0xed: {  	v9 =	vld [tilespmem:$0xA1B0]  }
0xee: {  	v11 =	vmul.f32 $2.000000030e-01, v8;
	_ =	sdelay $0x1  }
0xef: {  	v8 =	vmax.f32 v8, v11;
	_ =	sdelay $0x1  }
0xf0: {  	v8 =	vmul.f32 v8, v9;
	_ =	sdelay $0x1  }
0xf1: {  	(xrf2) =	vadd.scan.msk.f32 $0xffff, v8;
	_ =	sdelay $0x9  }
0xf2: {  	v8, _, _ =	vpop (xrf2)  }
0xf3: {  	v8 =	vmul.f32 $1.442695020e+00, v8;
	_ =	sdelay $0x1  }
0xf4: {  	v8 =	vbroadcast v8, $0xF;
	_ =	sdelay $0x1  }
0xf5: {  	(erf) = vpow2.f32 v8;
	_ =	sdelay $0x6  }
0xf6: {  	v9 =	vld [tilespmem:s5+$0x1C0];
	_ =	sdelay $0x1  }
0xf7: {  	v8 =	vpop (erf)  }
0xf8: {  	v10 =	vmul.f32 v8, v10;
	_ =	sdelay $0x1  }
0xf9: {  	[tilespmem:s5+$0x51B0] =	vst v10;
	v7 =	vadd.f32 v7, v9  }
0xfa: {  	v10 =	vld [tilespmem:$0xA1C0]  }
0xfb: {  	v11 =	vmul.f32 $2.000000030e-01, v7;
	_ =	sdelay $0x1  }
0xfc: {  	v7 =	vmax.f32 v7, v11;
	_ =	sdelay $0x1  }
0xfd: {  	v7 =	vmul.f32 v7, v10;
	_ =	sdelay $0x1  }
0xfe: {  	(xrf2) =	vadd.scan.msk.f32 $0xffff, v7;
	_ =	sdelay $0x9  }
0xff: {  	v7, _, _ =	vpop (xrf2)  }
0x100: {  	v7 =	vmul.f32 $1.442695020e+00, v7;
	_ =	sdelay $0x1  }
0x101: {  	v7 =	vbroadcast v7, $0xF;
	_ =	sdelay $0x1  }
0x102: {  	(erf) = vpow2.f32 v7;
	_ =	sdelay $0x6  }
0x103: {  	v10 =	vld [tilespmem:s5+$0x1D0];
	_ =	sdelay $0x1  }
0x104: {  	v7 =	vpop (erf)  }
0x105: {  	v9 =	vmul.f32 v7, v9;
	_ =	sdelay $0x1  }
0x106: {  	[tilespmem:s5+$0x51C0] =	vst v9;
	v5 =	vadd.f32 v5, v10  }
0x107: {  	v9 =	vld [tilespmem:$0xA1D0]  }
0x108: {  	v11 =	vmul.f32 $2.000000030e-01, v5;
	_ =	sdelay $0x1  }
0x109: {  	v5 =	vmax.f32 v5, v11;
	_ =	sdelay $0x1  }
0x10a: {  	v5 =	vmul.f32 v5, v9;
	_ =	sdelay $0x1  }
0x10b: {  	(xrf2) =	vadd.scan.msk.f32 $0xffff, v5;
	_ =	sdelay $0x9  }
0x10c: {  	v5, _, _ =	vpop (xrf2)  }
0x10d: {  	v5 =	vmul.f32 $1.442695020e+00, v5;
	_ =	sdelay $0x1  }
0x10e: {  	v5 =	vbroadcast v5, $0xF;
	_ =	sdelay $0x1  }
0x10f: {  	(erf) = vpow2.f32 v5;
	_ =	sdelay $0x6  }
0x110: {  	v5 =	vld [tilespmem:s5+$0x1E0];
	_ =	sdelay $0x1  }
0x111: {  	v9 =	vpop (erf)  }
0x112: {  	v10 =	vmul.f32 v9, v10;
	_ =	sdelay $0x1  }
0x113: {  	[tilespmem:s5+$0x51D0] =	vst v10;
	v3 =	vadd.f32 v3, v5  }
0x114: {  	v10 =	vld [tilespmem:$0xA1E0]  }
0x115: {  	v11 =	vmul.f32 $2.000000030e-01, v3;
	_ =	sdelay $0x1  }
0x116: {  	v3 =	vmax.f32 v3, v11;
	_ =	sdelay $0x1  }
0x117: {  	v3 =	vmul.f32 v3, v10;
	_ =	sdelay $0x1  }
0x118: {  	(xrf2) =	vadd.scan.msk.f32 $0xffff, v3;
	_ =	sdelay $0x9  }
0x119: {  	v3, _, _ =	vpop (xrf2)  }
0x11a: {  	v3 =	vmul.f32 $1.442695020e+00, v3;
	_ =	sdelay $0x1  }
0x11b: {  	v3 =	vbroadcast v3, $0xF;
	_ =	sdelay $0x1  }
0x11c: {  	(erf) = vpow2.f32 v3;
	_ =	sdelay $0x6  }
0x11d: {  	v3 =	vld [tilespmem:s5+$0x1F0];
	_ =	sdelay $0x1  }
0x11e: {  	v10 =	vpop (erf)  }
0x11f: {  	v5 =	vmul.f32 v10, v5;
	_ =	sdelay $0x1  }
0x120: {  	[tilespmem:s5+$0x51E0] =	vst v5;
	v1 =	vadd.f32 v1, v3  }
0x121: {  	v5 =	vld [tilespmem:$0xA1F0]  }
0x122: {  	v11 =	vmul.f32 $2.000000030e-01, v1;
	_ =	sdelay $0x1  }
0x123: {  	v1 =	vmax.f32 v1, v11;
	_ =	sdelay $0x1  }
0x124: {  	v1 =	vmul.f32 v1, v5;
	_ =	sdelay $0x1  }
0x125: {  	(xrf2) =	vadd.scan.msk.f32 $0xffff, v1;
	_ =	sdelay $0x9  }
0x126: {  	v1, _, _ =	vpop (xrf2)  }
0x127: {  	v1 =	vmul.f32 $1.442695020e+00, v1;
	_ =	sdelay $0x1  }
0x128: {  	v1 =	vbroadcast v1, $0xF;
	_ =	sdelay $0x1  }
0x129: {  	(erf) = vpow2.f32 v1;
	_ =	sdelay $0x2  }
0x12a: {  	v1 =	vnsel vm0, $0x0, v2  }
0x12b: {  	v1 =	vsel vm1, v1, v4  }
0x12c: {  	v1 =	vsel vm2, v1, v6  }
.Ltmp2:
0x12d: {  	s13 =	sshra.s32 s12, $0x2;
	v1 =	vsel vm3, v1, v8;
	(pc) =	sbr.rel @p1 .LBB2_7-.Ltmp2, $4  }
0x12e: {  	v2 =	vsel vm4, v1, v7;
	v4 =	vld [tilespmem:s13+$0x180]  }
0x12f: {  	v2 =	vsel vm5, v2, v9;
	v1 =	vld [tilespmem:s13+$0x2980]  }
0x130: {  	v5 =	vsel vm6, v2, v10;
	v9 =	vld [tilespmem:s13+$0x2990];
	v7 =	vpop (erf)  }
0x131: {  	v6 =	vld [tilespmem:s13+$0x29A0];
	v2 =	vmul.f32 v7, v3;
	v3 =	vsel vm7, v5, v7  }
0x132: {  	v5 =	vld [tilespmem:s13+$0x29B0];
	[tilespmem:s5+$0x7980] =	vst v3  }
0x133: {  	v3 =	vld [tilespmem:s13+$0x29C0];
	[tilespmem:s5+$0x51F0] =	vst v2  }
0x134: {  	v1 =	vadd.f32 v1, v4;
	v2 =	vld [tilespmem:$0xA180];
	_ =	sdelay $0x1  }
0x135: {  	v7 =	vmul.f32 $2.000000030e-01, v1;
	_ =	sdelay $0x1  }
0x136: {  	v1 =	vmax.f32 v1, v7  }
0x137: {  	v1 =	vmul.f32 v1, v2;
	_ =	sdelay $0x1  }
0x138: {  	(xrf2) =	vadd.scan.msk.f32 $0xffff, v1;
	_ =	sdelay $0x9  }
0x139: {  	v1, _, _ =	vpop (xrf2)  }
0x13a: {  	v1 =	vmul.f32 $1.442695020e+00, v1;
	_ =	sdelay $0x1  }
0x13b: {  	v1 =	vbroadcast v1, $0xF;
	_ =	sdelay $0x1  }
0x13c: {  	(erf) = vpow2.f32 v1;
	_ =	sdelay $0x7  }
0x13d: {  	v1 =	vld [tilespmem:s13+$0x190]  }
0x13e: {  	v40 =	vpop (erf)  }
0x13f: {  	v41 =	vmul.f32 v40, v4;
	_ =	sdelay $0x1  }
0x140: {  	[tilespmem:s13+$0x5180] =	vst v41  }
0x141: {  	v42 =	vadd.f32 v9, v1;
	v43 =	vld [tilespmem:$0xA190];
	_ =	sdelay $0x1  }
0x142: {  	v11 =	vmul.f32 $2.000000030e-01, v42;
	_ =	sdelay $0x1  }
0x143: {  	v4 =	vmax.f32 v42, v11  }
0x144: {  	v4 =	vmul.f32 v4, v43;
	_ =	sdelay $0x1  }
0x145: {  	(xrf2) =	vadd.scan.msk.f32 $0xffff, v4;
	_ =	sdelay $0x9  }
0x146: {  	v4, _, _ =	vpop (xrf2)  }
0x147: {  	v4 =	vmul.f32 $1.442695020e+00, v4;
	_ =	sdelay $0x1  }
0x148: {  	v4 =	vbroadcast v4, $0xF;
	_ =	sdelay $0x1  }
0x149: {  	(erf) = vpow2.f32 v4;
	_ =	sdelay $0x7  }
0x14a: {  	v44 =	vld [tilespmem:s13+$0x1A0]  }
0x14b: {  	v45 =	vpop (erf)  }
0x14c: {  	v1 =	vmul.f32 v45, v1;
	_ =	sdelay $0x1  }
0x14d: {  	[tilespmem:s13+$0x5190] =	vst v1  }
0x14e: {  	v1 =	vadd.f32 v6, v44;
	v46 =	vld [tilespmem:$0xA1A0];
	_ =	sdelay $0x1  }
0x14f: {  	v47 =	vmul.f32 $2.000000030e-01, v1;
	_ =	sdelay $0x1  }
0x150: {  	v1 =	vmax.f32 v1, v47  }
0x151: {  	v1 =	vmul.f32 v1, v46;
	_ =	sdelay $0x1  }
0x152: {  	(xrf2) =	vadd.scan.msk.f32 $0xffff, v1;
	_ =	sdelay $0x9  }
0x153: {  	v1, _, _ =	vpop (xrf2)  }
0x154: {  	v1 =	vmul.f32 $1.442695020e+00, v1;
	_ =	sdelay $0x1  }
0x155: {  	v1 =	vbroadcast v1, $0xF;
	_ =	sdelay $0x1  }
0x156: {  	(erf) = vpow2.f32 v1;
	_ =	sdelay $0x7  }
0x157: {  	v1 =	vld [tilespmem:s13+$0x1B0]  }
0x158: {  	v48 =	vpop (erf)  }
0x159: {  	v4 =	vmul.f32 v48, v44;
	_ =	sdelay $0x1  }
0x15a: {  	[tilespmem:s13+$0x51A0] =	vst v4  }
0x15b: {  	v49 =	vadd.f32 v5, v1;
	v50 =	vld [tilespmem:$0xA1B0];
	_ =	sdelay $0x1  }
0x15c: {  	v51 =	vmul.f32 $2.000000030e-01, v49;
	_ =	sdelay $0x1  }
0x15d: {  	v4 =	vmax.f32 v49, v51  }
0x15e: {  	v4 =	vmul.f32 v4, v50;
	_ =	sdelay $0x1  }
0x15f: {  	(xrf2) =	vadd.scan.msk.f32 $0xffff, v4;
	_ =	sdelay $0x9  }
0x160: {  	v4, _, _ =	vpop (xrf2)  }
0x161: {  	v4 =	vmul.f32 $1.442695020e+00, v4;
	_ =	sdelay $0x1  }
0x162: {  	v4 =	vbroadcast v4, $0xF;
	_ =	sdelay $0x1  }
0x163: {  	(erf) = vpow2.f32 v4;
	_ =	sdelay $0x7  }
0x164: {  	v52 =	vld [tilespmem:s13+$0x1C0]  }
0x165: {  	v53 =	vpop (erf)  }
0x166: {  	v1 =	vmul.f32 v53, v1;
	_ =	sdelay $0x1  }
0x167: {  	[tilespmem:s13+$0x51B0] =	vst v1  }
0x168: {  	v1 =	vadd.f32 v3, v52;
	v3 =	vld [tilespmem:$0xA1C0];
	_ =	sdelay $0x1  }
0x169: {  	v54 =	vmul.f32 $2.000000030e-01, v1;
	_ =	sdelay $0x1  }
0x16a: {  	v1 =	vmax.f32 v1, v54  }
0x16b: {  	v1 =	vmul.f32 v1, v3;
	_ =	sdelay $0x1  }
0x16c: {  	(xrf2) =	vadd.scan.msk.f32 $0xffff, v1;
	_ =	sdelay $0x9  }
0x16d: {  	v1, _, _ =	vpop (xrf2)  }
0x16e: {  	v1 =	vmul.f32 $1.442695020e+00, v1;
	_ =	sdelay $0x1  }
0x16f: {  	v1 =	vbroadcast v1, $0xF;
	_ =	sdelay $0x1  }
0x170: {  	(erf) = vpow2.f32 v1;
	_ =	sdelay $0x6  }
0x171: {  	v2 =	vld [tilespmem:s13+$0x29D0]  }
0x172: {  	v1 =	vld [tilespmem:s13+$0x1D0]  }
0x173: {  	v3 =	vpop (erf)  }
0x174: {  	v4 =	vmul.f32 v3, v52;
	_ =	sdelay $0x1  }
0x175: {  	[tilespmem:s13+$0x51C0] =	vst v4  }
0x176: {  	v2 =	vadd.f32 v2, v1;
	v4 =	vld [tilespmem:$0xA1D0];
	_ =	sdelay $0x1  }
0x177: {  	v55 =	vmul.f32 $2.000000030e-01, v2;
	_ =	sdelay $0x1  }
0x178: {  	v2 =	vmax.f32 v2, v55  }
0x179: {  	v2 =	vmul.f32 v2, v4;
	_ =	sdelay $0x1  }
0x17a: {  	(xrf2) =	vadd.scan.msk.f32 $0xffff, v2;
	_ =	sdelay $0x9  }
0x17b: {  	v2, _, _ =	vpop (xrf2)  }
0x17c: {  	v2 =	vmul.f32 $1.442695020e+00, v2;
	_ =	sdelay $0x1  }
0x17d: {  	v2 =	vbroadcast v2, $0xF;
	_ =	sdelay $0x1  }
0x17e: {  	(erf) = vpow2.f32 v2;
	_ =	sdelay $0x6  }
0x17f: {  	v8 =	vld [tilespmem:s13+$0x29E0]  }
0x180: {  	v2 =	vld [tilespmem:s13+$0x1E0]  }
0x181: {  	v56 =	vpop (erf)  }
0x182: {  	v1 =	vmul.f32 v56, v1;
	_ =	sdelay $0x1  }
0x183: {  	[tilespmem:s13+$0x51D0] =	vst v1  }
0x184: {  	v1 =	vadd.f32 v8, v2;
	v57 =	vld [tilespmem:$0xA1E0];
	_ =	sdelay $0x1  }
0x185: {  	v58 =	vmul.f32 $2.000000030e-01, v1;
	_ =	sdelay $0x1  }
0x186: {  	v1 =	vmax.f32 v1, v58  }
0x187: {  	v1 =	vmul.f32 v1, v57;
	_ =	sdelay $0x1  }
0x188: {  	(xrf2) =	vadd.scan.msk.f32 $0xffff, v1;
	_ =	sdelay $0x9  }
0x189: {  	v1, _, _ =	vpop (xrf2)  }
0x18a: {  	v1 =	vmul.f32 $1.442695020e+00, v1;
	_ =	sdelay $0x1  }
0x18b: {  	v1 =	vbroadcast v1, $0xF;
	_ =	sdelay $0x1  }
0x18c: {  	(erf) = vpow2.f32 v1;
	_ =	sdelay $0x6  }
0x18d: {  	v10 =	vld [tilespmem:s13+$0x29F0]  }
0x18e: {  	v1 =	vld [tilespmem:s13+$0x1F0]  }
0x18f: {  	v59 =	vpop (erf)  }
0x190: {  	v2 =	vmul.f32 v59, v2;
	_ =	sdelay $0x1  }
0x191: {  	[tilespmem:s13+$0x51E0] =	vst v2  }
0x192: {  	v2 =	vadd.f32 v10, v1;
	v60 =	vld [tilespmem:$0xA1F0];
	_ =	sdelay $0x1  }
0x193: {  	v61 =	vmul.f32 $2.000000030e-01, v2;
	_ =	sdelay $0x1  }
0x194: {  	v2 =	vmax.f32 v2, v61  }
0x195: {  	v2 =	vmul.f32 v2, v60;
	_ =	sdelay $0x1  }
0x196: {  	(xrf2) =	vadd.scan.msk.f32 $0xffff, v2;
	_ =	sdelay $0x9  }
0x197: {  	v2, _, _ =	vpop (xrf2)  }
0x198: {  	v2 =	vmul.f32 $1.442695020e+00, v2;
	_ =	sdelay $0x1  }
0x199: {  	v2 =	vbroadcast v2, $0xF;
	_ =	sdelay $0x1  }
0x19a: {  	(erf) = vpow2.f32 v2;
	_ =	sdelay $0x2  }
0x19b: {  	v2 =	vnsel vm0, $0x0, v40  }
0x19c: {  	v2 =	vsel vm1, v2, v45  }
0x19d: {  	v2 =	vsel vm2, v2, v48  }
0x19e: {  	v2 =	vsel vm3, v2, v53  }
0x19f: {  	v2 =	vsel vm4, v2, v3  }
0x1a0: {  	v2 =	vsel vm5, v2, v56  }
0x1a1: {  	v2 =	vsel vm6, v2, v59;
	v3 =	vpop (erf)  }
0x1a2: {  	v1 =	vmul.f32 v3, v1;
	v2 =	vsel vm7, v2, v3  }
0x1a3: {  	[tilespmem:s13+$0x7980] =	vst v2  }
0x1a4: {  	[tilespmem:s13+$0x51F0] =	vst v1  }
0x1a5: {  	v1 =	vld [tilespmem:$0x80]  }
0x1a6: {  	v2 =	vld [tilespmem:$0x90]  }
0x1a7: {  	v3 =	vld [tilespmem:$0xA0]  }
0x1a8: {  	v62 =	vld [tilespmem:$0xB0]  }
0x1a9: {  	v63 =	vld [tilespmem:$0xC0]  }
0x1aa: {  	[tilespmem:$0x100] =	vst v1  }
0x1ab: {  	s0 =	sadd.s32 $0x1, s0;
	[tilespmem:$0x110] =	vst v2  }
0x1ac: {  	p1 =	sne.s32 s0, $0x7D;
	[tilespmem:$0x120] =	vst v3  }
.Ltmp3:
0x1ad: {  	[tilespmem:$0x130] =	vst v62;
	(pc) =	sbr.rel @p1 .LBB2_6-.Ltmp3, $4  }
0x1ae: {  	s15 =	smul.u32 $0x500, s15;
	[tilespmem:$0x140] =	vst v63  }
0x1af: {  	[spmem:s2] =	stream.indirect.scatter.add.f32 [tilespmem:s26], [sflag:$0x3], $0x80, s24, s19, $0xb8;
	[tilespmem:$0x1E280] =	vst v63  }
0x1b0: {  	s5 =	sadd.s32 s9, s15  }
0x1b1: {  	[hbm4b:s5+s3] =	stream.linear.scatter [tilespmem:s28], [sflag:$0x4], $0x2800, $0x38;
	[tilespmem:$0x1E280] =	vst v63  }
0x1b2: {  	_ =	swait.ge [sflag:s29], $0x2800  }
0x1b3: {  	[sflag:s29] =	ssyncset.done $0x0  }
0x1b4: {  	[sflag:s29] =	ssyncadd.s32 $0xFFFFD800  }
0x1b5: {  	_ =	swait.ge [sflag:s30], $0x2800  }
0x1b6: {  	[sflag:s30] =	ssyncset.done $0x0  }
0x1b7: {  	s0 =	stileid.u32;
	[sflag:s30] =	ssyncadd.s32 $0xFFFFD800  }
0x1b8: {  	s0 =	sshll.u32 s0, $0x6;
	[bflag:$0x0] =	sbarrier.arrive $0xFFFF  }
0x1b9: {  	s5 =	sshrl.u32 s10, $0x3;
	s0 =	sor.u32 $0x1C05, s0;
	s8 =	rddreg [dreg:$0x5]  }
0x1ba: {  	[hbm:s8], [sflag:s0] =	dma.local [spmem:s5], $0x2700  }
0x1bb: {  	_ =	swait.ge [sflag:s16], $0x2700  }
0x1bc: {  	s31 =	sadd.s32 $0x1, s31;
	[sflag:s16] =	ssyncset.done $0x0  }
0x1bd: {  	p1 =	sne.s32 s31, s14;
	s5 =	rddreg [dreg:$0x6];
	[sflag:s16] =	ssyncadd.s32 $0xFFFFD900  }
0x1be: {  	[hbm:s5], [sflag:s0] =	dma.local @!p0 [spmem:s25], $0x100  }
.Ltmp4:
0x1bf: {  	_ = 	snop;
	(pc) =	sbr.rel @p1 .LBB2_1-.Ltmp4, $4  }
0x1c0: {  	s0 =	simm.s32 @!p0 $0x5  }
0x1c1: {  	_ =	swait.ge @!p0 [sflag:s0], $0x100  }
0x1c2: {  	[sflag:s0] =	ssyncset.done @!p0 $0x0  }
0x1c3: {  	[sflag:s0] =	ssyncadd.s32 @!p0 $0xFFFFFF00  }
0x1c4: {  	_ =	sfence.sel $0x180000  }
0x1c5: {  	[bflag:$0x0] =	sbarrier.arrive $0xFFFF  }
0x1c6: {  	_ =	strace $0x90000047  }
0x1c7: {  	s0 =	stileid.u32;
	[bflag:$0x2] =	sbarrier.arrive $0xFFFF  }
0x1c8: {  	p0 =	sne.s32 s0, $0x0;
	s0 =	rddreg [dreg:$0x3]  }
0x1c9: {  	s0 =	sadd.s32 @!p0 $0x100000, s0  }
0x1ca: {  	[sflag:s0] =	ssyncadd.tile.s32 @!p0 $0x1;
	_ =	shalt  }
.Lfunc_end2:
_tile_overlayer_lowered:
.L_overlay_start_2:
0x1cb: {  	(tag) =	ssettag $0x2  }
0x1cc: {  	s0 =	rddreg [dreg:$0x0];
	s2 =	stileid.u32  }
0x1cd: {  	s1 =	rddreg [dreg:$0x1];
	p0 =	sne.s32 s2, $0x0  }
0x1ce: {  	s3 =	rddreg [dreg:$0x2];
	[bflag:$0x3] =	sbarrier.arrive $0xFFFF;
	s2 =	simm.s32 @!p0 $0x1C05  }
0x1cf: {  	[timem:s3], [sflag:s2] =	dma.local @!p0 [hbm:s0], s1  }
0x1d0: {  	s0 =	simm.s32 @!p0 $0x5  }
0x1d1: {  	_ =	swait.ge @!p0 [sflag:s0], s1  }
0x1d2: {  	s1 =	ssub.s32 @!p0 $0x0, s1;
	[sflag:s0] =	ssyncset.done @!p0 $0x0  }
0x1d3: {  	[sflag:s0] =	ssyncadd.s32 @!p0 s1  }
0x1d4: {  	[bflag:$0x3] =	sbarrier.arrive $0xFFFF  }
0x1d5: {  	_ =	shalt  }

</sc_bundles>
